<compile_context>
chip_gen: v7x
topology: tpu7x:2x2x1
jax: 0.10.2.dev20260603
libtpu: 0.0.44.dev20260713+nightly
codegen_flags: <defaults>
</compile_context>

<pallas_src>
import functools

import jax
import jax.numpy as jnp
from jax import lax
from jax.experimental import pallas as pl
from jax.experimental.pallas import tpu as pltpu
from jax.experimental.pallas import tpu_sc as plsc

N_NODES = 10000
N_EDGES = 320000
D_FEAT = 128
D_HIDDEN = 128
N_CLASSES = 64
ALPHA = 0.25
PADW = 128

NC = 2
NS = 16
NW = NC * NS
EPW = N_EDGES // NW
CHUNK = 80
NITER = EPW // CHUNK
ZSLAB = 624
ZTAIL = N_NODES - NS * ZSLAB

_mesh = plsc.VectorSubcoreMesh(core_axis_name="c", subcore_axis_name="s")


def _rowwise_copy(src, dst, sid):
    base = pl.multiple_of(sid * ZSLAB, 8)
    pltpu.sync_copy(src.at[pl.ds(base, ZSLAB)], dst.at[pl.ds(base, ZSLAB)])

    @pl.when(sid == 0)
    def _():
        pltpu.sync_copy(src.at[pl.ds(NS * ZSLAB, ZTAIL)],
                        dst.at[pl.ds(NS * ZSLAB, ZTAIL)])



NBUF = 4
GLOOK = 3
_NMAIN = (NITER - NBUF) // NBUF


@functools.partial(
    pl.kernel,
    mesh=_mesh,
    out_type=jax.ShapeDtypeStruct((NC, N_NODES, PADW), jnp.float32),
    scratch_types=(
        [pltpu.VMEM((CHUNK,), jnp.int32)] * (2 * NBUF)
        + [pltpu.VMEM((CHUNK, PADW), jnp.float32)] * NBUF
        + [pltpu.VMEM_SHARED((N_NODES, PADW), jnp.float32)]
        + [pltpu.SemaphoreType.DMA] * (4 * NBUF)
    ),
)
def _sc_propagate(logits_hbm, rows_hbm, cols_hbm, zeros_hbm, out_hbm,
                  *scr):
    cbuf = scr[0:NBUF]
    rbuf = scr[NBUF:2 * NBUF]
    gbuf = scr[2 * NBUF:3 * NBUF]
    acc_sh = scr[3 * NBUF]
    semc = scr[3 * NBUF + 1:4 * NBUF + 1]
    semr = scr[4 * NBUF + 1:5 * NBUF + 1]
    semg = scr[5 * NBUF + 1:6 * NBUF + 1]
    sems = scr[6 * NBUF + 1:7 * NBUF + 1]
    cid = lax.axis_index("c")
    sid = lax.axis_index("s")
    wid = cid * NS + sid

    def ebase(k):
        return pl.multiple_of(wid * EPW + k * CHUNK, 8)

    def cols_copy(k, b):
        return pltpu.make_async_copy(
            cols_hbm.at[pl.ds(ebase(k), CHUNK)], cbuf[b], semc[b])

    def rows_copy(k, b):
        return pltpu.make_async_copy(
            rows_hbm.at[pl.ds(ebase(k), CHUNK)], rbuf[b], semr[b])

    def gath_copy(b):
        return pltpu.make_async_copy(
            logits_hbm.at[cbuf[b]], gbuf[b], semg[b])

    def scat_start(b):
        pltpu.async_copy(gbuf[b], acc_sh.at[rbuf[b]], sems[b], add=True)

    def scat_wait(b):
        pltpu.make_async_copy(gbuf[b], acc_sh.at[rbuf[b]], sems[b]).wait()

    for b in range(NBUF):
        cols_copy(b, b).start()
        rows_copy(b, b).start()
    _rowwise_copy(zeros_hbm, acc_sh, sid)
    plsc.subcore_barrier()
    for b in range(GLOOK):
        cols_copy(b, b).wait()
        gath_copy(b).start()

    def body(k, b, has_prev, nxt_idx, nxt_gather):
        gath_copy(b).wait()
        if has_prev:
            bp = (b - 1) % NBUF
            scat_wait(bp)
            if nxt_idx:
                cols_copy(k - 1 + NBUF, bp).start()
                rows_copy(k - 1 + NBUF, bp).start()
        if nxt_gather:
            b2 = (b + GLOOK) % NBUF
            cols_copy(k + GLOOK, b2).wait()
            gath_copy(b2).start()
        rows_copy(k, b).wait()
        scat_start(b)

    for k in range(NBUF):
        body(k, k, k > 0, True, True)

    @pl.loop(1, _NMAIN)
    def _(gi):
        for b in range(NBUF):
            body(NBUF * gi + b, b, True, True, True)

    for k in range(NBUF * _NMAIN, NITER):
        body(k, k % NBUF, True, k - 1 + NBUF < NITER, k + GLOOK < NITER)

    scat_wait((NITER - 1) % NBUF)
    plsc.subcore_barrier()
    _rowwise_copy(acc_sh, out_hbm.at[cid], sid)



_BLK = 1000
_GRID = N_NODES // _BLK


def _mlp_body(x_ref, w1_ref, w2_ref, o_ref):
    h = jnp.dot(x_ref[...], w1_ref[...],
                preferred_element_type=jnp.float32,
                precision=lax.Precision.HIGHEST)
    h = jnp.maximum(h, 0.0)
    logits = jnp.dot(h, w2_ref[...],
                     preferred_element_type=jnp.float32,
                     precision=lax.Precision.HIGHEST)
    lane = lax.broadcasted_iota(jnp.int32, (_BLK, PADW - N_CLASSES), 1)
    pad = jnp.where(lane == 0, 1.0, 0.0)
    o_ref[...] = jnp.concatenate([logits, pad], axis=1)


def _tc_mlp(x, W1, W2):
    return pl.pallas_call(
        _mlp_body,
        grid=(_GRID,),
        in_specs=[
            pl.BlockSpec((_BLK, D_FEAT), lambda i: (i, 0)),
            pl.BlockSpec((D_FEAT, D_HIDDEN), lambda i: (0, 0)),
            pl.BlockSpec((D_HIDDEN, N_CLASSES), lambda i: (0, 0)),
        ],
        out_specs=pl.BlockSpec((_BLK, PADW), lambda i: (i, 0)),
        out_shape=jax.ShapeDtypeStruct((N_NODES, PADW), jnp.float32),
    )(x, W1, W2)


def _combine_body(last, mp_ref, dp_ref, ll_ref, o_ref):
    msg = mp_ref[0, :, :N_CLASSES] + mp_ref[1, :, :N_CLASSES]
    deg = dp_ref[0, :, N_CLASSES:N_CLASSES + 1] + dp_ref[1, :, N_CLASSES:N_CLASSES + 1]
    coef = (1.0 - ALPHA) / jnp.maximum(deg, 1e-12)
    logits = coef * msg + ALPHA * ll_ref[:, :N_CLASSES]
    if last:
        mx = jnp.max(logits, axis=1, keepdims=True)
        lse = jnp.log(jnp.sum(jnp.exp(logits - mx), axis=1, keepdims=True)) + mx
        o_ref[...] = logits - lse
    else:
        lane = lax.broadcasted_iota(jnp.int32, (_BLK, PADW - N_CLASSES), 1)
        pad = jnp.where(lane == 0, 1.0, 0.0)
        o_ref[...] = jnp.concatenate([logits, pad], axis=1)


def _tc_combine(msg_part, deg_part, local_logits, last):
    ow = N_CLASSES if last else PADW
    return pl.pallas_call(
        functools.partial(_combine_body, last),
        grid=(_GRID,),
        in_specs=[
            pl.BlockSpec((NC, _BLK, PADW), lambda i: (0, i, 0)),
            pl.BlockSpec((NC, _BLK, PADW), lambda i: (0, i, 0)),
            pl.BlockSpec((_BLK, PADW), lambda i: (i, 0)),
        ],
        out_specs=pl.BlockSpec((_BLK, ow), lambda i: (i, 0)),
        out_shape=jax.ShapeDtypeStruct((N_NODES, ow), jnp.float32),
    )(msg_part, deg_part, local_logits)



def kernel(x, edge_index, W1, W2):
    zpad = jnp.zeros((N_NODES, PADW), jnp.float32)

    rows = edge_index[0]
    cols = edge_index[1]
    local_logits = _tc_mlp(x, W1, W2)
    msg1 = _sc_propagate(local_logits, rows, cols, zpad)
    logits1 = _tc_combine(msg1, msg1, local_logits, last=False)
    msg2 = _sc_propagate(logits1, rows, cols, zpad)
    return _tc_combine(msg2, msg1, local_logits, last=True)

# --- scband reference (transcript-rebuilt; emitter-appended) ---
"""Pipeline reference for scband-dpar-90615220011749 (READ-ONLY COPY).

The authoritative reference and input builder live on the scoring server;
editing this copy changes nothing except your own understanding.
"""

import jax, jax.numpy as jnp
import numpy as np

N_NODES = 10000
N_EDGES = 320000
D_FEAT = 128
D_HIDDEN = 128
N_CLASSES = 64
ALPHA = 0.25


def setup_inputs(seed: int = 0) -> dict:
    key = jax.random.key(seed)
    k1, k2, k3, k4 = jax.random.split(key, 4)
    x = jax.random.normal(k1, (N_NODES, D_FEAT), dtype=jnp.float32)
    edge_index = jax.random.randint(k2, (2, N_EDGES), 0, N_NODES, dtype=jnp.int32)
    W1 = jax.random.normal(k3, (D_FEAT, D_HIDDEN), dtype=jnp.float32) * (1.0 / np.sqrt(D_FEAT))
    W2 = jax.random.normal(k4, (D_HIDDEN, N_CLASSES), dtype=jnp.float32) * (1.0 / np.sqrt(D_HIDDEN))
    return {"x": x, "edge_index": edge_index, "W1": W1, "W2": W2}


def reference(x, edge_index, W1, W2):
    n = x.shape[0]
    rows = edge_index[0]
    cols = edge_index[1]
    # hidden_1 = relu(X @ W1); local_logits = hidden_1 @ W2
    hidden_1 = jax.nn.relu(jnp.dot(x, W1))
    local_logits = jnp.dot(hidden_1, W2)
    # deg_row = adj.sum(1) : row degree of sparse adjacency
    deg_row = jax.ops.segment_sum(jnp.ones((rows.shape[0],), dtype=x.dtype), rows, num_segments=n)
    coef = (1.0 - ALPHA) / jnp.maximum(deg_row, 1e-12)
    logits = local_logits
    for _ in range(2):
        # adj @ logits : gather along cols, scatter-add into rows
        gathered = jnp.take(logits, cols, axis=0)
        msg = jax.ops.segment_sum(gathered, rows, num_segments=n)
        logits = coef[:, None] * msg + ALPHA * local_logits
    return jax.nn.log_softmax(logits, axis=1)

if __name__ == "__main__":
    import jax
    _d = setup_inputs()
    print(jax.jit(kernel)(*tuple(_d.values())))

</pallas_src>

<mosaic_0001>
#map = affine_map<(d0, d1) -> (0, 0)>
#map1 = affine_map<(d0, d1) -> (0)>
#map2 = affine_map<(d0, d1) -> (0, 0, 0)>
module attributes {stable_mosaic.version = 14 : i64} {
  func.func @_sc_propagate(%arg0: i32, %arg1: i32, %arg2: memref<10000x128xf32, #tpu.memory_space<hbm>>, %arg3: memref<320000xi32, #tpu.memory_space<hbm>>, %arg4: memref<320000xi32, #tpu.memory_space<hbm>>, %arg5: memref<10000x128xf32, #tpu.memory_space<hbm>>, %arg6: memref<2x10000x128xf32, #tpu.memory_space<hbm>>, %arg7: memref<80xi32, #tpu.memory_space<vmem>>, %arg8: memref<80xi32, #tpu.memory_space<vmem>>, %arg9: memref<80xi32, #tpu.memory_space<vmem>>, %arg10: memref<80xi32, #tpu.memory_space<vmem>>, %arg11: memref<80xi32, #tpu.memory_space<vmem>>, %arg12: memref<80xi32, #tpu.memory_space<vmem>>, %arg13: memref<80xi32, #tpu.memory_space<vmem>>, %arg14: memref<80xi32, #tpu.memory_space<vmem>>, %arg15: memref<80x128xf32, #tpu.memory_space<vmem>>, %arg16: memref<80x128xf32, #tpu.memory_space<vmem>>, %arg17: memref<80x128xf32, #tpu.memory_space<vmem>>, %arg18: memref<80x128xf32, #tpu.memory_space<vmem>>, %arg19: memref<10000x128xf32, #tpu.memory_space<vmem_shared>>, %arg20: memref<!tpu.dma_semaphore, #tpu.memory_space<semaphore_mem>>, %arg21: memref<!tpu.dma_semaphore, #tpu.memory_space<semaphore_mem>>, %arg22: memref<!tpu.dma_semaphore, #tpu.memory_space<semaphore_mem>>, %arg23: memref<!tpu.dma_semaphore, #tpu.memory_space<semaphore_mem>>, %arg24: memref<!tpu.dma_semaphore, #tpu.memory_space<semaphore_mem>>, %arg25: memref<!tpu.dma_semaphore, #tpu.memory_space<semaphore_mem>>, %arg26: memref<!tpu.dma_semaphore, #tpu.memory_space<semaphore_mem>>, %arg27: memref<!tpu.dma_semaphore, #tpu.memory_space<semaphore_mem>>, %arg28: memref<!tpu.dma_semaphore, #tpu.memory_space<semaphore_mem>>, %arg29: memref<!tpu.dma_semaphore, #tpu.memory_space<semaphore_mem>>, %arg30: memref<!tpu.dma_semaphore, #tpu.memory_space<semaphore_mem>>, %arg31: memref<!tpu.dma_semaphore, #tpu.memory_space<semaphore_mem>>, %arg32: memref<!tpu.dma_semaphore, #tpu.memory_space<semaphore_mem>>, %arg33: memref<!tpu.dma_semaphore, #tpu.memory_space<semaphore_mem>>, %arg34: memref<!tpu.dma_semaphore, #tpu.memory_space<semaphore_mem>>, %arg35: memref<!tpu.dma_semaphore, #tpu.memory_space<semaphore_mem>>) attributes {dimension_semantics = [#tpu.dimension_semantics<core_parallel>, #tpu.dimension_semantics<subcore_parallel>], iteration_bounds = array<i64: 2, 16>, scalar_prefetch = 0 : i64, scratch_operands = 29 : i64, tpu.core_type = #tpu.core_type<sc_vector_subcore>, window_params = [{transform_indices = #map}, {transform_indices = #map1}, {transform_indices = #map1}, {transform_indices = #map}, {transform_indices = #map2}]} {
    %mul3A = arith.constant 16 : i32
    %mul3A_0 = arith.muli %arg0, %mul3A : i32
    %add3A = arith.addi %mul3A_0, %arg1 : i32
    %mul3A_1 = arith.constant 10000 : i32
    %mul3A_2 = arith.muli %add3A, %mul3A_1 : i32
    %add3A_3 = arith.constant 0 : i32
    %add3A_4 = arith.addi %mul3A_2, %add3A_3 : i32
    %multiple_of3A = tpu.assume_multiple %add3A_4, 8 : i32
    %dma_start3A = tpu.memref_slice %arg4[%multiple_of3A] : memref<320000xi32, #tpu.memory_space<hbm>> -> memref<80xi32, #tpu.memory_space<hbm>>
    %dma_start3A_5 = tpu.memref_slice %arg4[%multiple_of3A] : memref<320000xi32, #tpu.memory_space<hbm>> -> memref<80xi32, #tpu.memory_space<hbm>>
    tpu.enqueue_dma source(%dma_start3A_5 : memref<80xi32, #tpu.memory_space<hbm>>) target(%arg7 : memref<80xi32, #tpu.memory_space<vmem>>) target_semaphore(%arg20 : memref<!tpu.dma_semaphore, #tpu.memory_space<semaphore_mem>>)
    %mul3A_6 = arith.constant 10000 : i32
    %mul3A_7 = arith.muli %add3A, %mul3A_6 : i32
    %add3A_8 = arith.constant 0 : i32
    %add3A_9 = arith.addi %mul3A_7, %add3A_8 : i32
    %multiple_of3A_10 = tpu.assume_multiple %add3A_9, 8 : i32
    %dma_start3A_11 = tpu.memref_slice %arg3[%multiple_of3A_10] : memref<320000xi32, #tpu.memory_space<hbm>> -> memref<80xi32, #tpu.memory_space<hbm>>
    %dma_start3A_12 = tpu.memref_slice %arg3[%multiple_of3A_10] : memref<320000xi32, #tpu.memory_space<hbm>> -> memref<80xi32, #tpu.memory_space<hbm>>
    tpu.enqueue_dma source(%dma_start3A_12 : memref<80xi32, #tpu.memory_space<hbm>>) target(%arg11 : memref<80xi32, #tpu.memory_space<vmem>>) target_semaphore(%arg24 : memref<!tpu.dma_semaphore, #tpu.memory_space<semaphore_mem>>)
    %mul3A_13 = arith.constant 10000 : i32
    %mul3A_14 = arith.muli %add3A, %mul3A_13 : i32
    %add3A_15 = arith.constant 80 : i32
    %add3A_16 = arith.addi %mul3A_14, %add3A_15 : i32
    %multiple_of3A_17 = tpu.assume_multiple %add3A_16, 8 : i32
    %dma_start3A_18 = tpu.memref_slice %arg4[%multiple_of3A_17] : memref<320000xi32, #tpu.memory_space<hbm>> -> memref<80xi32, #tpu.memory_space<hbm>>
    %dma_start3A_19 = tpu.memref_slice %arg4[%multiple_of3A_17] : memref<320000xi32, #tpu.memory_space<hbm>> -> memref<80xi32, #tpu.memory_space<hbm>>
    tpu.enqueue_dma source(%dma_start3A_19 : memref<80xi32, #tpu.memory_space<hbm>>) target(%arg8 : memref<80xi32, #tpu.memory_space<vmem>>) target_semaphore(%arg21 : memref<!tpu.dma_semaphore, #tpu.memory_space<semaphore_mem>>)
    %mul3A_20 = arith.constant 10000 : i32
    %mul3A_21 = arith.muli %add3A, %mul3A_20 : i32
    %add3A_22 = arith.constant 80 : i32
    %add3A_23 = arith.addi %mul3A_21, %add3A_22 : i32
    %multiple_of3A_24 = tpu.assume_multiple %add3A_23, 8 : i32
    %dma_start3A_25 = tpu.memref_slice %arg3[%multiple_of3A_24] : memref<320000xi32, #tpu.memory_space<hbm>> -> memref<80xi32, #tpu.memory_space<hbm>>
    %dma_start3A_26 = tpu.memref_slice %arg3[%multiple_of3A_24] : memref<320000xi32, #tpu.memory_space<hbm>> -> memref<80xi32, #tpu.memory_space<hbm>>
    tpu.enqueue_dma source(%dma_start3A_26 : memref<80xi32, #tpu.memory_space<hbm>>) target(%arg12 : memref<80xi32, #tpu.memory_space<vmem>>) target_semaphore(%arg25 : memref<!tpu.dma_semaphore, #tpu.memory_space<semaphore_mem>>)
    %mul3A_27 = arith.constant 10000 : i32
    %mul3A_28 = arith.muli %add3A, %mul3A_27 : i32
    %add3A_29 = arith.constant 160 : i32
    %add3A_30 = arith.addi %mul3A_28, %add3A_29 : i32
    %multiple_of3A_31 = tpu.assume_multiple %add3A_30, 8 : i32
    %dma_start3A_32 = tpu.memref_slice %arg4[%multiple_of3A_31] : memref<320000xi32, #tpu.memory_space<hbm>> -> memref<80xi32, #tpu.memory_space<hbm>>
    %dma_start3A_33 = tpu.memref_slice %arg4[%multiple_of3A_31] : memref<320000xi32, #tpu.memory_space<hbm>> -> memref<80xi32, #tpu.memory_space<hbm>>
    tpu.enqueue_dma source(%dma_start3A_33 : memref<80xi32, #tpu.memory_space<hbm>>) target(%arg9 : memref<80xi32, #tpu.memory_space<vmem>>) target_semaphore(%arg22 : memref<!tpu.dma_semaphore, #tpu.memory_space<semaphore_mem>>)
    %mul3A_34 = arith.constant 10000 : i32
    %mul3A_35 = arith.muli %add3A, %mul3A_34 : i32
    %add3A_36 = arith.constant 160 : i32
    %add3A_37 = arith.addi %mul3A_35, %add3A_36 : i32
    %multiple_of3A_38 = tpu.assume_multiple %add3A_37, 8 : i32
    %dma_start3A_39 = tpu.memref_slice %arg3[%multiple_of3A_38] : memref<320000xi32, #tpu.memory_space<hbm>> -> memref<80xi32, #tpu.memory_space<hbm>>
    %dma_start3A_40 = tpu.memref_slice %arg3[%multiple_of3A_38] : memref<320000xi32, #tpu.memory_space<hbm>> -> memref<80xi32, #tpu.memory_space<hbm>>
    tpu.enqueue_dma source(%dma_start3A_40 : memref<80xi32, #tpu.memory_space<hbm>>) target(%arg13 : memref<80xi32, #tpu.memory_space<vmem>>) target_semaphore(%arg26 : memref<!tpu.dma_semaphore, #tpu.memory_space<semaphore_mem>>)
    %mul3A_41 = arith.constant 10000 : i32
    %mul3A_42 = arith.muli %add3A, %mul3A_41 : i32
    %add3A_43 = arith.constant 240 : i32
    %add3A_44 = arith.addi %mul3A_42, %add3A_43 : i32
    %multiple_of3A_45 = tpu.assume_multiple %add3A_44, 8 : i32
    %dma_start3A_46 = tpu.memref_slice %arg4[%multiple_of3A_45] : memref<320000xi32, #tpu.memory_space<hbm>> -> memref<80xi32, #tpu.memory_space<hbm>>
    %dma_start3A_47 = tpu.memref_slice %arg4[%multiple_of3A_45] : memref<320000xi32, #tpu.memory_space<hbm>> -> memref<80xi32, #tpu.memory_space<hbm>>
    tpu.enqueue_dma source(%dma_start3A_47 : memref<80xi32, #tpu.memory_space<hbm>>) target(%arg10 : memref<80xi32, #tpu.memory_space<vmem>>) target_semaphore(%arg23 : memref<!tpu.dma_semaphore, #tpu.memory_space<semaphore_mem>>)
    %mul3A_48 = arith.constant 10000 : i32
    %mul3A_49 = arith.muli %add3A, %mul3A_48 : i32
    %add3A_50 = arith.constant 240 : i32
    %add3A_51 = arith.addi %mul3A_49, %add3A_50 : i32
    %multiple_of3A_52 = tpu.assume_multiple %add3A_51, 8 : i32
    %dma_start3A_53 = tpu.memref_slice %arg3[%multiple_of3A_52] : memref<320000xi32, #tpu.memory_space<hbm>> -> memref<80xi32, #tpu.memory_space<hbm>>
    %dma_start3A_54 = tpu.memref_slice %arg3[%multiple_of3A_52] : memref<320000xi32, #tpu.memory_space<hbm>> -> memref<80xi32, #tpu.memory_space<hbm>>
    tpu.enqueue_dma source(%dma_start3A_54 : memref<80xi32, #tpu.memory_space<hbm>>) target(%arg14 : memref<80xi32, #tpu.memory_space<vmem>>) target_semaphore(%arg27 : memref<!tpu.dma_semaphore, #tpu.memory_space<semaphore_mem>>)
    %mul3A_55 = arith.constant 624 : i32
    %mul3A_56 = arith.muli %arg1, %mul3A_55 : i32
    %multiple_of3A_57 = tpu.assume_multiple %mul3A_56, 8 : i32
    "tpu.region"() ({
      %run_scoped3A = tpu.sem_alloc : memref<!tpu.dma_semaphore, #tpu.memory_space<semaphore_mem>>
      %dma_start3A_376 = arith.constant 0 : i32
      %dma_start3A_377 = tpu.memref_slice %arg19[%multiple_of3A_57, %dma_start3A_376] : memref<10000x128xf32, #tpu.memory_space<vmem_shared>> -> memref<624x128xf32, #tpu.memory_space<vmem_shared>>
      %dma_start3A_378 = arith.constant 0 : i32
      %dma_start3A_379 = tpu.memref_slice %arg5[%multiple_of3A_57, %dma_start3A_378] : memref<10000x128xf32, #tpu.memory_space<hbm>> -> memref<624x128xf32, #tpu.memory_space<hbm>>
      tpu.enqueue_dma source(%dma_start3A_379 : memref<624x128xf32, #tpu.memory_space<hbm>>) target(%dma_start3A_377 : memref<624x128xf32, #tpu.memory_space<vmem_shared>>) target_semaphore(%run_scoped3A : memref<!tpu.dma_semaphore, #tpu.memory_space<semaphore_mem>>)
      %dma_wait3A_380 = arith.constant 0 : i32
      %dma_wait3A_381 = tpu.memref_slice %arg19[%multiple_of3A_57, %dma_wait3A_380] : memref<10000x128xf32, #tpu.memory_space<vmem_shared>> -> memref<624x128xf32, #tpu.memory_space<vmem_shared>>
      %dma_wait3A_382 = arith.constant 0 : i32
      %dma_wait3A_383 = tpu.memref_slice %arg5[%multiple_of3A_57, %dma_wait3A_382] : memref<10000x128xf32, #tpu.memory_space<hbm>> -> memref<624x128xf32, #tpu.memory_space<hbm>>
      tpu.wait_dma2 semaphore(%run_scoped3A : memref<!tpu.dma_semaphore, #tpu.memory_space<semaphore_mem>>) src(%dma_wait3A_383 : memref<624x128xf32, #tpu.memory_space<hbm>>) dst(%dma_wait3A_381 : memref<624x128xf32, #tpu.memory_space<vmem_shared>>)
      tpu.yield
    }) : () -> ()
    %eq3A = arith.constant 0 : i32
    %eq3A_58 = arith.cmpi eq, %arg1, %eq3A : i32
    %convert_element_type3A = arith.extui %eq3A_58 : i1 to i32
    %cond3A = arith.constant 0 : i32
    %cond3A_59 = arith.cmpi ne, %convert_element_type3A, %cond3A : i32
    scf.if %cond3A_59 {
      "tpu.region"() ({
        %run_scoped3A = tpu.sem_alloc : memref<!tpu.dma_semaphore, #tpu.memory_space<semaphore_mem>>
        %dma_start3A_376 = arith.constant 9984 : i32
        %dma_start3A_377 = arith.constant 0 : i32
        %dma_start3A_378 = tpu.memref_slice %arg19[%dma_start3A_376, %dma_start3A_377] : memref<10000x128xf32, #tpu.memory_space<vmem_shared>> -> memref<16x128xf32, #tpu.memory_space<vmem_shared>>
        %dma_start3A_379 = arith.constant 9984 : i32
        %dma_start3A_380 = arith.constant 0 : i32
        %dma_start3A_381 = tpu.memref_slice %arg5[%dma_start3A_379, %dma_start3A_380] : memref<10000x128xf32, #tpu.memory_space<hbm>> -> memref<16x128xf32, #tpu.memory_space<hbm>>
        tpu.enqueue_dma source(%dma_start3A_381 : memref<16x128xf32, #tpu.memory_space<hbm>>) target(%dma_start3A_378 : memref<16x128xf32, #tpu.memory_space<vmem_shared>>) target_semaphore(%run_scoped3A : memref<!tpu.dma_semaphore, #tpu.memory_space<semaphore_mem>>)
        %dma_wait3A_382 = arith.constant 9984 : i32
        %dma_wait3A_383 = arith.constant 0 : i32
        %dma_wait3A_384 = tpu.memref_slice %arg19[%dma_wait3A_382, %dma_wait3A_383] : memref<10000x128xf32, #tpu.memory_space<vmem_shared>> -> memref<16x128xf32, #tpu.memory_space<vmem_shared>>
        %dma_wait3A_385 = arith.constant 9984 : i32
        %dma_wait3A_386 = arith.constant 0 : i32
        %dma_wait3A_387 = tpu.memref_slice %arg5[%dma_wait3A_385, %dma_wait3A_386] : memref<10000x128xf32, #tpu.memory_space<hbm>> -> memref<16x128xf32, #tpu.memory_space<hbm>>
        tpu.wait_dma2 semaphore(%run_scoped3A : memref<!tpu.dma_semaphore, #tpu.memory_space<semaphore_mem>>) src(%dma_wait3A_387 : memref<16x128xf32, #tpu.memory_space<hbm>>) dst(%dma_wait3A_384 : memref<16x128xf32, #tpu.memory_space<vmem_shared>>)
        tpu.yield
      }) : () -> ()
    } else {
    }
    %barrier3A = arith.constant 0 : index
    tpu.barrier barrier_id(%barrier3A)
    %mul3A_60 = arith.constant 10000 : i32
    %mul3A_61 = arith.muli %add3A, %mul3A_60 : i32
    %add3A_62 = arith.constant 0 : i32
    %add3A_63 = arith.addi %mul3A_61, %add3A_62 : i32
    %multiple_of3A_64 = tpu.assume_multiple %add3A_63, 8 : i32
    %dma_wait3A = tpu.memref_slice %arg4[%multiple_of3A_64] : memref<320000xi32, #tpu.memory_space<hbm>> -> memref<80xi32, #tpu.memory_space<hbm>>
    %dma_wait3A_65 = tpu.memref_slice %arg4[%multiple_of3A_64] : memref<320000xi32, #tpu.memory_space<hbm>> -> memref<80xi32, #tpu.memory_space<hbm>>
    tpu.wait_dma2 semaphore(%arg20 : memref<!tpu.dma_semaphore, #tpu.memory_space<semaphore_mem>>) src(%dma_wait3A_65 : memref<80xi32, #tpu.memory_space<hbm>>) dst(%arg7 : memref<80xi32, #tpu.memory_space<vmem>>)
    %dma_start3A_66 = arith.constant 0 : i32
    %dma_start3A_67 = arith.constant 0 : i32
    %dma_start3A_68 = tpu.memref_slice %arg2[%dma_start3A_66, %dma_start3A_67] : memref<10000x128xf32, #tpu.memory_space<hbm>> -> memref<10000x128xf32, #tpu.memory_space<hbm>>
    tpu.enqueue_indirect_dma source(%dma_start3A_68 : memref<10000x128xf32, #tpu.memory_space<hbm>>) target(%arg15 : memref<80x128xf32, #tpu.memory_space<vmem>>) offsets(%arg7 : memref<80xi32, #tpu.memory_space<vmem>>) semaphore(%arg28 : memref<!tpu.dma_semaphore, #tpu.memory_space<semaphore_mem>>)
    %mul3A_69 = arith.constant 10000 : i32
    %mul3A_70 = arith.muli %add3A, %mul3A_69 : i32
    %add3A_71 = arith.constant 80 : i32
    %add3A_72 = arith.addi %mul3A_70, %add3A_71 : i32
    %multiple_of3A_73 = tpu.assume_multiple %add3A_72, 8 : i32
    %dma_wait3A_74 = tpu.memref_slice %arg4[%multiple_of3A_73] : memref<320000xi32, #tpu.memory_space<hbm>> -> memref<80xi32, #tpu.memory_space<hbm>>
    %dma_wait3A_75 = tpu.memref_slice %arg4[%multiple_of3A_73] : memref<320000xi32, #tpu.memory_space<hbm>> -> memref<80xi32, #tpu.memory_space<hbm>>
    tpu.wait_dma2 semaphore(%arg21 : memref<!tpu.dma_semaphore, #tpu.memory_space<semaphore_mem>>) src(%dma_wait3A_75 : memref<80xi32, #tpu.memory_space<hbm>>) dst(%arg8 : memref<80xi32, #tpu.memory_space<vmem>>)
    %dma_start3A_76 = arith.constant 0 : i32
    %dma_start3A_77 = arith.constant 0 : i32
    %dma_start3A_78 = tpu.memref_slice %arg2[%dma_start3A_76, %dma_start3A_77] : memref<10000x128xf32, #tpu.memory_space<hbm>> -> memref<10000x128xf32, #tpu.memory_space<hbm>>
    tpu.enqueue_indirect_dma source(%dma_start3A_78 : memref<10000x128xf32, #tpu.memory_space<hbm>>) target(%arg16 : memref<80x128xf32, #tpu.memory_space<vmem>>) offsets(%arg8 : memref<80xi32, #tpu.memory_space<vmem>>) semaphore(%arg29 : memref<!tpu.dma_semaphore, #tpu.memory_space<semaphore_mem>>)
    %mul3A_79 = arith.constant 10000 : i32
    %mul3A_80 = arith.muli %add3A, %mul3A_79 : i32
    %add3A_81 = arith.constant 160 : i32
    %add3A_82 = arith.addi %mul3A_80, %add3A_81 : i32
    %multiple_of3A_83 = tpu.assume_multiple %add3A_82, 8 : i32
    %dma_wait3A_84 = tpu.memref_slice %arg4[%multiple_of3A_83] : memref<320000xi32, #tpu.memory_space<hbm>> -> memref<80xi32, #tpu.memory_space<hbm>>
    %dma_wait3A_85 = tpu.memref_slice %arg4[%multiple_of3A_83] : memref<320000xi32, #tpu.memory_space<hbm>> -> memref<80xi32, #tpu.memory_space<hbm>>
    tpu.wait_dma2 semaphore(%arg22 : memref<!tpu.dma_semaphore, #tpu.memory_space<semaphore_mem>>) src(%dma_wait3A_85 : memref<80xi32, #tpu.memory_space<hbm>>) dst(%arg9 : memref<80xi32, #tpu.memory_space<vmem>>)
    %dma_start3A_86 = arith.constant 0 : i32
    %dma_start3A_87 = arith.constant 0 : i32
    %dma_start3A_88 = tpu.memref_slice %arg2[%dma_start3A_86, %dma_start3A_87] : memref<10000x128xf32, #tpu.memory_space<hbm>> -> memref<10000x128xf32, #tpu.memory_space<hbm>>
    tpu.enqueue_indirect_dma source(%dma_start3A_88 : memref<10000x128xf32, #tpu.memory_space<hbm>>) target(%arg17 : memref<80x128xf32, #tpu.memory_space<vmem>>) offsets(%arg9 : memref<80xi32, #tpu.memory_space<vmem>>) semaphore(%arg30 : memref<!tpu.dma_semaphore, #tpu.memory_space<semaphore_mem>>)
    %dma_wait3A_89 = arith.constant 0 : i32
    %dma_wait3A_90 = arith.constant 0 : i32
    %dma_wait3A_91 = tpu.memref_slice %arg2[%dma_wait3A_89, %dma_wait3A_90] : memref<10000x128xf32, #tpu.memory_space<hbm>> -> memref<10000x128xf32, #tpu.memory_space<hbm>>
    tpu.wait_indirect_dma semaphore(%arg28 : memref<!tpu.dma_semaphore, #tpu.memory_space<semaphore_mem>>) src(%dma_wait3A_91 : memref<10000x128xf32, #tpu.memory_space<hbm>>) dst(%arg15 : memref<80x128xf32, #tpu.memory_space<vmem>>)
    %mul3A_92 = arith.constant 10000 : i32
    %mul3A_93 = arith.muli %add3A, %mul3A_92 : i32
    %add3A_94 = arith.constant 240 : i32
    %add3A_95 = arith.addi %mul3A_93, %add3A_94 : i32
    %multiple_of3A_96 = tpu.assume_multiple %add3A_95, 8 : i32
    %dma_wait3A_97 = tpu.memref_slice %arg4[%multiple_of3A_96] : memref<320000xi32, #tpu.memory_space<hbm>> -> memref<80xi32, #tpu.memory_space<hbm>>
    %dma_wait3A_98 = tpu.memref_slice %arg4[%multiple_of3A_96] : memref<320000xi32, #tpu.memory_space<hbm>> -> memref<80xi32, #tpu.memory_space<hbm>>
    tpu.wait_dma2 semaphore(%arg23 : memref<!tpu.dma_semaphore, #tpu.memory_space<semaphore_mem>>) src(%dma_wait3A_98 : memref<80xi32, #tpu.memory_space<hbm>>) dst(%arg10 : memref<80xi32, #tpu.memory_space<vmem>>)
    %dma_start3A_99 = arith.constant 0 : i32
    %dma_start3A_100 = arith.constant 0 : i32
    %dma_start3A_101 = tpu.memref_slice %arg2[%dma_start3A_99, %dma_start3A_100] : memref<10000x128xf32, #tpu.memory_space<hbm>> -> memref<10000x128xf32, #tpu.memory_space<hbm>>
    tpu.enqueue_indirect_dma source(%dma_start3A_101 : memref<10000x128xf32, #tpu.memory_space<hbm>>) target(%arg18 : memref<80x128xf32, #tpu.memory_space<vmem>>) offsets(%arg10 : memref<80xi32, #tpu.memory_space<vmem>>) semaphore(%arg31 : memref<!tpu.dma_semaphore, #tpu.memory_space<semaphore_mem>>)
    %mul3A_102 = arith.constant 10000 : i32
    %mul3A_103 = arith.muli %add3A, %mul3A_102 : i32
    %add3A_104 = arith.constant 0 : i32
    %add3A_105 = arith.addi %mul3A_103, %add3A_104 : i32
    %multiple_of3A_106 = tpu.assume_multiple %add3A_105, 8 : i32
    %dma_wait3A_107 = tpu.memref_slice %arg3[%multiple_of3A_106] : memref<320000xi32, #tpu.memory_space<hbm>> -> memref<80xi32, #tpu.memory_space<hbm>>
    %dma_wait3A_108 = tpu.memref_slice %arg3[%multiple_of3A_106] : memref<320000xi32, #tpu.memory_space<hbm>> -> memref<80xi32, #tpu.memory_space<hbm>>
    tpu.wait_dma2 semaphore(%arg24 : memref<!tpu.dma_semaphore, #tpu.memory_space<semaphore_mem>>) src(%dma_wait3A_108 : memref<80xi32, #tpu.memory_space<hbm>>) dst(%arg11 : memref<80xi32, #tpu.memory_space<vmem>>)
    %dma_start3A_109 = arith.constant 0 : i32
    %dma_start3A_110 = arith.constant 0 : i32
    %dma_start3A_111 = tpu.memref_slice %arg19[%dma_start3A_109, %dma_start3A_110] : memref<10000x128xf32, #tpu.memory_space<vmem_shared>> -> memref<10000x128xf32, #tpu.memory_space<vmem_shared>>
    tpu.enqueue_indirect_dma source(%arg15 : memref<80x128xf32, #tpu.memory_space<vmem>>) target(%dma_start3A_111 : memref<10000x128xf32, #tpu.memory_space<vmem_shared>>) offsets(%arg11 : memref<80xi32, #tpu.memory_space<vmem>>) semaphore(%arg32 : memref<!tpu.dma_semaphore, #tpu.memory_space<semaphore_mem>>) {add = true}
    %dma_wait3A_112 = arith.constant 0 : i32
    %dma_wait3A_113 = arith.constant 0 : i32
    %dma_wait3A_114 = tpu.memref_slice %arg2[%dma_wait3A_112, %dma_wait3A_113] : memref<10000x128xf32, #tpu.memory_space<hbm>> -> memref<10000x128xf32, #tpu.memory_space<hbm>>
    tpu.wait_indirect_dma semaphore(%arg29 : memref<!tpu.dma_semaphore, #tpu.memory_space<semaphore_mem>>) src(%dma_wait3A_114 : memref<10000x128xf32, #tpu.memory_space<hbm>>) dst(%arg16 : memref<80x128xf32, #tpu.memory_space<vmem>>)
    %dma_wait3A_115 = arith.constant 0 : i32
    %dma_wait3A_116 = arith.constant 0 : i32
    %dma_wait3A_117 = tpu.memref_slice %arg19[%dma_wait3A_115, %dma_wait3A_116] : memref<10000x128xf32, #tpu.memory_space<vmem_shared>> -> memref<10000x128xf32, #tpu.memory_space<vmem_shared>>
    tpu.wait_indirect_dma semaphore(%arg32 : memref<!tpu.dma_semaphore, #tpu.memory_space<semaphore_mem>>) src(%arg15 : memref<80x128xf32, #tpu.memory_space<vmem>>) dst(%dma_wait3A_117 : memref<10000x128xf32, #tpu.memory_space<vmem_shared>>)
    %mul3A_118 = arith.constant 10000 : i32
    %mul3A_119 = arith.muli %add3A, %mul3A_118 : i32
    %add3A_120 = arith.constant 320 : i32
    %add3A_121 = arith.addi %mul3A_119, %add3A_120 : i32
    %multiple_of3A_122 = tpu.assume_multiple %add3A_121, 8 : i32
    %dma_start3A_123 = tpu.memref_slice %arg4[%multiple_of3A_122] : memref<320000xi32, #tpu.memory_space<hbm>> -> memref<80xi32, #tpu.memory_space<hbm>>
    %dma_start3A_124 = tpu.memref_slice %arg4[%multiple_of3A_122] : memref<320000xi32, #tpu.memory_space<hbm>> -> memref<80xi32, #tpu.memory_space<hbm>>
    tpu.enqueue_dma source(%dma_start3A_124 : memref<80xi32, #tpu.memory_space<hbm>>) target(%arg7 : memref<80xi32, #tpu.memory_space<vmem>>) target_semaphore(%arg20 : memref<!tpu.dma_semaphore, #tpu.memory_space<semaphore_mem>>)
    %mul3A_125 = arith.constant 10000 : i32
    %mul3A_126 = arith.muli %add3A, %mul3A_125 : i32
    %add3A_127 = arith.constant 320 : i32
    %add3A_128 = arith.addi %mul3A_126, %add3A_127 : i32
    %multiple_of3A_129 = tpu.assume_multiple %add3A_128, 8 : i32
    %dma_start3A_130 = tpu.memref_slice %arg3[%multiple_of3A_129] : memref<320000xi32, #tpu.memory_space<hbm>> -> memref<80xi32, #tpu.memory_space<hbm>>
    %dma_start3A_131 = tpu.memref_slice %arg3[%multiple_of3A_129] : memref<320000xi32, #tpu.memory_space<hbm>> -> memref<80xi32, #tpu.memory_space<hbm>>
    tpu.enqueue_dma source(%dma_start3A_131 : memref<80xi32, #tpu.memory_space<hbm>>) target(%arg11 : memref<80xi32, #tpu.memory_space<vmem>>) target_semaphore(%arg24 : memref<!tpu.dma_semaphore, #tpu.memory_space<semaphore_mem>>)
    %mul3A_132 = arith.constant 10000 : i32
    %mul3A_133 = arith.muli %add3A, %mul3A_132 : i32
    %add3A_134 = arith.constant 320 : i32
    %add3A_135 = arith.addi %mul3A_133, %add3A_134 : i32
    %multiple_of3A_136 = tpu.assume_multiple %add3A_135, 8 : i32
    %dma_wait3A_137 = tpu.memref_slice %arg4[%multiple_of3A_136] : memref<320000xi32, #tpu.memory_space<hbm>> -> memref<80xi32, #tpu.memory_space<hbm>>
    %dma_wait3A_138 = tpu.memref_slice %arg4[%multiple_of3A_136] : memref<320000xi32, #tpu.memory_space<hbm>> -> memref<80xi32, #tpu.memory_space<hbm>>
    tpu.wait_dma2 semaphore(%arg20 : memref<!tpu.dma_semaphore, #tpu.memory_space<semaphore_mem>>) src(%dma_wait3A_138 : memref<80xi32, #tpu.memory_space<hbm>>) dst(%arg7 : memref<80xi32, #tpu.memory_space<vmem>>)
    %dma_start3A_139 = arith.constant 0 : i32
    %dma_start3A_140 = arith.constant 0 : i32
    %dma_start3A_141 = tpu.memref_slice %arg2[%dma_start3A_139, %dma_start3A_140] : memref<10000x128xf32, #tpu.memory_space<hbm>> -> memref<10000x128xf32, #tpu.memory_space<hbm>>
    tpu.enqueue_indirect_dma source(%dma_start3A_141 : memref<10000x128xf32, #tpu.memory_space<hbm>>) target(%arg15 : memref<80x128xf32, #tpu.memory_space<vmem>>) offsets(%arg7 : memref<80xi32, #tpu.memory_space<vmem>>) semaphore(%arg28 : memref<!tpu.dma_semaphore, #tpu.memory_space<semaphore_mem>>)
    %mul3A_142 = arith.constant 10000 : i32
    %mul3A_143 = arith.muli %add3A, %mul3A_142 : i32
    %add3A_144 = arith.constant 80 : i32
    %add3A_145 = arith.addi %mul3A_143, %add3A_144 : i32
    %multiple_of3A_146 = tpu.assume_multiple %add3A_145, 8 : i32
    %dma_wait3A_147 = tpu.memref_slice %arg3[%multiple_of3A_146] : memref<320000xi32, #tpu.memory_space<hbm>> -> memref<80xi32, #tpu.memory_space<hbm>>
    %dma_wait3A_148 = tpu.memref_slice %arg3[%multiple_of3A_146] : memref<320000xi32, #tpu.memory_space<hbm>> -> memref<80xi32, #tpu.memory_space<hbm>>
    tpu.wait_dma2 semaphore(%arg25 : memref<!tpu.dma_semaphore, #tpu.memory_space<semaphore_mem>>) src(%dma_wait3A_148 : memref<80xi32, #tpu.memory_space<hbm>>) dst(%arg12 : memref<80xi32, #tpu.memory_space<vmem>>)
    %dma_start3A_149 = arith.constant 0 : i32
    %dma_start3A_150 = arith.constant 0 : i32
    %dma_start3A_151 = tpu.memref_slice %arg19[%dma_start3A_149, %dma_start3A_150] : memref<10000x128xf32, #tpu.memory_space<vmem_shared>> -> memref<10000x128xf32, #tpu.memory_space<vmem_shared>>
    tpu.enqueue_indirect_dma source(%arg16 : memref<80x128xf32, #tpu.memory_space<vmem>>) target(%dma_start3A_151 : memref<10000x128xf32, #tpu.memory_space<vmem_shared>>) offsets(%arg12 : memref<80xi32, #tpu.memory_space<vmem>>) semaphore(%arg33 : memref<!tpu.dma_semaphore, #tpu.memory_space<semaphore_mem>>) {add = true}
    %dma_wait3A_152 = arith.constant 0 : i32
    %dma_wait3A_153 = arith.constant 0 : i32
    %dma_wait3A_154 = tpu.memref_slice %arg2[%dma_wait3A_152, %dma_wait3A_153] : memref<10000x128xf32, #tpu.memory_space<hbm>> -> memref<10000x128xf32, #tpu.memory_space<hbm>>
    tpu.wait_indirect_dma semaphore(%arg30 : memref<!tpu.dma_semaphore, #tpu.memory_space<semaphore_mem>>) src(%dma_wait3A_154 : memref<10000x128xf32, #tpu.memory_space<hbm>>) dst(%arg17 : memref<80x128xf32, #tpu.memory_space<vmem>>)
    %dma_wait3A_155 = arith.constant 0 : i32
    %dma_wait3A_156 = arith.constant 0 : i32
    %dma_wait3A_157 = tpu.memref_slice %arg19[%dma_wait3A_155, %dma_wait3A_156] : memref<10000x128xf32, #tpu.memory_space<vmem_shared>> -> memref<10000x128xf32, #tpu.memory_space<vmem_shared>>
    tpu.wait_indirect_dma semaphore(%arg33 : memref<!tpu.dma_semaphore, #tpu.memory_space<semaphore_mem>>) src(%arg16 : memref<80x128xf32, #tpu.memory_space<vmem>>) dst(%dma_wait3A_157 : memref<10000x128xf32, #tpu.memory_space<vmem_shared>>)
    %mul3A_158 = arith.constant 10000 : i32
    %mul3A_159 = arith.muli %add3A, %mul3A_158 : i32
    %add3A_160 = arith.constant 400 : i32
    %add3A_161 = arith.addi %mul3A_159, %add3A_160 : i32
    %multiple_of3A_162 = tpu.assume_multiple %add3A_161, 8 : i32
    %dma_start3A_163 = tpu.memref_slice %arg4[%multiple_of3A_162] : memref<320000xi32, #tpu.memory_space<hbm>> -> memref<80xi32, #tpu.memory_space<hbm>>
    %dma_start3A_164 = tpu.memref_slice %arg4[%multiple_of3A_162] : memref<320000xi32, #tpu.memory_space<hbm>> -> memref<80xi32, #tpu.memory_space<hbm>>
    tpu.enqueue_dma source(%dma_start3A_164 : memref<80xi32, #tpu.memory_space<hbm>>) target(%arg8 : memref<80xi32, #tpu.memory_space<vmem>>) target_semaphore(%arg21 : memref<!tpu.dma_semaphore, #tpu.memory_space<semaphore_mem>>)
    %mul3A_165 = arith.constant 10000 : i32
    %mul3A_166 = arith.muli %add3A, %mul3A_165 : i32
    %add3A_167 = arith.constant 400 : i32
    %add3A_168 = arith.addi %mul3A_166, %add3A_167 : i32
    %multiple_of3A_169 = tpu.assume_multiple %add3A_168, 8 : i32
    %dma_start3A_170 = tpu.memref_slice %arg3[%multiple_of3A_169] : memref<320000xi32, #tpu.memory_space<hbm>> -> memref<80xi32, #tpu.memory_space<hbm>>
    %dma_start3A_171 = tpu.memref_slice %arg3[%multiple_of3A_169] : memref<320000xi32, #tpu.memory_space<hbm>> -> memref<80xi32, #tpu.memory_space<hbm>>
    tpu.enqueue_dma source(%dma_start3A_171 : memref<80xi32, #tpu.memory_space<hbm>>) target(%arg12 : memref<80xi32, #tpu.memory_space<vmem>>) target_semaphore(%arg25 : memref<!tpu.dma_semaphore, #tpu.memory_space<semaphore_mem>>)
    %mul3A_172 = arith.constant 10000 : i32
    %mul3A_173 = arith.muli %add3A, %mul3A_172 : i32
    %add3A_174 = arith.constant 400 : i32
    %add3A_175 = arith.addi %mul3A_173, %add3A_174 : i32
    %multiple_of3A_176 = tpu.assume_multiple %add3A_175, 8 : i32
    %dma_wait3A_177 = tpu.memref_slice %arg4[%multiple_of3A_176] : memref<320000xi32, #tpu.memory_space<hbm>> -> memref<80xi32, #tpu.memory_space<hbm>>
    %dma_wait3A_178 = tpu.memref_slice %arg4[%multiple_of3A_176] : memref<320000xi32, #tpu.memory_space<hbm>> -> memref<80xi32, #tpu.memory_space<hbm>>
    tpu.wait_dma2 semaphore(%arg21 : memref<!tpu.dma_semaphore, #tpu.memory_space<semaphore_mem>>) src(%dma_wait3A_178 : memref<80xi32, #tpu.memory_space<hbm>>) dst(%arg8 : memref<80xi32, #tpu.memory_space<vmem>>)
    %dma_start3A_179 = arith.constant 0 : i32
    %dma_start3A_180 = arith.constant 0 : i32
    %dma_start3A_181 = tpu.memref_slice %arg2[%dma_start3A_179, %dma_start3A_180] : memref<10000x128xf32, #tpu.memory_space<hbm>> -> memref<10000x128xf32, #tpu.memory_space<hbm>>
    tpu.enqueue_indirect_dma source(%dma_start3A_181 : memref<10000x128xf32, #tpu.memory_space<hbm>>) target(%arg16 : memref<80x128xf32, #tpu.memory_space<vmem>>) offsets(%arg8 : memref<80xi32, #tpu.memory_space<vmem>>) semaphore(%arg29 : memref<!tpu.dma_semaphore, #tpu.memory_space<semaphore_mem>>)
    %mul3A_182 = arith.constant 10000 : i32
    %mul3A_183 = arith.muli %add3A, %mul3A_182 : i32
    %add3A_184 = arith.constant 160 : i32
    %add3A_185 = arith.addi %mul3A_183, %add3A_184 : i32
    %multiple_of3A_186 = tpu.assume_multiple %add3A_185, 8 : i32
    %dma_wait3A_187 = tpu.memref_slice %arg3[%multiple_of3A_186] : memref<320000xi32, #tpu.memory_space<hbm>> -> memref<80xi32, #tpu.memory_space<hbm>>
    %dma_wait3A_188 = tpu.memref_slice %arg3[%multiple_of3A_186] : memref<320000xi32, #tpu.memory_space<hbm>> -> memref<80xi32, #tpu.memory_space<hbm>>
    tpu.wait_dma2 semaphore(%arg26 : memref<!tpu.dma_semaphore, #tpu.memory_space<semaphore_mem>>) src(%dma_wait3A_188 : memref<80xi32, #tpu.memory_space<hbm>>) dst(%arg13 : memref<80xi32, #tpu.memory_space<vmem>>)
    %dma_start3A_189 = arith.constant 0 : i32
    %dma_start3A_190 = arith.constant 0 : i32
    %dma_start3A_191 = tpu.memref_slice %arg19[%dma_start3A_189, %dma_start3A_190] : memref<10000x128xf32, #tpu.memory_space<vmem_shared>> -> memref<10000x128xf32, #tpu.memory_space<vmem_shared>>
    tpu.enqueue_indirect_dma source(%arg17 : memref<80x128xf32, #tpu.memory_space<vmem>>) target(%dma_start3A_191 : memref<10000x128xf32, #tpu.memory_space<vmem_shared>>) offsets(%arg13 : memref<80xi32, #tpu.memory_space<vmem>>) semaphore(%arg34 : memref<!tpu.dma_semaphore, #tpu.memory_space<semaphore_mem>>) {add = true}
    %dma_wait3A_192 = arith.constant 0 : i32
    %dma_wait3A_193 = arith.constant 0 : i32
    %dma_wait3A_194 = tpu.memref_slice %arg2[%dma_wait3A_192, %dma_wait3A_193] : memref<10000x128xf32, #tpu.memory_space<hbm>> -> memref<10000x128xf32, #tpu.memory_space<hbm>>
    tpu.wait_indirect_dma semaphore(%arg31 : memref<!tpu.dma_semaphore, #tpu.memory_space<semaphore_mem>>) src(%dma_wait3A_194 : memref<10000x128xf32, #tpu.memory_space<hbm>>) dst(%arg18 : memref<80x128xf32, #tpu.memory_space<vmem>>)
    %dma_wait3A_195 = arith.constant 0 : i32
    %dma_wait3A_196 = arith.constant 0 : i32
    %dma_wait3A_197 = tpu.memref_slice %arg19[%dma_wait3A_195, %dma_wait3A_196] : memref<10000x128xf32, #tpu.memory_space<vmem_shared>> -> memref<10000x128xf32, #tpu.memory_space<vmem_shared>>
    tpu.wait_indirect_dma semaphore(%arg34 : memref<!tpu.dma_semaphore, #tpu.memory_space<semaphore_mem>>) src(%arg17 : memref<80x128xf32, #tpu.memory_space<vmem>>) dst(%dma_wait3A_197 : memref<10000x128xf32, #tpu.memory_space<vmem_shared>>)
    %mul3A_198 = arith.constant 10000 : i32
    %mul3A_199 = arith.muli %add3A, %mul3A_198 : i32
    %add3A_200 = arith.constant 480 : i32
    %add3A_201 = arith.addi %mul3A_199, %add3A_200 : i32
    %multiple_of3A_202 = tpu.assume_multiple %add3A_201, 8 : i32
    %dma_start3A_203 = tpu.memref_slice %arg4[%multiple_of3A_202] : memref<320000xi32, #tpu.memory_space<hbm>> -> memref<80xi32, #tpu.memory_space<hbm>>
    %dma_start3A_204 = tpu.memref_slice %arg4[%multiple_of3A_202] : memref<320000xi32, #tpu.memory_space<hbm>> -> memref<80xi32, #tpu.memory_space<hbm>>
    tpu.enqueue_dma source(%dma_start3A_204 : memref<80xi32, #tpu.memory_space<hbm>>) target(%arg9 : memref<80xi32, #tpu.memory_space<vmem>>) target_semaphore(%arg22 : memref<!tpu.dma_semaphore, #tpu.memory_space<semaphore_mem>>)
    %mul3A_205 = arith.constant 10000 : i32
    %mul3A_206 = arith.muli %add3A, %mul3A_205 : i32
    %add3A_207 = arith.constant 480 : i32
    %add3A_208 = arith.addi %mul3A_206, %add3A_207 : i32
    %multiple_of3A_209 = tpu.assume_multiple %add3A_208, 8 : i32
    %dma_start3A_210 = tpu.memref_slice %arg3[%multiple_of3A_209] : memref<320000xi32, #tpu.memory_space<hbm>> -> memref<80xi32, #tpu.memory_space<hbm>>
    %dma_start3A_211 = tpu.memref_slice %arg3[%multiple_of3A_209] : memref<320000xi32, #tpu.memory_space<hbm>> -> memref<80xi32, #tpu.memory_space<hbm>>
    tpu.enqueue_dma source(%dma_start3A_211 : memref<80xi32, #tpu.memory_space<hbm>>) target(%arg13 : memref<80xi32, #tpu.memory_space<vmem>>) target_semaphore(%arg26 : memref<!tpu.dma_semaphore, #tpu.memory_space<semaphore_mem>>)
    %mul3A_212 = arith.constant 10000 : i32
    %mul3A_213 = arith.muli %add3A, %mul3A_212 : i32
    %add3A_214 = arith.constant 480 : i32
    %add3A_215 = arith.addi %mul3A_213, %add3A_214 : i32
    %multiple_of3A_216 = tpu.assume_multiple %add3A_215, 8 : i32
    %dma_wait3A_217 = tpu.memref_slice %arg4[%multiple_of3A_216] : memref<320000xi32, #tpu.memory_space<hbm>> -> memref<80xi32, #tpu.memory_space<hbm>>
    %dma_wait3A_218 = tpu.memref_slice %arg4[%multiple_of3A_216] : memref<320000xi32, #tpu.memory_space<hbm>> -> memref<80xi32, #tpu.memory_space<hbm>>
    tpu.wait_dma2 semaphore(%arg22 : memref<!tpu.dma_semaphore, #tpu.memory_space<semaphore_mem>>) src(%dma_wait3A_218 : memref<80xi32, #tpu.memory_space<hbm>>) dst(%arg9 : memref<80xi32, #tpu.memory_space<vmem>>)
    %dma_start3A_219 = arith.constant 0 : i32
    %dma_start3A_220 = arith.constant 0 : i32
    %dma_start3A_221 = tpu.memref_slice %arg2[%dma_start3A_219, %dma_start3A_220] : memref<10000x128xf32, #tpu.memory_space<hbm>> -> memref<10000x128xf32, #tpu.memory_space<hbm>>
    tpu.enqueue_indirect_dma source(%dma_start3A_221 : memref<10000x128xf32, #tpu.memory_space<hbm>>) target(%arg17 : memref<80x128xf32, #tpu.memory_space<vmem>>) offsets(%arg9 : memref<80xi32, #tpu.memory_space<vmem>>) semaphore(%arg30 : memref<!tpu.dma_semaphore, #tpu.memory_space<semaphore_mem>>)
    %mul3A_222 = arith.constant 10000 : i32
    %mul3A_223 = arith.muli %add3A, %mul3A_222 : i32
    %add3A_224 = arith.constant 240 : i32
    %add3A_225 = arith.addi %mul3A_223, %add3A_224 : i32
    %multiple_of3A_226 = tpu.assume_multiple %add3A_225, 8 : i32
    %dma_wait3A_227 = tpu.memref_slice %arg3[%multiple_of3A_226] : memref<320000xi32, #tpu.memory_space<hbm>> -> memref<80xi32, #tpu.memory_space<hbm>>
    %dma_wait3A_228 = tpu.memref_slice %arg3[%multiple_of3A_226] : memref<320000xi32, #tpu.memory_space<hbm>> -> memref<80xi32, #tpu.memory_space<hbm>>
    tpu.wait_dma2 semaphore(%arg27 : memref<!tpu.dma_semaphore, #tpu.memory_space<semaphore_mem>>) src(%dma_wait3A_228 : memref<80xi32, #tpu.memory_space<hbm>>) dst(%arg14 : memref<80xi32, #tpu.memory_space<vmem>>)
    %dma_start3A_229 = arith.constant 0 : i32
    %dma_start3A_230 = arith.constant 0 : i32
    %dma_start3A_231 = tpu.memref_slice %arg19[%dma_start3A_229, %dma_start3A_230] : memref<10000x128xf32, #tpu.memory_space<vmem_shared>> -> memref<10000x128xf32, #tpu.memory_space<vmem_shared>>
    tpu.enqueue_indirect_dma source(%arg18 : memref<80x128xf32, #tpu.memory_space<vmem>>) target(%dma_start3A_231 : memref<10000x128xf32, #tpu.memory_space<vmem_shared>>) offsets(%arg14 : memref<80xi32, #tpu.memory_space<vmem>>) semaphore(%arg35 : memref<!tpu.dma_semaphore, #tpu.memory_space<semaphore_mem>>) {add = true}
    %scan3A = arith.constant 0 : i32
    %scan3A_232 = arith.constant 29 : i32
    %scan3A_233 = arith.addi %scan3A, %scan3A_232 : i32
    %scan3A_234 = arith.constant 1 : i32
    scf.for %scan3A_376 = %scan3A to %scan3A_233 step %scan3A_234  : i32 {
      %mul3A_377 = arith.constant 1 : i32
      %mul3A_378 = arith.muli %scan3A_376, %mul3A_377 : i32
      %add3A_379 = arith.constant 1 : i32
      %add3A_380 = arith.addi %add3A_379, %mul3A_378 : i32
      %mul3A_381 = arith.constant 4 : i32
      %mul3A_382 = arith.muli %mul3A_381, %add3A_380 : i32
      %add3A_383 = arith.constant 0 : i32
      %add3A_384 = arith.addi %mul3A_382, %add3A_383 : i32
      %dma_wait3A_385 = arith.constant 0 : i32
      %dma_wait3A_386 = arith.constant 0 : i32
      %dma_wait3A_387 = tpu.memref_slice %arg2[%dma_wait3A_385, %dma_wait3A_386] : memref<10000x128xf32, #tpu.memory_space<hbm>> -> memref<10000x128xf32, #tpu.memory_space<hbm>>
      tpu.wait_indirect_dma semaphore(%arg28 : memref<!tpu.dma_semaphore, #tpu.memory_space<semaphore_mem>>) src(%dma_wait3A_387 : memref<10000x128xf32, #tpu.memory_space<hbm>>) dst(%arg15 : memref<80x128xf32, #tpu.memory_space<vmem>>)
      %dma_wait3A_388 = arith.constant 0 : i32
      %dma_wait3A_389 = arith.constant 0 : i32
      %dma_wait3A_390 = tpu.memref_slice %arg19[%dma_wait3A_388, %dma_wait3A_389] : memref<10000x128xf32, #tpu.memory_space<vmem_shared>> -> memref<10000x128xf32, #tpu.memory_space<vmem_shared>>
      tpu.wait_indirect_dma semaphore(%arg35 : memref<!tpu.dma_semaphore, #tpu.memory_space<semaphore_mem>>) src(%arg18 : memref<80x128xf32, #tpu.memory_space<vmem>>) dst(%dma_wait3A_390 : memref<10000x128xf32, #tpu.memory_space<vmem_shared>>)
      %sub3A = arith.constant 1 : i32
      %sub3A_391 = arith.subi %add3A_384, %sub3A : i32
      %add3A_392 = arith.constant 4 : i32
      %add3A_393 = arith.addi %sub3A_391, %add3A_392 : i32
      %mul3A_394 = arith.constant 10000 : i32
      %mul3A_395 = arith.muli %add3A, %mul3A_394 : i32
      %mul3A_396 = arith.constant 80 : i32
      %mul3A_397 = arith.muli %add3A_393, %mul3A_396 : i32
      %add3A_398 = arith.addi %mul3A_395, %mul3A_397 : i32
      %multiple_of3A_399 = tpu.assume_multiple %add3A_398, 8 : i32
      %dma_start3A_400 = tpu.memref_slice %arg4[%multiple_of3A_399] : memref<320000xi32, #tpu.memory_space<hbm>> -> memref<80xi32, #tpu.memory_space<hbm>>
      %dma_start3A_401 = tpu.memref_slice %arg4[%multiple_of3A_399] : memref<320000xi32, #tpu.memory_space<hbm>> -> memref<80xi32, #tpu.memory_space<hbm>>
      tpu.enqueue_dma source(%dma_start3A_401 : memref<80xi32, #tpu.memory_space<hbm>>) target(%arg10 : memref<80xi32, #tpu.memory_space<vmem>>) target_semaphore(%arg23 : memref<!tpu.dma_semaphore, #tpu.memory_space<semaphore_mem>>)
      %sub3A_402 = arith.constant 1 : i32
      %sub3A_403 = arith.subi %add3A_384, %sub3A_402 : i32
      %add3A_404 = arith.constant 4 : i32
      %add3A_405 = arith.addi %sub3A_403, %add3A_404 : i32
      %mul3A_406 = arith.constant 10000 : i32
      %mul3A_407 = arith.muli %add3A, %mul3A_406 : i32
      %mul3A_408 = arith.constant 80 : i32
      %mul3A_409 = arith.muli %add3A_405, %mul3A_408 : i32
      %add3A_410 = arith.addi %mul3A_407, %mul3A_409 : i32
      %multiple_of3A_411 = tpu.assume_multiple %add3A_410, 8 : i32
      %dma_start3A_412 = tpu.memref_slice %arg3[%multiple_of3A_411] : memref<320000xi32, #tpu.memory_space<hbm>> -> memref<80xi32, #tpu.memory_space<hbm>>
      %dma_start3A_413 = tpu.memref_slice %arg3[%multiple_of3A_411] : memref<320000xi32, #tpu.memory_space<hbm>> -> memref<80xi32, #tpu.memory_space<hbm>>
      tpu.enqueue_dma source(%dma_start3A_413 : memref<80xi32, #tpu.memory_space<hbm>>) target(%arg14 : memref<80xi32, #tpu.memory_space<vmem>>) target_semaphore(%arg27 : memref<!tpu.dma_semaphore, #tpu.memory_space<semaphore_mem>>)
      %add3A_414 = arith.constant 3 : i32
      %add3A_415 = arith.addi %add3A_384, %add3A_414 : i32
      %mul3A_416 = arith.constant 10000 : i32
      %mul3A_417 = arith.muli %add3A, %mul3A_416 : i32
      %mul3A_418 = arith.constant 80 : i32
      %mul3A_419 = arith.muli %add3A_415, %mul3A_418 : i32
      %add3A_420 = arith.addi %mul3A_417, %mul3A_419 : i32
      %multiple_of3A_421 = tpu.assume_multiple %add3A_420, 8 : i32
      %dma_wait3A_422 = tpu.memref_slice %arg4[%multiple_of3A_421] : memref<320000xi32, #tpu.memory_space<hbm>> -> memref<80xi32, #tpu.memory_space<hbm>>
      %dma_wait3A_423 = tpu.memref_slice %arg4[%multiple_of3A_421] : memref<320000xi32, #tpu.memory_space<hbm>> -> memref<80xi32, #tpu.memory_space<hbm>>
      tpu.wait_dma2 semaphore(%arg23 : memref<!tpu.dma_semaphore, #tpu.memory_space<semaphore_mem>>) src(%dma_wait3A_423 : memref<80xi32, #tpu.memory_space<hbm>>) dst(%arg10 : memref<80xi32, #tpu.memory_space<vmem>>)
      %dma_start3A_424 = arith.constant 0 : i32
      %dma_start3A_425 = arith.constant 0 : i32
      %dma_start3A_426 = tpu.memref_slice %arg2[%dma_start3A_424, %dma_start3A_425] : memref<10000x128xf32, #tpu.memory_space<hbm>> -> memref<10000x128xf32, #tpu.memory_space<hbm>>
      tpu.enqueue_indirect_dma source(%dma_start3A_426 : memref<10000x128xf32, #tpu.memory_space<hbm>>) target(%arg18 : memref<80x128xf32, #tpu.memory_space<vmem>>) offsets(%arg10 : memref<80xi32, #tpu.memory_space<vmem>>) semaphore(%arg31 : memref<!tpu.dma_semaphore, #tpu.memory_space<semaphore_mem>>)
      %mul3A_427 = arith.constant 10000 : i32
      %mul3A_428 = arith.muli %add3A, %mul3A_427 : i32
      %mul3A_429 = arith.constant 80 : i32
      %mul3A_430 = arith.muli %add3A_384, %mul3A_429 : i32
      %add3A_431 = arith.addi %mul3A_428, %mul3A_430 : i32
      %multiple_of3A_432 = tpu.assume_multiple %add3A_431, 8 : i32
      %dma_wait3A_433 = tpu.memref_slice %arg3[%multiple_of3A_432] : memref<320000xi32, #tpu.memory_space<hbm>> -> memref<80xi32, #tpu.memory_space<hbm>>
      %dma_wait3A_434 = tpu.memref_slice %arg3[%multiple_of3A_432] : memref<320000xi32, #tpu.memory_space<hbm>> -> memref<80xi32, #tpu.memory_space<hbm>>
      tpu.wait_dma2 semaphore(%arg24 : memref<!tpu.dma_semaphore, #tpu.memory_space<semaphore_mem>>) src(%dma_wait3A_434 : memref<80xi32, #tpu.memory_space<hbm>>) dst(%arg11 : memref<80xi32, #tpu.memory_space<vmem>>)
      %dma_start3A_435 = arith.constant 0 : i32
      %dma_start3A_436 = arith.constant 0 : i32
      %dma_start3A_437 = tpu.memref_slice %arg19[%dma_start3A_435, %dma_start3A_436] : memref<10000x128xf32, #tpu.memory_space<vmem_shared>> -> memref<10000x128xf32, #tpu.memory_space<vmem_shared>>
      tpu.enqueue_indirect_dma source(%arg15 : memref<80x128xf32, #tpu.memory_space<vmem>>) target(%dma_start3A_437 : memref<10000x128xf32, #tpu.memory_space<vmem_shared>>) offsets(%arg11 : memref<80xi32, #tpu.memory_space<vmem>>) semaphore(%arg32 : memref<!tpu.dma_semaphore, #tpu.memory_space<semaphore_mem>>) {add = true}
      %mul3A_438 = arith.constant 4 : i32
      %mul3A_439 = arith.muli %mul3A_438, %add3A_380 : i32
      %add3A_440 = arith.constant 1 : i32
      %add3A_441 = arith.addi %mul3A_439, %add3A_440 : i32
      %dma_wait3A_442 = arith.constant 0 : i32
      %dma_wait3A_443 = arith.constant 0 : i32
      %dma_wait3A_444 = tpu.memref_slice %arg2[%dma_wait3A_442, %dma_wait3A_443] : memref<10000x128xf32, #tpu.memory_space<hbm>> -> memref<10000x128xf32, #tpu.memory_space<hbm>>
      tpu.wait_indirect_dma semaphore(%arg29 : memref<!tpu.dma_semaphore, #tpu.memory_space<semaphore_mem>>) src(%dma_wait3A_444 : memref<10000x128xf32, #tpu.memory_space<hbm>>) dst(%arg16 : memref<80x128xf32, #tpu.memory_space<vmem>>)
      %dma_wait3A_445 = arith.constant 0 : i32
      %dma_wait3A_446 = arith.constant 0 : i32
      %dma_wait3A_447 = tpu.memref_slice %arg19[%dma_wait3A_445, %dma_wait3A_446] : memref<10000x128xf32, #tpu.memory_space<vmem_shared>> -> memref<10000x128xf32, #tpu.memory_space<vmem_shared>>
      tpu.wait_indirect_dma semaphore(%arg32 : memref<!tpu.dma_semaphore, #tpu.memory_space<semaphore_mem>>) src(%arg15 : memref<80x128xf32, #tpu.memory_space<vmem>>) dst(%dma_wait3A_447 : memref<10000x128xf32, #tpu.memory_space<vmem_shared>>)
      %sub3A_448 = arith.constant 1 : i32
      %sub3A_449 = arith.subi %add3A_441, %sub3A_448 : i32
      %add3A_450 = arith.constant 4 : i32
      %add3A_451 = arith.addi %sub3A_449, %add3A_450 : i32
      %mul3A_452 = arith.constant 10000 : i32
      %mul3A_453 = arith.muli %add3A, %mul3A_452 : i32
      %mul3A_454 = arith.constant 80 : i32
      %mul3A_455 = arith.muli %add3A_451, %mul3A_454 : i32
      %add3A_456 = arith.addi %mul3A_453, %mul3A_455 : i32
      %multiple_of3A_457 = tpu.assume_multiple %add3A_456, 8 : i32
      %dma_start3A_458 = tpu.memref_slice %arg4[%multiple_of3A_457] : memref<320000xi32, #tpu.memory_space<hbm>> -> memref<80xi32, #tpu.memory_space<hbm>>
      %dma_start3A_459 = tpu.memref_slice %arg4[%multiple_of3A_457] : memref<320000xi32, #tpu.memory_space<hbm>> -> memref<80xi32, #tpu.memory_space<hbm>>
      tpu.enqueue_dma source(%dma_start3A_459 : memref<80xi32, #tpu.memory_space<hbm>>) target(%arg7 : memref<80xi32, #tpu.memory_space<vmem>>) target_semaphore(%arg20 : memref<!tpu.dma_semaphore, #tpu.memory_space<semaphore_mem>>)
      %sub3A_460 = arith.constant 1 : i32
      %sub3A_461 = arith.subi %add3A_441, %sub3A_460 : i32
      %add3A_462 = arith.constant 4 : i32
      %add3A_463 = arith.addi %sub3A_461, %add3A_462 : i32
      %mul3A_464 = arith.constant 10000 : i32
      %mul3A_465 = arith.muli %add3A, %mul3A_464 : i32
      %mul3A_466 = arith.constant 80 : i32
      %mul3A_467 = arith.muli %add3A_463, %mul3A_466 : i32
      %add3A_468 = arith.addi %mul3A_465, %mul3A_467 : i32
      %multiple_of3A_469 = tpu.assume_multiple %add3A_468, 8 : i32
      %dma_start3A_470 = tpu.memref_slice %arg3[%multiple_of3A_469] : memref<320000xi32, #tpu.memory_space<hbm>> -> memref<80xi32, #tpu.memory_space<hbm>>
      %dma_start3A_471 = tpu.memref_slice %arg3[%multiple_of3A_469] : memref<320000xi32, #tpu.memory_space<hbm>> -> memref<80xi32, #tpu.memory_space<hbm>>
      tpu.enqueue_dma source(%dma_start3A_471 : memref<80xi32, #tpu.memory_space<hbm>>) target(%arg11 : memref<80xi32, #tpu.memory_space<vmem>>) target_semaphore(%arg24 : memref<!tpu.dma_semaphore, #tpu.memory_space<semaphore_mem>>)
      %add3A_472 = arith.constant 3 : i32
      %add3A_473 = arith.addi %add3A_441, %add3A_472 : i32
      %mul3A_474 = arith.constant 10000 : i32
      %mul3A_475 = arith.muli %add3A, %mul3A_474 : i32
      %mul3A_476 = arith.constant 80 : i32
      %mul3A_477 = arith.muli %add3A_473, %mul3A_476 : i32
      %add3A_478 = arith.addi %mul3A_475, %mul3A_477 : i32
      %multiple_of3A_479 = tpu.assume_multiple %add3A_478, 8 : i32
      %dma_wait3A_480 = tpu.memref_slice %arg4[%multiple_of3A_479] : memref<320000xi32, #tpu.memory_space<hbm>> -> memref<80xi32, #tpu.memory_space<hbm>>
      %dma_wait3A_481 = tpu.memref_slice %arg4[%multiple_of3A_479] : memref<320000xi32, #tpu.memory_space<hbm>> -> memref<80xi32, #tpu.memory_space<hbm>>
      tpu.wait_dma2 semaphore(%arg20 : memref<!tpu.dma_semaphore, #tpu.memory_space<semaphore_mem>>) src(%dma_wait3A_481 : memref<80xi32, #tpu.memory_space<hbm>>) dst(%arg7 : memref<80xi32, #tpu.memory_space<vmem>>)
      %dma_start3A_482 = arith.constant 0 : i32
      %dma_start3A_483 = arith.constant 0 : i32
      %dma_start3A_484 = tpu.memref_slice %arg2[%dma_start3A_482, %dma_start3A_483] : memref<10000x128xf32, #tpu.memory_space<hbm>> -> memref<10000x128xf32, #tpu.memory_space<hbm>>
      tpu.enqueue_indirect_dma source(%dma_start3A_484 : memref<10000x128xf32, #tpu.memory_space<hbm>>) target(%arg15 : memref<80x128xf32, #tpu.memory_space<vmem>>) offsets(%arg7 : memref<80xi32, #tpu.memory_space<vmem>>) semaphore(%arg28 : memref<!tpu.dma_semaphore, #tpu.memory_space<semaphore_mem>>)
      %mul3A_485 = arith.constant 10000 : i32
      %mul3A_486 = arith.muli %add3A, %mul3A_485 : i32
      %mul3A_487 = arith.constant 80 : i32
      %mul3A_488 = arith.muli %add3A_441, %mul3A_487 : i32
      %add3A_489 = arith.addi %mul3A_486, %mul3A_488 : i32
      %multiple_of3A_490 = tpu.assume_multiple %add3A_489, 8 : i32
      %dma_wait3A_491 = tpu.memref_slice %arg3[%multiple_of3A_490] : memref<320000xi32, #tpu.memory_space<hbm>> -> memref<80xi32, #tpu.memory_space<hbm>>
      %dma_wait3A_492 = tpu.memref_slice %arg3[%multiple_of3A_490] : memref<320000xi32, #tpu.memory_space<hbm>> -> memref<80xi32, #tpu.memory_space<hbm>>
      tpu.wait_dma2 semaphore(%arg25 : memref<!tpu.dma_semaphore, #tpu.memory_space<semaphore_mem>>) src(%dma_wait3A_492 : memref<80xi32, #tpu.memory_space<hbm>>) dst(%arg12 : memref<80xi32, #tpu.memory_space<vmem>>)
      %dma_start3A_493 = arith.constant 0 : i32
      %dma_start3A_494 = arith.constant 0 : i32
      %dma_start3A_495 = tpu.memref_slice %arg19[%dma_start3A_493, %dma_start3A_494] : memref<10000x128xf32, #tpu.memory_space<vmem_shared>> -> memref<10000x128xf32, #tpu.memory_space<vmem_shared>>
      tpu.enqueue_indirect_dma source(%arg16 : memref<80x128xf32, #tpu.memory_space<vmem>>) target(%dma_start3A_495 : memref<10000x128xf32, #tpu.memory_space<vmem_shared>>) offsets(%arg12 : memref<80xi32, #tpu.memory_space<vmem>>) semaphore(%arg33 : memref<!tpu.dma_semaphore, #tpu.memory_space<semaphore_mem>>) {add = true}
      %mul3A_496 = arith.constant 4 : i32
      %mul3A_497 = arith.muli %mul3A_496, %add3A_380 : i32
      %add3A_498 = arith.constant 2 : i32
      %add3A_499 = arith.addi %mul3A_497, %add3A_498 : i32
      %dma_wait3A_500 = arith.constant 0 : i32
      %dma_wait3A_501 = arith.constant 0 : i32
      %dma_wait3A_502 = tpu.memref_slice %arg2[%dma_wait3A_500, %dma_wait3A_501] : memref<10000x128xf32, #tpu.memory_space<hbm>> -> memref<10000x128xf32, #tpu.memory_space<hbm>>
      tpu.wait_indirect_dma semaphore(%arg30 : memref<!tpu.dma_semaphore, #tpu.memory_space<semaphore_mem>>) src(%dma_wait3A_502 : memref<10000x128xf32, #tpu.memory_space<hbm>>) dst(%arg17 : memref<80x128xf32, #tpu.memory_space<vmem>>)
      %dma_wait3A_503 = arith.constant 0 : i32
      %dma_wait3A_504 = arith.constant 0 : i32
      %dma_wait3A_505 = tpu.memref_slice %arg19[%dma_wait3A_503, %dma_wait3A_504] : memref<10000x128xf32, #tpu.memory_space<vmem_shared>> -> memref<10000x128xf32, #tpu.memory_space<vmem_shared>>
      tpu.wait_indirect_dma semaphore(%arg33 : memref<!tpu.dma_semaphore, #tpu.memory_space<semaphore_mem>>) src(%arg16 : memref<80x128xf32, #tpu.memory_space<vmem>>) dst(%dma_wait3A_505 : memref<10000x128xf32, #tpu.memory_space<vmem_shared>>)
      %sub3A_506 = arith.constant 1 : i32
      %sub3A_507 = arith.subi %add3A_499, %sub3A_506 : i32
      %add3A_508 = arith.constant 4 : i32
      %add3A_509 = arith.addi %sub3A_507, %add3A_508 : i32
      %mul3A_510 = arith.constant 10000 : i32
      %mul3A_511 = arith.muli %add3A, %mul3A_510 : i32
      %mul3A_512 = arith.constant 80 : i32
      %mul3A_513 = arith.muli %add3A_509, %mul3A_512 : i32
      %add3A_514 = arith.addi %mul3A_511, %mul3A_513 : i32
      %multiple_of3A_515 = tpu.assume_multiple %add3A_514, 8 : i32
      %dma_start3A_516 = tpu.memref_slice %arg4[%multiple_of3A_515] : memref<320000xi32, #tpu.memory_space<hbm>> -> memref<80xi32, #tpu.memory_space<hbm>>
      %dma_start3A_517 = tpu.memref_slice %arg4[%multiple_of3A_515] : memref<320000xi32, #tpu.memory_space<hbm>> -> memref<80xi32, #tpu.memory_space<hbm>>
      tpu.enqueue_dma source(%dma_start3A_517 : memref<80xi32, #tpu.memory_space<hbm>>) target(%arg8 : memref<80xi32, #tpu.memory_space<vmem>>) target_semaphore(%arg21 : memref<!tpu.dma_semaphore, #tpu.memory_space<semaphore_mem>>)
      %sub3A_518 = arith.constant 1 : i32
      %sub3A_519 = arith.subi %add3A_499, %sub3A_518 : i32
      %add3A_520 = arith.constant 4 : i32
      %add3A_521 = arith.addi %sub3A_519, %add3A_520 : i32
      %mul3A_522 = arith.constant 10000 : i32
      %mul3A_523 = arith.muli %add3A, %mul3A_522 : i32
      %mul3A_524 = arith.constant 80 : i32
      %mul3A_525 = arith.muli %add3A_521, %mul3A_524 : i32
      %add3A_526 = arith.addi %mul3A_523, %mul3A_525 : i32
      %multiple_of3A_527 = tpu.assume_multiple %add3A_526, 8 : i32
      %dma_start3A_528 = tpu.memref_slice %arg3[%multiple_of3A_527] : memref<320000xi32, #tpu.memory_space<hbm>> -> memref<80xi32, #tpu.memory_space<hbm>>
      %dma_start3A_529 = tpu.memref_slice %arg3[%multiple_of3A_527] : memref<320000xi32, #tpu.memory_space<hbm>> -> memref<80xi32, #tpu.memory_space<hbm>>
      tpu.enqueue_dma source(%dma_start3A_529 : memref<80xi32, #tpu.memory_space<hbm>>) target(%arg12 : memref<80xi32, #tpu.memory_space<vmem>>) target_semaphore(%arg25 : memref<!tpu.dma_semaphore, #tpu.memory_space<semaphore_mem>>)
      %add3A_530 = arith.constant 3 : i32
      %add3A_531 = arith.addi %add3A_499, %add3A_530 : i32
      %mul3A_532 = arith.constant 10000 : i32
      %mul3A_533 = arith.muli %add3A, %mul3A_532 : i32
      %mul3A_534 = arith.constant 80 : i32
      %mul3A_535 = arith.muli %add3A_531, %mul3A_534 : i32
      %add3A_536 = arith.addi %mul3A_533, %mul3A_535 : i32
      %multiple_of3A_537 = tpu.assume_multiple %add3A_536, 8 : i32
      %dma_wait3A_538 = tpu.memref_slice %arg4[%multiple_of3A_537] : memref<320000xi32, #tpu.memory_space<hbm>> -> memref<80xi32, #tpu.memory_space<hbm>>
      %dma_wait3A_539 = tpu.memref_slice %arg4[%multiple_of3A_537] : memref<320000xi32, #tpu.memory_space<hbm>> -> memref<80xi32, #tpu.memory_space<hbm>>
      tpu.wait_dma2 semaphore(%arg21 : memref<!tpu.dma_semaphore, #tpu.memory_space<semaphore_mem>>) src(%dma_wait3A_539 : memref<80xi32, #tpu.memory_space<hbm>>) dst(%arg8 : memref<80xi32, #tpu.memory_space<vmem>>)
      %dma_start3A_540 = arith.constant 0 : i32
      %dma_start3A_541 = arith.constant 0 : i32
      %dma_start3A_542 = tpu.memref_slice %arg2[%dma_start3A_540, %dma_start3A_541] : memref<10000x128xf32, #tpu.memory_space<hbm>> -> memref<10000x128xf32, #tpu.memory_space<hbm>>
      tpu.enqueue_indirect_dma source(%dma_start3A_542 : memref<10000x128xf32, #tpu.memory_space<hbm>>) target(%arg16 : memref<80x128xf32, #tpu.memory_space<vmem>>) offsets(%arg8 : memref<80xi32, #tpu.memory_space<vmem>>) semaphore(%arg29 : memref<!tpu.dma_semaphore, #tpu.memory_space<semaphore_mem>>)
      %mul3A_543 = arith.constant 10000 : i32
      %mul3A_544 = arith.muli %add3A, %mul3A_543 : i32
      %mul3A_545 = arith.constant 80 : i32
      %mul3A_546 = arith.muli %add3A_499, %mul3A_545 : i32
      %add3A_547 = arith.addi %mul3A_544, %mul3A_546 : i32
      %multiple_of3A_548 = tpu.assume_multiple %add3A_547, 8 : i32
      %dma_wait3A_549 = tpu.memref_slice %arg3[%multiple_of3A_548] : memref<320000xi32, #tpu.memory_space<hbm>> -> memref<80xi32, #tpu.memory_space<hbm>>
      %dma_wait3A_550 = tpu.memref_slice %arg3[%multiple_of3A_548] : memref<320000xi32, #tpu.memory_space<hbm>> -> memref<80xi32, #tpu.memory_space<hbm>>
      tpu.wait_dma2 semaphore(%arg26 : memref<!tpu.dma_semaphore, #tpu.memory_space<semaphore_mem>>) src(%dma_wait3A_550 : memref<80xi32, #tpu.memory_space<hbm>>) dst(%arg13 : memref<80xi32, #tpu.memory_space<vmem>>)
      %dma_start3A_551 = arith.constant 0 : i32
      %dma_start3A_552 = arith.constant 0 : i32
      %dma_start3A_553 = tpu.memref_slice %arg19[%dma_start3A_551, %dma_start3A_552] : memref<10000x128xf32, #tpu.memory_space<vmem_shared>> -> memref<10000x128xf32, #tpu.memory_space<vmem_shared>>
      tpu.enqueue_indirect_dma source(%arg17 : memref<80x128xf32, #tpu.memory_space<vmem>>) target(%dma_start3A_553 : memref<10000x128xf32, #tpu.memory_space<vmem_shared>>) offsets(%arg13 : memref<80xi32, #tpu.memory_space<vmem>>) semaphore(%arg34 : memref<!tpu.dma_semaphore, #tpu.memory_space<semaphore_mem>>) {add = true}
      %mul3A_554 = arith.constant 4 : i32
      %mul3A_555 = arith.muli %mul3A_554, %add3A_380 : i32
      %add3A_556 = arith.constant 3 : i32
      %add3A_557 = arith.addi %mul3A_555, %add3A_556 : i32
      %dma_wait3A_558 = arith.constant 0 : i32
      %dma_wait3A_559 = arith.constant 0 : i32
      %dma_wait3A_560 = tpu.memref_slice %arg2[%dma_wait3A_558, %dma_wait3A_559] : memref<10000x128xf32, #tpu.memory_space<hbm>> -> memref<10000x128xf32, #tpu.memory_space<hbm>>
      tpu.wait_indirect_dma semaphore(%arg31 : memref<!tpu.dma_semaphore, #tpu.memory_space<semaphore_mem>>) src(%dma_wait3A_560 : memref<10000x128xf32, #tpu.memory_space<hbm>>) dst(%arg18 : memref<80x128xf32, #tpu.memory_space<vmem>>)
      %dma_wait3A_561 = arith.constant 0 : i32
      %dma_wait3A_562 = arith.constant 0 : i32
      %dma_wait3A_563 = tpu.memref_slice %arg19[%dma_wait3A_561, %dma_wait3A_562] : memref<10000x128xf32, #tpu.memory_space<vmem_shared>> -> memref<10000x128xf32, #tpu.memory_space<vmem_shared>>
      tpu.wait_indirect_dma semaphore(%arg34 : memref<!tpu.dma_semaphore, #tpu.memory_space<semaphore_mem>>) src(%arg17 : memref<80x128xf32, #tpu.memory_space<vmem>>) dst(%dma_wait3A_563 : memref<10000x128xf32, #tpu.memory_space<vmem_shared>>)
      %sub3A_564 = arith.constant 1 : i32
      %sub3A_565 = arith.subi %add3A_557, %sub3A_564 : i32
      %add3A_566 = arith.constant 4 : i32
      %add3A_567 = arith.addi %sub3A_565, %add3A_566 : i32
      %mul3A_568 = arith.constant 10000 : i32
      %mul3A_569 = arith.muli %add3A, %mul3A_568 : i32
      %mul3A_570 = arith.constant 80 : i32
      %mul3A_571 = arith.muli %add3A_567, %mul3A_570 : i32
      %add3A_572 = arith.addi %mul3A_569, %mul3A_571 : i32
      %multiple_of3A_573 = tpu.assume_multiple %add3A_572, 8 : i32
      %dma_start3A_574 = tpu.memref_slice %arg4[%multiple_of3A_573] : memref<320000xi32, #tpu.memory_space<hbm>> -> memref<80xi32, #tpu.memory_space<hbm>>
      %dma_start3A_575 = tpu.memref_slice %arg4[%multiple_of3A_573] : memref<320000xi32, #tpu.memory_space<hbm>> -> memref<80xi32, #tpu.memory_space<hbm>>
      tpu.enqueue_dma source(%dma_start3A_575 : memref<80xi32, #tpu.memory_space<hbm>>) target(%arg9 : memref<80xi32, #tpu.memory_space<vmem>>) target_semaphore(%arg22 : memref<!tpu.dma_semaphore, #tpu.memory_space<semaphore_mem>>)
      %sub3A_576 = arith.constant 1 : i32
      %sub3A_577 = arith.subi %add3A_557, %sub3A_576 : i32
      %add3A_578 = arith.constant 4 : i32
      %add3A_579 = arith.addi %sub3A_577, %add3A_578 : i32
      %mul3A_580 = arith.constant 10000 : i32
      %mul3A_581 = arith.muli %add3A, %mul3A_580 : i32
      %mul3A_582 = arith.constant 80 : i32
      %mul3A_583 = arith.muli %add3A_579, %mul3A_582 : i32
      %add3A_584 = arith.addi %mul3A_581, %mul3A_583 : i32
      %multiple_of3A_585 = tpu.assume_multiple %add3A_584, 8 : i32
      %dma_start3A_586 = tpu.memref_slice %arg3[%multiple_of3A_585] : memref<320000xi32, #tpu.memory_space<hbm>> -> memref<80xi32, #tpu.memory_space<hbm>>
      %dma_start3A_587 = tpu.memref_slice %arg3[%multiple_of3A_585] : memref<320000xi32, #tpu.memory_space<hbm>> -> memref<80xi32, #tpu.memory_space<hbm>>
      tpu.enqueue_dma source(%dma_start3A_587 : memref<80xi32, #tpu.memory_space<hbm>>) target(%arg13 : memref<80xi32, #tpu.memory_space<vmem>>) target_semaphore(%arg26 : memref<!tpu.dma_semaphore, #tpu.memory_space<semaphore_mem>>)
      %add3A_588 = arith.constant 3 : i32
      %add3A_589 = arith.addi %add3A_557, %add3A_588 : i32
      %mul3A_590 = arith.constant 10000 : i32
      %mul3A_591 = arith.muli %add3A, %mul3A_590 : i32
      %mul3A_592 = arith.constant 80 : i32
      %mul3A_593 = arith.muli %add3A_589, %mul3A_592 : i32
      %add3A_594 = arith.addi %mul3A_591, %mul3A_593 : i32
      %multiple_of3A_595 = tpu.assume_multiple %add3A_594, 8 : i32
      %dma_wait3A_596 = tpu.memref_slice %arg4[%multiple_of3A_595] : memref<320000xi32, #tpu.memory_space<hbm>> -> memref<80xi32, #tpu.memory_space<hbm>>
      %dma_wait3A_597 = tpu.memref_slice %arg4[%multiple_of3A_595] : memref<320000xi32, #tpu.memory_space<hbm>> -> memref<80xi32, #tpu.memory_space<hbm>>
      tpu.wait_dma2 semaphore(%arg22 : memref<!tpu.dma_semaphore, #tpu.memory_space<semaphore_mem>>) src(%dma_wait3A_597 : memref<80xi32, #tpu.memory_space<hbm>>) dst(%arg9 : memref<80xi32, #tpu.memory_space<vmem>>)
      %dma_start3A_598 = arith.constant 0 : i32
      %dma_start3A_599 = arith.constant 0 : i32
      %dma_start3A_600 = tpu.memref_slice %arg2[%dma_start3A_598, %dma_start3A_599] : memref<10000x128xf32, #tpu.memory_space<hbm>> -> memref<10000x128xf32, #tpu.memory_space<hbm>>
      tpu.enqueue_indirect_dma source(%dma_start3A_600 : memref<10000x128xf32, #tpu.memory_space<hbm>>) target(%arg17 : memref<80x128xf32, #tpu.memory_space<vmem>>) offsets(%arg9 : memref<80xi32, #tpu.memory_space<vmem>>) semaphore(%arg30 : memref<!tpu.dma_semaphore, #tpu.memory_space<semaphore_mem>>)
      %mul3A_601 = arith.constant 10000 : i32
      %mul3A_602 = arith.muli %add3A, %mul3A_601 : i32
      %mul3A_603 = arith.constant 80 : i32
      %mul3A_604 = arith.muli %add3A_557, %mul3A_603 : i32
      %add3A_605 = arith.addi %mul3A_602, %mul3A_604 : i32
      %multiple_of3A_606 = tpu.assume_multiple %add3A_605, 8 : i32
      %dma_wait3A_607 = tpu.memref_slice %arg3[%multiple_of3A_606] : memref<320000xi32, #tpu.memory_space<hbm>> -> memref<80xi32, #tpu.memory_space<hbm>>
      %dma_wait3A_608 = tpu.memref_slice %arg3[%multiple_of3A_606] : memref<320000xi32, #tpu.memory_space<hbm>> -> memref<80xi32, #tpu.memory_space<hbm>>
      tpu.wait_dma2 semaphore(%arg27 : memref<!tpu.dma_semaphore, #tpu.memory_space<semaphore_mem>>) src(%dma_wait3A_608 : memref<80xi32, #tpu.memory_space<hbm>>) dst(%arg14 : memref<80xi32, #tpu.memory_space<vmem>>)
      %dma_start3A_609 = arith.constant 0 : i32
      %dma_start3A_610 = arith.constant 0 : i32
      %dma_start3A_611 = tpu.memref_slice %arg19[%dma_start3A_609, %dma_start3A_610] : memref<10000x128xf32, #tpu.memory_space<vmem_shared>> -> memref<10000x128xf32, #tpu.memory_space<vmem_shared>>
      tpu.enqueue_indirect_dma source(%arg18 : memref<80x128xf32, #tpu.memory_space<vmem>>) target(%dma_start3A_611 : memref<10000x128xf32, #tpu.memory_space<vmem_shared>>) offsets(%arg14 : memref<80xi32, #tpu.memory_space<vmem>>) semaphore(%arg35 : memref<!tpu.dma_semaphore, #tpu.memory_space<semaphore_mem>>) {add = true}
    }
    %scan3A_235 = arith.constant 29 : i32
    %dma_wait3A_236 = arith.constant 0 : i32
    %dma_wait3A_237 = arith.constant 0 : i32
    %dma_wait3A_238 = tpu.memref_slice %arg2[%dma_wait3A_236, %dma_wait3A_237] : memref<10000x128xf32, #tpu.memory_space<hbm>> -> memref<10000x128xf32, #tpu.memory_space<hbm>>
    tpu.wait_indirect_dma semaphore(%arg28 : memref<!tpu.dma_semaphore, #tpu.memory_space<semaphore_mem>>) src(%dma_wait3A_238 : memref<10000x128xf32, #tpu.memory_space<hbm>>) dst(%arg15 : memref<80x128xf32, #tpu.memory_space<vmem>>)
    %dma_wait3A_239 = arith.constant 0 : i32
    %dma_wait3A_240 = arith.constant 0 : i32
    %dma_wait3A_241 = tpu.memref_slice %arg19[%dma_wait3A_239, %dma_wait3A_240] : memref<10000x128xf32, #tpu.memory_space<vmem_shared>> -> memref<10000x128xf32, #tpu.memory_space<vmem_shared>>
    tpu.wait_indirect_dma semaphore(%arg35 : memref<!tpu.dma_semaphore, #tpu.memory_space<semaphore_mem>>) src(%arg18 : memref<80x128xf32, #tpu.memory_space<vmem>>) dst(%dma_wait3A_241 : memref<10000x128xf32, #tpu.memory_space<vmem_shared>>)
    %mul3A_242 = arith.constant 10000 : i32
    %mul3A_243 = arith.muli %add3A, %mul3A_242 : i32
    %add3A_244 = arith.constant 9840 : i32
    %add3A_245 = arith.addi %mul3A_243, %add3A_244 : i32
    %multiple_of3A_246 = tpu.assume_multiple %add3A_245, 8 : i32
    %dma_start3A_247 = tpu.memref_slice %arg4[%multiple_of3A_246] : memref<320000xi32, #tpu.memory_space<hbm>> -> memref<80xi32, #tpu.memory_space<hbm>>
    %dma_start3A_248 = tpu.memref_slice %arg4[%multiple_of3A_246] : memref<320000xi32, #tpu.memory_space<hbm>> -> memref<80xi32, #tpu.memory_space<hbm>>
    tpu.enqueue_dma source(%dma_start3A_248 : memref<80xi32, #tpu.memory_space<hbm>>) target(%arg10 : memref<80xi32, #tpu.memory_space<vmem>>) target_semaphore(%arg23 : memref<!tpu.dma_semaphore, #tpu.memory_space<semaphore_mem>>)
    %mul3A_249 = arith.constant 10000 : i32
    %mul3A_250 = arith.muli %add3A, %mul3A_249 : i32
    %add3A_251 = arith.constant 9840 : i32
    %add3A_252 = arith.addi %mul3A_250, %add3A_251 : i32
    %multiple_of3A_253 = tpu.assume_multiple %add3A_252, 8 : i32
    %dma_start3A_254 = tpu.memref_slice %arg3[%multiple_of3A_253] : memref<320000xi32, #tpu.memory_space<hbm>> -> memref<80xi32, #tpu.memory_space<hbm>>
    %dma_start3A_255 = tpu.memref_slice %arg3[%multiple_of3A_253] : memref<320000xi32, #tpu.memory_space<hbm>> -> memref<80xi32, #tpu.memory_space<hbm>>
    tpu.enqueue_dma source(%dma_start3A_255 : memref<80xi32, #tpu.memory_space<hbm>>) target(%arg14 : memref<80xi32, #tpu.memory_space<vmem>>) target_semaphore(%arg27 : memref<!tpu.dma_semaphore, #tpu.memory_space<semaphore_mem>>)
    %mul3A_256 = arith.constant 10000 : i32
    %mul3A_257 = arith.muli %add3A, %mul3A_256 : i32
    %add3A_258 = arith.constant 9840 : i32
    %add3A_259 = arith.addi %mul3A_257, %add3A_258 : i32
    %multiple_of3A_260 = tpu.assume_multiple %add3A_259, 8 : i32
    %dma_wait3A_261 = tpu.memref_slice %arg4[%multiple_of3A_260] : memref<320000xi32, #tpu.memory_space<hbm>> -> memref<80xi32, #tpu.memory_space<hbm>>
    %dma_wait3A_262 = tpu.memref_slice %arg4[%multiple_of3A_260] : memref<320000xi32, #tpu.memory_space<hbm>> -> memref<80xi32, #tpu.memory_space<hbm>>
    tpu.wait_dma2 semaphore(%arg23 : memref<!tpu.dma_semaphore, #tpu.memory_space<semaphore_mem>>) src(%dma_wait3A_262 : memref<80xi32, #tpu.memory_space<hbm>>) dst(%arg10 : memref<80xi32, #tpu.memory_space<vmem>>)
    %dma_start3A_263 = arith.constant 0 : i32
    %dma_start3A_264 = arith.constant 0 : i32
    %dma_start3A_265 = tpu.memref_slice %arg2[%dma_start3A_263, %dma_start3A_264] : memref<10000x128xf32, #tpu.memory_space<hbm>> -> memref<10000x128xf32, #tpu.memory_space<hbm>>
    tpu.enqueue_indirect_dma source(%dma_start3A_265 : memref<10000x128xf32, #tpu.memory_space<hbm>>) target(%arg18 : memref<80x128xf32, #tpu.memory_space<vmem>>) offsets(%arg10 : memref<80xi32, #tpu.memory_space<vmem>>) semaphore(%arg31 : memref<!tpu.dma_semaphore, #tpu.memory_space<semaphore_mem>>)
    %mul3A_266 = arith.constant 10000 : i32
    %mul3A_267 = arith.muli %add3A, %mul3A_266 : i32
    %add3A_268 = arith.constant 9600 : i32
    %add3A_269 = arith.addi %mul3A_267, %add3A_268 : i32
    %multiple_of3A_270 = tpu.assume_multiple %add3A_269, 8 : i32
    %dma_wait3A_271 = tpu.memref_slice %arg3[%multiple_of3A_270] : memref<320000xi32, #tpu.memory_space<hbm>> -> memref<80xi32, #tpu.memory_space<hbm>>
    %dma_wait3A_272 = tpu.memref_slice %arg3[%multiple_of3A_270] : memref<320000xi32, #tpu.memory_space<hbm>> -> memref<80xi32, #tpu.memory_space<hbm>>
    tpu.wait_dma2 semaphore(%arg24 : memref<!tpu.dma_semaphore, #tpu.memory_space<semaphore_mem>>) src(%dma_wait3A_272 : memref<80xi32, #tpu.memory_space<hbm>>) dst(%arg11 : memref<80xi32, #tpu.memory_space<vmem>>)
    %dma_start3A_273 = arith.constant 0 : i32
    %dma_start3A_274 = arith.constant 0 : i32
    %dma_start3A_275 = tpu.memref_slice %arg19[%dma_start3A_273, %dma_start3A_274] : memref<10000x128xf32, #tpu.memory_space<vmem_shared>> -> memref<10000x128xf32, #tpu.memory_space<vmem_shared>>
    tpu.enqueue_indirect_dma source(%arg15 : memref<80x128xf32, #tpu.memory_space<vmem>>) target(%dma_start3A_275 : memref<10000x128xf32, #tpu.memory_space<vmem_shared>>) offsets(%arg11 : memref<80xi32, #tpu.memory_space<vmem>>) semaphore(%arg32 : memref<!tpu.dma_semaphore, #tpu.memory_space<semaphore_mem>>) {add = true}
    %dma_wait3A_276 = arith.constant 0 : i32
    %dma_wait3A_277 = arith.constant 0 : i32
    %dma_wait3A_278 = tpu.memref_slice %arg2[%dma_wait3A_276, %dma_wait3A_277] : memref<10000x128xf32, #tpu.memory_space<hbm>> -> memref<10000x128xf32, #tpu.memory_space<hbm>>
    tpu.wait_indirect_dma semaphore(%arg29 : memref<!tpu.dma_semaphore, #tpu.memory_space<semaphore_mem>>) src(%dma_wait3A_278 : memref<10000x128xf32, #tpu.memory_space<hbm>>) dst(%arg16 : memref<80x128xf32, #tpu.memory_space<vmem>>)
    %dma_wait3A_279 = arith.constant 0 : i32
    %dma_wait3A_280 = arith.constant 0 : i32
    %dma_wait3A_281 = tpu.memref_slice %arg19[%dma_wait3A_279, %dma_wait3A_280] : memref<10000x128xf32, #tpu.memory_space<vmem_shared>> -> memref<10000x128xf32, #tpu.memory_space<vmem_shared>>
    tpu.wait_indirect_dma semaphore(%arg32 : memref<!tpu.dma_semaphore, #tpu.memory_space<semaphore_mem>>) src(%arg15 : memref<80x128xf32, #tpu.memory_space<vmem>>) dst(%dma_wait3A_281 : memref<10000x128xf32, #tpu.memory_space<vmem_shared>>)
    %mul3A_282 = arith.constant 10000 : i32
    %mul3A_283 = arith.muli %add3A, %mul3A_282 : i32
    %add3A_284 = arith.constant 9920 : i32
    %add3A_285 = arith.addi %mul3A_283, %add3A_284 : i32
    %multiple_of3A_286 = tpu.assume_multiple %add3A_285, 8 : i32
    %dma_start3A_287 = tpu.memref_slice %arg4[%multiple_of3A_286] : memref<320000xi32, #tpu.memory_space<hbm>> -> memref<80xi32, #tpu.memory_space<hbm>>
    %dma_start3A_288 = tpu.memref_slice %arg4[%multiple_of3A_286] : memref<320000xi32, #tpu.memory_space<hbm>> -> memref<80xi32, #tpu.memory_space<hbm>>
    tpu.enqueue_dma source(%dma_start3A_288 : memref<80xi32, #tpu.memory_space<hbm>>) target(%arg7 : memref<80xi32, #tpu.memory_space<vmem>>) target_semaphore(%arg20 : memref<!tpu.dma_semaphore, #tpu.memory_space<semaphore_mem>>)
    %mul3A_289 = arith.constant 10000 : i32
    %mul3A_290 = arith.muli %add3A, %mul3A_289 : i32
    %add3A_291 = arith.constant 9920 : i32
    %add3A_292 = arith.addi %mul3A_290, %add3A_291 : i32
    %multiple_of3A_293 = tpu.assume_multiple %add3A_292, 8 : i32
    %dma_start3A_294 = tpu.memref_slice %arg3[%multiple_of3A_293] : memref<320000xi32, #tpu.memory_space<hbm>> -> memref<80xi32, #tpu.memory_space<hbm>>
    %dma_start3A_295 = tpu.memref_slice %arg3[%multiple_of3A_293] : memref<320000xi32, #tpu.memory_space<hbm>> -> memref<80xi32, #tpu.memory_space<hbm>>
    tpu.enqueue_dma source(%dma_start3A_295 : memref<80xi32, #tpu.memory_space<hbm>>) target(%arg11 : memref<80xi32, #tpu.memory_space<vmem>>) target_semaphore(%arg24 : memref<!tpu.dma_semaphore, #tpu.memory_space<semaphore_mem>>)
    %mul3A_296 = arith.constant 10000 : i32
    %mul3A_297 = arith.muli %add3A, %mul3A_296 : i32
    %add3A_298 = arith.constant 9920 : i32
    %add3A_299 = arith.addi %mul3A_297, %add3A_298 : i32
    %multiple_of3A_300 = tpu.assume_multiple %add3A_299, 8 : i32
    %dma_wait3A_301 = tpu.memref_slice %arg4[%multiple_of3A_300] : memref<320000xi32, #tpu.memory_space<hbm>> -> memref<80xi32, #tpu.memory_space<hbm>>
    %dma_wait3A_302 = tpu.memref_slice %arg4[%multiple_of3A_300] : memref<320000xi32, #tpu.memory_space<hbm>> -> memref<80xi32, #tpu.memory_space<hbm>>
    tpu.wait_dma2 semaphore(%arg20 : memref<!tpu.dma_semaphore, #tpu.memory_space<semaphore_mem>>) src(%dma_wait3A_302 : memref<80xi32, #tpu.memory_space<hbm>>) dst(%arg7 : memref<80xi32, #tpu.memory_space<vmem>>)
    %dma_start3A_303 = arith.constant 0 : i32
    %dma_start3A_304 = arith.constant 0 : i32
    %dma_start3A_305 = tpu.memref_slice %arg2[%dma_start3A_303, %dma_start3A_304] : memref<10000x128xf32, #tpu.memory_space<hbm>> -> memref<10000x128xf32, #tpu.memory_space<hbm>>
    tpu.enqueue_indirect_dma source(%dma_start3A_305 : memref<10000x128xf32, #tpu.memory_space<hbm>>) target(%arg15 : memref<80x128xf32, #tpu.memory_space<vmem>>) offsets(%arg7 : memref<80xi32, #tpu.memory_space<vmem>>) semaphore(%arg28 : memref<!tpu.dma_semaphore, #tpu.memory_space<semaphore_mem>>)
    %mul3A_306 = arith.constant 10000 : i32
    %mul3A_307 = arith.muli %add3A, %mul3A_306 : i32
    %add3A_308 = arith.constant 9680 : i32
    %add3A_309 = arith.addi %mul3A_307, %add3A_308 : i32
    %multiple_of3A_310 = tpu.assume_multiple %add3A_309, 8 : i32
    %dma_wait3A_311 = tpu.memref_slice %arg3[%multiple_of3A_310] : memref<320000xi32, #tpu.memory_space<hbm>> -> memref<80xi32, #tpu.memory_space<hbm>>
    %dma_wait3A_312 = tpu.memref_slice %arg3[%multiple_of3A_310] : memref<320000xi32, #tpu.memory_space<hbm>> -> memref<80xi32, #tpu.memory_space<hbm>>
    tpu.wait_dma2 semaphore(%arg25 : memref<!tpu.dma_semaphore, #tpu.memory_space<semaphore_mem>>) src(%dma_wait3A_312 : memref<80xi32, #tpu.memory_space<hbm>>) dst(%arg12 : memref<80xi32, #tpu.memory_space<vmem>>)
    %dma_start3A_313 = arith.constant 0 : i32
    %dma_start3A_314 = arith.constant 0 : i32
    %dma_start3A_315 = tpu.memref_slice %arg19[%dma_start3A_313, %dma_start3A_314] : memref<10000x128xf32, #tpu.memory_space<vmem_shared>> -> memref<10000x128xf32, #tpu.memory_space<vmem_shared>>
    tpu.enqueue_indirect_dma source(%arg16 : memref<80x128xf32, #tpu.memory_space<vmem>>) target(%dma_start3A_315 : memref<10000x128xf32, #tpu.memory_space<vmem_shared>>) offsets(%arg12 : memref<80xi32, #tpu.memory_space<vmem>>) semaphore(%arg33 : memref<!tpu.dma_semaphore, #tpu.memory_space<semaphore_mem>>) {add = true}
    %dma_wait3A_316 = arith.constant 0 : i32
    %dma_wait3A_317 = arith.constant 0 : i32
    %dma_wait3A_318 = tpu.memref_slice %arg2[%dma_wait3A_316, %dma_wait3A_317] : memref<10000x128xf32, #tpu.memory_space<hbm>> -> memref<10000x128xf32, #tpu.memory_space<hbm>>
    tpu.wait_indirect_dma semaphore(%arg30 : memref<!tpu.dma_semaphore, #tpu.memory_space<semaphore_mem>>) src(%dma_wait3A_318 : memref<10000x128xf32, #tpu.memory_space<hbm>>) dst(%arg17 : memref<80x128xf32, #tpu.memory_space<vmem>>)
    %dma_wait3A_319 = arith.constant 0 : i32
    %dma_wait3A_320 = arith.constant 0 : i32
    %dma_wait3A_321 = tpu.memref_slice %arg19[%dma_wait3A_319, %dma_wait3A_320] : memref<10000x128xf32, #tpu.memory_space<vmem_shared>> -> memref<10000x128xf32, #tpu.memory_space<vmem_shared>>
    tpu.wait_indirect_dma semaphore(%arg33 : memref<!tpu.dma_semaphore, #tpu.memory_space<semaphore_mem>>) src(%arg16 : memref<80x128xf32, #tpu.memory_space<vmem>>) dst(%dma_wait3A_321 : memref<10000x128xf32, #tpu.memory_space<vmem_shared>>)
    %mul3A_322 = arith.constant 10000 : i32
    %mul3A_323 = arith.muli %add3A, %mul3A_322 : i32
    %add3A_324 = arith.constant 9760 : i32
    %add3A_325 = arith.addi %mul3A_323, %add3A_324 : i32
    %multiple_of3A_326 = tpu.assume_multiple %add3A_325, 8 : i32
    %dma_wait3A_327 = tpu.memref_slice %arg3[%multiple_of3A_326] : memref<320000xi32, #tpu.memory_space<hbm>> -> memref<80xi32, #tpu.memory_space<hbm>>
    %dma_wait3A_328 = tpu.memref_slice %arg3[%multiple_of3A_326] : memref<320000xi32, #tpu.memory_space<hbm>> -> memref<80xi32, #tpu.memory_space<hbm>>
    tpu.wait_dma2 semaphore(%arg26 : memref<!tpu.dma_semaphore, #tpu.memory_space<semaphore_mem>>) src(%dma_wait3A_328 : memref<80xi32, #tpu.memory_space<hbm>>) dst(%arg13 : memref<80xi32, #tpu.memory_space<vmem>>)
    %dma_start3A_329 = arith.constant 0 : i32
    %dma_start3A_330 = arith.constant 0 : i32
    %dma_start3A_331 = tpu.memref_slice %arg19[%dma_start3A_329, %dma_start3A_330] : memref<10000x128xf32, #tpu.memory_space<vmem_shared>> -> memref<10000x128xf32, #tpu.memory_space<vmem_shared>>
    tpu.enqueue_indirect_dma source(%arg17 : memref<80x128xf32, #tpu.memory_space<vmem>>) target(%dma_start3A_331 : memref<10000x128xf32, #tpu.memory_space<vmem_shared>>) offsets(%arg13 : memref<80xi32, #tpu.memory_space<vmem>>) semaphore(%arg34 : memref<!tpu.dma_semaphore, #tpu.memory_space<semaphore_mem>>) {add = true}
    %dma_wait3A_332 = arith.constant 0 : i32
    %dma_wait3A_333 = arith.constant 0 : i32
    %dma_wait3A_334 = tpu.memref_slice %arg2[%dma_wait3A_332, %dma_wait3A_333] : memref<10000x128xf32, #tpu.memory_space<hbm>> -> memref<10000x128xf32, #tpu.memory_space<hbm>>
    tpu.wait_indirect_dma semaphore(%arg31 : memref<!tpu.dma_semaphore, #tpu.memory_space<semaphore_mem>>) src(%dma_wait3A_334 : memref<10000x128xf32, #tpu.memory_space<hbm>>) dst(%arg18 : memref<80x128xf32, #tpu.memory_space<vmem>>)
    %dma_wait3A_335 = arith.constant 0 : i32
    %dma_wait3A_336 = arith.constant 0 : i32
    %dma_wait3A_337 = tpu.memref_slice %arg19[%dma_wait3A_335, %dma_wait3A_336] : memref<10000x128xf32, #tpu.memory_space<vmem_shared>> -> memref<10000x128xf32, #tpu.memory_space<vmem_shared>>
    tpu.wait_indirect_dma semaphore(%arg34 : memref<!tpu.dma_semaphore, #tpu.memory_space<semaphore_mem>>) src(%arg17 : memref<80x128xf32, #tpu.memory_space<vmem>>) dst(%dma_wait3A_337 : memref<10000x128xf32, #tpu.memory_space<vmem_shared>>)
    %mul3A_338 = arith.constant 10000 : i32
    %mul3A_339 = arith.muli %add3A, %mul3A_338 : i32
    %add3A_340 = arith.constant 9840 : i32
    %add3A_341 = arith.addi %mul3A_339, %add3A_340 : i32
    %multiple_of3A_342 = tpu.assume_multiple %add3A_341, 8 : i32
    %dma_wait3A_343 = tpu.memref_slice %arg3[%multiple_of3A_342] : memref<320000xi32, #tpu.memory_space<hbm>> -> memref<80xi32, #tpu.memory_space<hbm>>
    %dma_wait3A_344 = tpu.memref_slice %arg3[%multiple_of3A_342] : memref<320000xi32, #tpu.memory_space<hbm>> -> memref<80xi32, #tpu.memory_space<hbm>>
    tpu.wait_dma2 semaphore(%arg27 : memref<!tpu.dma_semaphore, #tpu.memory_space<semaphore_mem>>) src(%dma_wait3A_344 : memref<80xi32, #tpu.memory_space<hbm>>) dst(%arg14 : memref<80xi32, #tpu.memory_space<vmem>>)
    %dma_start3A_345 = arith.constant 0 : i32
    %dma_start3A_346 = arith.constant 0 : i32
    %dma_start3A_347 = tpu.memref_slice %arg19[%dma_start3A_345, %dma_start3A_346] : memref<10000x128xf32, #tpu.memory_space<vmem_shared>> -> memref<10000x128xf32, #tpu.memory_space<vmem_shared>>
    tpu.enqueue_indirect_dma source(%arg18 : memref<80x128xf32, #tpu.memory_space<vmem>>) target(%dma_start3A_347 : memref<10000x128xf32, #tpu.memory_space<vmem_shared>>) offsets(%arg14 : memref<80xi32, #tpu.memory_space<vmem>>) semaphore(%arg35 : memref<!tpu.dma_semaphore, #tpu.memory_space<semaphore_mem>>) {add = true}
    %dma_wait3A_348 = arith.constant 0 : i32
    %dma_wait3A_349 = arith.constant 0 : i32
    %dma_wait3A_350 = tpu.memref_slice %arg2[%dma_wait3A_348, %dma_wait3A_349] : memref<10000x128xf32, #tpu.memory_space<hbm>> -> memref<10000x128xf32, #tpu.memory_space<hbm>>
    tpu.wait_indirect_dma semaphore(%arg28 : memref<!tpu.dma_semaphore, #tpu.memory_space<semaphore_mem>>) src(%dma_wait3A_350 : memref<10000x128xf32, #tpu.memory_space<hbm>>) dst(%arg15 : memref<80x128xf32, #tpu.memory_space<vmem>>)
    %dma_wait3A_351 = arith.constant 0 : i32
    %dma_wait3A_352 = arith.constant 0 : i32
    %dma_wait3A_353 = tpu.memref_slice %arg19[%dma_wait3A_351, %dma_wait3A_352] : memref<10000x128xf32, #tpu.memory_space<vmem_shared>> -> memref<10000x128xf32, #tpu.memory_space<vmem_shared>>
    tpu.wait_indirect_dma semaphore(%arg35 : memref<!tpu.dma_semaphore, #tpu.memory_space<semaphore_mem>>) src(%arg18 : memref<80x128xf32, #tpu.memory_space<vmem>>) dst(%dma_wait3A_353 : memref<10000x128xf32, #tpu.memory_space<vmem_shared>>)
    %mul3A_354 = arith.constant 10000 : i32
    %mul3A_355 = arith.muli %add3A, %mul3A_354 : i32
    %add3A_356 = arith.constant 9920 : i32
    %add3A_357 = arith.addi %mul3A_355, %add3A_356 : i32
    %multiple_of3A_358 = tpu.assume_multiple %add3A_357, 8 : i32
    %dma_wait3A_359 = tpu.memref_slice %arg3[%multiple_of3A_358] : memref<320000xi32, #tpu.memory_space<hbm>> -> memref<80xi32, #tpu.memory_space<hbm>>
    %dma_wait3A_360 = tpu.memref_slice %arg3[%multiple_of3A_358] : memref<320000xi32, #tpu.memory_space<hbm>> -> memref<80xi32, #tpu.memory_space<hbm>>
    tpu.wait_dma2 semaphore(%arg24 : memref<!tpu.dma_semaphore, #tpu.memory_space<semaphore_mem>>) src(%dma_wait3A_360 : memref<80xi32, #tpu.memory_space<hbm>>) dst(%arg11 : memref<80xi32, #tpu.memory_space<vmem>>)
    %dma_start3A_361 = arith.constant 0 : i32
    %dma_start3A_362 = arith.constant 0 : i32
    %dma_start3A_363 = tpu.memref_slice %arg19[%dma_start3A_361, %dma_start3A_362] : memref<10000x128xf32, #tpu.memory_space<vmem_shared>> -> memref<10000x128xf32, #tpu.memory_space<vmem_shared>>
    tpu.enqueue_indirect_dma source(%arg15 : memref<80x128xf32, #tpu.memory_space<vmem>>) target(%dma_start3A_363 : memref<10000x128xf32, #tpu.memory_space<vmem_shared>>) offsets(%arg11 : memref<80xi32, #tpu.memory_space<vmem>>) semaphore(%arg32 : memref<!tpu.dma_semaphore, #tpu.memory_space<semaphore_mem>>) {add = true}
    %dma_wait3A_364 = arith.constant 0 : i32
    %dma_wait3A_365 = arith.constant 0 : i32
    %dma_wait3A_366 = tpu.memref_slice %arg19[%dma_wait3A_364, %dma_wait3A_365] : memref<10000x128xf32, #tpu.memory_space<vmem_shared>> -> memref<10000x128xf32, #tpu.memory_space<vmem_shared>>
    tpu.wait_indirect_dma semaphore(%arg32 : memref<!tpu.dma_semaphore, #tpu.memory_space<semaphore_mem>>) src(%arg15 : memref<80x128xf32, #tpu.memory_space<vmem>>) dst(%dma_wait3A_366 : memref<10000x128xf32, #tpu.memory_space<vmem_shared>>)
    %barrier3A_367 = arith.constant 0 : index
    tpu.barrier barrier_id(%barrier3A_367)
    %mul3A_368 = arith.constant 624 : i32
    %mul3A_369 = arith.muli %arg1, %mul3A_368 : i32
    %multiple_of3A_370 = tpu.assume_multiple %mul3A_369, 8 : i32
    "tpu.region"() ({
      %run_scoped3A = tpu.sem_alloc : memref<!tpu.dma_semaphore, #tpu.memory_space<semaphore_mem>>
      %dma_start3A_376 = arith.constant 0 : i32
      %dma_start3A_377 = arith.constant 0 : i32
      %dma_start3A_378 = tpu.memref_slice %arg6[%arg0, %dma_start3A_376, %dma_start3A_377] : memref<2x10000x128xf32, #tpu.memory_space<hbm>> -> memref<1x10000x128xf32, #tpu.memory_space<hbm>>
      %dma_start3A_379 = tpu.memref_squeeze %dma_start3A_378 : memref<1x10000x128xf32, #tpu.memory_space<hbm>> -> memref<10000x128xf32, #tpu.memory_space<hbm>>
      %dma_start3A_380 = arith.constant 0 : i32
      %dma_start3A_381 = tpu.memref_slice %dma_start3A_379[%multiple_of3A_370, %dma_start3A_380] : memref<10000x128xf32, #tpu.memory_space<hbm>> -> memref<624x128xf32, #tpu.memory_space<hbm>>
      %dma_start3A_382 = arith.constant 0 : i32
      %dma_start3A_383 = tpu.memref_slice %arg19[%multiple_of3A_370, %dma_start3A_382] : memref<10000x128xf32, #tpu.memory_space<vmem_shared>> -> memref<624x128xf32, #tpu.memory_space<vmem_shared>>
      tpu.enqueue_dma source(%dma_start3A_383 : memref<624x128xf32, #tpu.memory_space<vmem_shared>>) target(%dma_start3A_381 : memref<624x128xf32, #tpu.memory_space<hbm>>) target_semaphore(%run_scoped3A : memref<!tpu.dma_semaphore, #tpu.memory_space<semaphore_mem>>)
      %dma_wait3A_384 = arith.constant 0 : i32
      %dma_wait3A_385 = arith.constant 0 : i32
      %dma_wait3A_386 = tpu.memref_slice %arg6[%arg0, %dma_wait3A_384, %dma_wait3A_385] : memref<2x10000x128xf32, #tpu.memory_space<hbm>> -> memref<1x10000x128xf32, #tpu.memory_space<hbm>>
      %dma_wait3A_387 = tpu.memref_squeeze %dma_wait3A_386 : memref<1x10000x128xf32, #tpu.memory_space<hbm>> -> memref<10000x128xf32, #tpu.memory_space<hbm>>
      %dma_wait3A_388 = arith.constant 0 : i32
      %dma_wait3A_389 = tpu.memref_slice %dma_wait3A_387[%multiple_of3A_370, %dma_wait3A_388] : memref<10000x128xf32, #tpu.memory_space<hbm>> -> memref<624x128xf32, #tpu.memory_space<hbm>>
      %dma_wait3A_390 = arith.constant 0 : i32
      %dma_wait3A_391 = tpu.memref_slice %arg19[%multiple_of3A_370, %dma_wait3A_390] : memref<10000x128xf32, #tpu.memory_space<vmem_shared>> -> memref<624x128xf32, #tpu.memory_space<vmem_shared>>
      tpu.wait_dma2 semaphore(%run_scoped3A : memref<!tpu.dma_semaphore, #tpu.memory_space<semaphore_mem>>) src(%dma_wait3A_391 : memref<624x128xf32, #tpu.memory_space<vmem_shared>>) dst(%dma_wait3A_389 : memref<624x128xf32, #tpu.memory_space<hbm>>)
      tpu.yield
    }) : () -> ()
    %eq3A_371 = arith.constant 0 : i32
    %eq3A_372 = arith.cmpi eq, %arg1, %eq3A_371 : i32
    %convert_element_type3A_373 = arith.extui %eq3A_372 : i1 to i32
    %cond3A_374 = arith.constant 0 : i32
    %cond3A_375 = arith.cmpi ne, %convert_element_type3A_373, %cond3A_374 : i32
    scf.if %cond3A_375 {
      "tpu.region"() ({
        %run_scoped3A = tpu.sem_alloc : memref<!tpu.dma_semaphore, #tpu.memory_space<semaphore_mem>>
        %dma_start3A_376 = arith.constant 0 : i32
        %dma_start3A_377 = arith.constant 0 : i32
        %dma_start3A_378 = tpu.memref_slice %arg6[%arg0, %dma_start3A_376, %dma_start3A_377] : memref<2x10000x128xf32, #tpu.memory_space<hbm>> -> memref<1x10000x128xf32, #tpu.memory_space<hbm>>
        %dma_start3A_379 = tpu.memref_squeeze %dma_start3A_378 : memref<1x10000x128xf32, #tpu.memory_space<hbm>> -> memref<10000x128xf32, #tpu.memory_space<hbm>>
        %dma_start3A_380 = arith.constant 9984 : i32
        %dma_start3A_381 = arith.constant 0 : i32
        %dma_start3A_382 = tpu.memref_slice %dma_start3A_379[%dma_start3A_380, %dma_start3A_381] : memref<10000x128xf32, #tpu.memory_space<hbm>> -> memref<16x128xf32, #tpu.memory_space<hbm>>
        %dma_start3A_383 = arith.constant 9984 : i32
        %dma_start3A_384 = arith.constant 0 : i32
        %dma_start3A_385 = tpu.memref_slice %arg19[%dma_start3A_383, %dma_start3A_384] : memref<10000x128xf32, #tpu.memory_space<vmem_shared>> -> memref<16x128xf32, #tpu.memory_space<vmem_shared>>
        tpu.enqueue_dma source(%dma_start3A_385 : memref<16x128xf32, #tpu.memory_space<vmem_shared>>) target(%dma_start3A_382 : memref<16x128xf32, #tpu.memory_space<hbm>>) target_semaphore(%run_scoped3A : memref<!tpu.dma_semaphore, #tpu.memory_space<semaphore_mem>>)
        %dma_wait3A_386 = arith.constant 0 : i32
        %dma_wait3A_387 = arith.constant 0 : i32
        %dma_wait3A_388 = tpu.memref_slice %arg6[%arg0, %dma_wait3A_386, %dma_wait3A_387] : memref<2x10000x128xf32, #tpu.memory_space<hbm>> -> memref<1x10000x128xf32, #tpu.memory_space<hbm>>
        %dma_wait3A_389 = tpu.memref_squeeze %dma_wait3A_388 : memref<1x10000x128xf32, #tpu.memory_space<hbm>> -> memref<10000x128xf32, #tpu.memory_space<hbm>>
        %dma_wait3A_390 = arith.constant 9984 : i32
        %dma_wait3A_391 = arith.constant 0 : i32
        %dma_wait3A_392 = tpu.memref_slice %dma_wait3A_389[%dma_wait3A_390, %dma_wait3A_391] : memref<10000x128xf32, #tpu.memory_space<hbm>> -> memref<16x128xf32, #tpu.memory_space<hbm>>
        %dma_wait3A_393 = arith.constant 9984 : i32
        %dma_wait3A_394 = arith.constant 0 : i32
        %dma_wait3A_395 = tpu.memref_slice %arg19[%dma_wait3A_393, %dma_wait3A_394] : memref<10000x128xf32, #tpu.memory_space<vmem_shared>> -> memref<16x128xf32, #tpu.memory_space<vmem_shared>>
        tpu.wait_dma2 semaphore(%run_scoped3A : memref<!tpu.dma_semaphore, #tpu.memory_space<semaphore_mem>>) src(%dma_wait3A_395 : memref<16x128xf32, #tpu.memory_space<vmem_shared>>) dst(%dma_wait3A_392 : memref<16x128xf32, #tpu.memory_space<hbm>>)
        tpu.yield
      }) : () -> ()
    } else {
    }
    return
  }
}

#map = affine_map<(d0, d1) -> (0, 0)>
#map1 = affine_map<(d0, d1) -> (0)>
#map2 = affine_map<(d0, d1) -> (0, 0, 0)>
module attributes {stable_mosaic.version = 14 : i64} {
  func.func @_sc_propagate(%arg0: i32, %arg1: i32, %arg2: memref<10000x128xf32, #tpu.memory_space<hbm>>, %arg3: memref<320000xi32, #tpu.memory_space<hbm>>, %arg4: memref<320000xi32, #tpu.memory_space<hbm>>, %arg5: memref<10000x128xf32, #tpu.memory_space<hbm>>, %arg6: memref<2x10000x128xf32, #tpu.memory_space<hbm>>, %arg7: memref<80xi32, #tpu.memory_space<vmem>>, %arg8: memref<80xi32, #tpu.memory_space<vmem>>, %arg9: memref<80xi32, #tpu.memory_space<vmem>>, %arg10: memref<80xi32, #tpu.memory_space<vmem>>, %arg11: memref<80xi32, #tpu.memory_space<vmem>>, %arg12: memref<80xi32, #tpu.memory_space<vmem>>, %arg13: memref<80xi32, #tpu.memory_space<vmem>>, %arg14: memref<80xi32, #tpu.memory_space<vmem>>, %arg15: memref<80x128xf32, #tpu.memory_space<vmem>>, %arg16: memref<80x128xf32, #tpu.memory_space<vmem>>, %arg17: memref<80x128xf32, #tpu.memory_space<vmem>>, %arg18: memref<80x128xf32, #tpu.memory_space<vmem>>, %arg19: memref<10000x128xf32, #tpu.memory_space<vmem_shared>>, %arg20: memref<!tpu.dma_semaphore, #tpu.memory_space<semaphore_mem>>, %arg21: memref<!tpu.dma_semaphore, #tpu.memory_space<semaphore_mem>>, %arg22: memref<!tpu.dma_semaphore, #tpu.memory_space<semaphore_mem>>, %arg23: memref<!tpu.dma_semaphore, #tpu.memory_space<semaphore_mem>>, %arg24: memref<!tpu.dma_semaphore, #tpu.memory_space<semaphore_mem>>, %arg25: memref<!tpu.dma_semaphore, #tpu.memory_space<semaphore_mem>>, %arg26: memref<!tpu.dma_semaphore, #tpu.memory_space<semaphore_mem>>, %arg27: memref<!tpu.dma_semaphore, #tpu.memory_space<semaphore_mem>>, %arg28: memref<!tpu.dma_semaphore, #tpu.memory_space<semaphore_mem>>, %arg29: memref<!tpu.dma_semaphore, #tpu.memory_space<semaphore_mem>>, %arg30: memref<!tpu.dma_semaphore, #tpu.memory_space<semaphore_mem>>, %arg31: memref<!tpu.dma_semaphore, #tpu.memory_space<semaphore_mem>>, %arg32: memref<!tpu.dma_semaphore, #tpu.memory_space<semaphore_mem>>, %arg33: memref<!tpu.dma_semaphore, #tpu.memory_space<semaphore_mem>>, %arg34: memref<!tpu.dma_semaphore, #tpu.memory_space<semaphore_mem>>, %arg35: memref<!tpu.dma_semaphore, #tpu.memory_space<semaphore_mem>>) attributes {dimension_semantics = [#tpu.dimension_semantics<core_parallel>, #tpu.dimension_semantics<subcore_parallel>], iteration_bounds = array<i64: 2, 16>, scalar_prefetch = 0 : i64, scratch_operands = 29 : i64, tpu.core_type = #tpu.core_type<sc_vector_subcore>, window_params = [{transform_indices = #map}, {transform_indices = #map1}, {transform_indices = #map1}, {transform_indices = #map}, {transform_indices = #map2}]} {
    %mul3A = arith.constant 16 : i32
    %mul3A_0 = arith.muli %arg0, %mul3A : i32
    %add3A = arith.addi %mul3A_0, %arg1 : i32
    %mul3A_1 = arith.constant 10000 : i32
    %mul3A_2 = arith.muli %add3A, %mul3A_1 : i32
    %add3A_3 = arith.constant 0 : i32
    %add3A_4 = arith.addi %mul3A_2, %add3A_3 : i32
    %multiple_of3A = tpu.assume_multiple %add3A_4, 8 : i32
    %dma_start3A = tpu.memref_slice %arg4[%multiple_of3A] : memref<320000xi32, #tpu.memory_space<hbm>> -> memref<80xi32, #tpu.memory_space<hbm>>
    %dma_start3A_5 = tpu.memref_slice %arg4[%multiple_of3A] : memref<320000xi32, #tpu.memory_space<hbm>> -> memref<80xi32, #tpu.memory_space<hbm>>
    tpu.enqueue_dma source(%dma_start3A_5 : memref<80xi32, #tpu.memory_space<hbm>>) target(%arg7 : memref<80xi32, #tpu.memory_space<vmem>>) target_semaphore(%arg20 : memref<!tpu.dma_semaphore, #tpu.memory_space<semaphore_mem>>)
    %mul3A_6 = arith.constant 10000 : i32
    %mul3A_7 = arith.muli %add3A, %mul3A_6 : i32
    %add3A_8 = arith.constant 0 : i32
    %add3A_9 = arith.addi %mul3A_7, %add3A_8 : i32
    %multiple_of3A_10 = tpu.assume_multiple %add3A_9, 8 : i32
    %dma_start3A_11 = tpu.memref_slice %arg3[%multiple_of3A_10] : memref<320000xi32, #tpu.memory_space<hbm>> -> memref<80xi32, #tpu.memory_space<hbm>>
    %dma_start3A_12 = tpu.memref_slice %arg3[%multiple_of3A_10] : memref<320000xi32, #tpu.memory_space<hbm>> -> memref<80xi32, #tpu.memory_space<hbm>>
    tpu.enqueue_dma source(%dma_start3A_12 : memref<80xi32, #tpu.memory_space<hbm>>) target(%arg11 : memref<80xi32, #tpu.memory_space<vmem>>) target_semaphore(%arg24 : memref<!tpu.dma_semaphore, #tpu.memory_space<semaphore_mem>>)
    %mul3A_13 = arith.constant 10000 : i32
    %mul3A_14 = arith.muli %add3A, %mul3A_13 : i32
    %add3A_15 = arith.constant 80 : i32
    %add3A_16 = arith.addi %mul3A_14, %add3A_15 : i32
    %multiple_of3A_17 = tpu.assume_multiple %add3A_16, 8 : i32
    %dma_start3A_18 = tpu.memref_slice %arg4[%multiple_of3A_17] : memref<320000xi32, #tpu.memory_space<hbm>> -> memref<80xi32, #tpu.memory_space<hbm>>
    %dma_start3A_19 = tpu.memref_slice %arg4[%multiple_of3A_17] : memref<320000xi32, #tpu.memory_space<hbm>> -> memref<80xi32, #tpu.memory_space<hbm>>
    tpu.enqueue_dma source(%dma_start3A_19 : memref<80xi32, #tpu.memory_space<hbm>>) target(%arg8 : memref<80xi32, #tpu.memory_space<vmem>>) target_semaphore(%arg21 : memref<!tpu.dma_semaphore, #tpu.memory_space<semaphore_mem>>)
    %mul3A_20 = arith.constant 10000 : i32
    %mul3A_21 = arith.muli %add3A, %mul3A_20 : i32
    %add3A_22 = arith.constant 80 : i32
    %add3A_23 = arith.addi %mul3A_21, %add3A_22 : i32
    %multiple_of3A_24 = tpu.assume_multiple %add3A_23, 8 : i32
    %dma_start3A_25 = tpu.memref_slice %arg3[%multiple_of3A_24] : memref<320000xi32, #tpu.memory_space<hbm>> -> memref<80xi32, #tpu.memory_space<hbm>>
    %dma_start3A_26 = tpu.memref_slice %arg3[%multiple_of3A_24] : memref<320000xi32, #tpu.memory_space<hbm>> -> memref<80xi32, #tpu.memory_space<hbm>>
    tpu.enqueue_dma source(%dma_start3A_26 : memref<80xi32, #tpu.memory_space<hbm>>) target(%arg12 : memref<80xi32, #tpu.memory_space<vmem>>) target_semaphore(%arg25 : memref<!tpu.dma_semaphore, #tpu.memory_space<semaphore_mem>>)
    %mul3A_27 = arith.constant 10000 : i32
    %mul3A_28 = arith.muli %add3A, %mul3A_27 : i32
    %add3A_29 = arith.constant 160 : i32
    %add3A_30 = arith.addi %mul3A_28, %add3A_29 : i32
    %multiple_of3A_31 = tpu.assume_multiple %add3A_30, 8 : i32
    %dma_start3A_32 = tpu.memref_slice %arg4[%multiple_of3A_31] : memref<320000xi32, #tpu.memory_space<hbm>> -> memref<80xi32, #tpu.memory_space<hbm>>
    %dma_start3A_33 = tpu.memref_slice %arg4[%multiple_of3A_31] : memref<320000xi32, #tpu.memory_space<hbm>> -> memref<80xi32, #tpu.memory_space<hbm>>
    tpu.enqueue_dma source(%dma_start3A_33 : memref<80xi32, #tpu.memory_space<hbm>>) target(%arg9 : memref<80xi32, #tpu.memory_space<vmem>>) target_semaphore(%arg22 : memref<!tpu.dma_semaphore, #tpu.memory_space<semaphore_mem>>)
    %mul3A_34 = arith.constant 10000 : i32
    %mul3A_35 = arith.muli %add3A, %mul3A_34 : i32
    %add3A_36 = arith.constant 160 : i32
    %add3A_37 = arith.addi %mul3A_35, %add3A_36 : i32
    %multiple_of3A_38 = tpu.assume_multiple %add3A_37, 8 : i32
    %dma_start3A_39 = tpu.memref_slice %arg3[%multiple_of3A_38] : memref<320000xi32, #tpu.memory_space<hbm>> -> memref<80xi32, #tpu.memory_space<hbm>>
    %dma_start3A_40 = tpu.memref_slice %arg3[%multiple_of3A_38] : memref<320000xi32, #tpu.memory_space<hbm>> -> memref<80xi32, #tpu.memory_space<hbm>>
    tpu.enqueue_dma source(%dma_start3A_40 : memref<80xi32, #tpu.memory_space<hbm>>) target(%arg13 : memref<80xi32, #tpu.memory_space<vmem>>) target_semaphore(%arg26 : memref<!tpu.dma_semaphore, #tpu.memory_space<semaphore_mem>>)
    %mul3A_41 = arith.constant 10000 : i32
    %mul3A_42 = arith.muli %add3A, %mul3A_41 : i32
    %add3A_43 = arith.constant 240 : i32
    %add3A_44 = arith.addi %mul3A_42, %add3A_43 : i32
    %multiple_of3A_45 = tpu.assume_multiple %add3A_44, 8 : i32
    %dma_start3A_46 = tpu.memref_slice %arg4[%multiple_of3A_45] : memref<320000xi32, #tpu.memory_space<hbm>> -> memref<80xi32, #tpu.memory_space<hbm>>
    %dma_start3A_47 = tpu.memref_slice %arg4[%multiple_of3A_45] : memref<320000xi32, #tpu.memory_space<hbm>> -> memref<80xi32, #tpu.memory_space<hbm>>
    tpu.enqueue_dma source(%dma_start3A_47 : memref<80xi32, #tpu.memory_space<hbm>>) target(%arg10 : memref<80xi32, #tpu.memory_space<vmem>>) target_semaphore(%arg23 : memref<!tpu.dma_semaphore, #tpu.memory_space<semaphore_mem>>)
    %mul3A_48 = arith.constant 10000 : i32
    %mul3A_49 = arith.muli %add3A, %mul3A_48 : i32
    %add3A_50 = arith.constant 240 : i32
    %add3A_51 = arith.addi %mul3A_49, %add3A_50 : i32
    %multiple_of3A_52 = tpu.assume_multiple %add3A_51, 8 : i32
    %dma_start3A_53 = tpu.memref_slice %arg3[%multiple_of3A_52] : memref<320000xi32, #tpu.memory_space<hbm>> -> memref<80xi32, #tpu.memory_space<hbm>>
    %dma_start3A_54 = tpu.memref_slice %arg3[%multiple_of3A_52] : memref<320000xi32, #tpu.memory_space<hbm>> -> memref<80xi32, #tpu.memory_space<hbm>>
    tpu.enqueue_dma source(%dma_start3A_54 : memref<80xi32, #tpu.memory_space<hbm>>) target(%arg14 : memref<80xi32, #tpu.memory_space<vmem>>) target_semaphore(%arg27 : memref<!tpu.dma_semaphore, #tpu.memory_space<semaphore_mem>>)
    %mul3A_55 = arith.constant 624 : i32
    %mul3A_56 = arith.muli %arg1, %mul3A_55 : i32
    %multiple_of3A_57 = tpu.assume_multiple %mul3A_56, 8 : i32
    "tpu.region"() ({
      %run_scoped3A = tpu.sem_alloc : memref<!tpu.dma_semaphore, #tpu.memory_space<semaphore_mem>>
      %dma_start3A_376 = arith.constant 0 : i32
      %dma_start3A_377 = tpu.memref_slice %arg19[%multiple_of3A_57, %dma_start3A_376] : memref<10000x128xf32, #tpu.memory_space<vmem_shared>> -> memref<624x128xf32, #tpu.memory_space<vmem_shared>>
      %dma_start3A_378 = arith.constant 0 : i32
      %dma_start3A_379 = tpu.memref_slice %arg5[%multiple_of3A_57, %dma_start3A_378] : memref<10000x128xf32, #tpu.memory_space<hbm>> -> memref<624x128xf32, #tpu.memory_space<hbm>>
      tpu.enqueue_dma source(%dma_start3A_379 : memref<624x128xf32, #tpu.memory_space<hbm>>) target(%dma_start3A_377 : memref<624x128xf32, #tpu.memory_space<vmem_shared>>) target_semaphore(%run_scoped3A : memref<!tpu.dma_semaphore, #tpu.memory_space<semaphore_mem>>)
      %dma_wait3A_380 = arith.constant 0 : i32
      %dma_wait3A_381 = tpu.memref_slice %arg19[%multiple_of3A_57, %dma_wait3A_380] : memref<10000x128xf32, #tpu.memory_space<vmem_shared>> -> memref<624x128xf32, #tpu.memory_space<vmem_shared>>
      %dma_wait3A_382 = arith.constant 0 : i32
      %dma_wait3A_383 = tpu.memref_slice %arg5[%multiple_of3A_57, %dma_wait3A_382] : memref<10000x128xf32, #tpu.memory_space<hbm>> -> memref<624x128xf32, #tpu.memory_space<hbm>>
      tpu.wait_dma2 semaphore(%run_scoped3A : memref<!tpu.dma_semaphore, #tpu.memory_space<semaphore_mem>>) src(%dma_wait3A_383 : memref<624x128xf32, #tpu.memory_space<hbm>>) dst(%dma_wait3A_381 : memref<624x128xf32, #tpu.memory_space<vmem_shared>>)
      tpu.yield
    }) : () -> ()
    %eq3A = arith.constant 0 : i32
    %eq3A_58 = arith.cmpi eq, %arg1, %eq3A : i32
    %convert_element_type3A = arith.extui %eq3A_58 : i1 to i32
    %cond3A = arith.constant 0 : i32
    %cond3A_59 = arith.cmpi ne, %convert_element_type3A, %cond3A : i32
    scf.if %cond3A_59 {
      "tpu.region"() ({
        %run_scoped3A = tpu.sem_alloc : memref<!tpu.dma_semaphore, #tpu.memory_space<semaphore_mem>>
        %dma_start3A_376 = arith.constant 9984 : i32
        %dma_start3A_377 = arith.constant 0 : i32
        %dma_start3A_378 = tpu.memref_slice %arg19[%dma_start3A_376, %dma_start3A_377] : memref<10000x128xf32, #tpu.memory_space<vmem_shared>> -> memref<16x128xf32, #tpu.memory_space<vmem_shared>>
        %dma_start3A_379 = arith.constant 9984 : i32
        %dma_start3A_380 = arith.constant 0 : i32
        %dma_start3A_381 = tpu.memref_slice %arg5[%dma_start3A_379, %dma_start3A_380] : memref<10000x128xf32, #tpu.memory_space<hbm>> -> memref<16x128xf32, #tpu.memory_space<hbm>>
        tpu.enqueue_dma source(%dma_start3A_381 : memref<16x128xf32, #tpu.memory_space<hbm>>) target(%dma_start3A_378 : memref<16x128xf32, #tpu.memory_space<vmem_shared>>) target_semaphore(%run_scoped3A : memref<!tpu.dma_semaphore, #tpu.memory_space<semaphore_mem>>)
        %dma_wait3A_382 = arith.constant 9984 : i32
        %dma_wait3A_383 = arith.constant 0 : i32
        %dma_wait3A_384 = tpu.memref_slice %arg19[%dma_wait3A_382, %dma_wait3A_383] : memref<10000x128xf32, #tpu.memory_space<vmem_shared>> -> memref<16x128xf32, #tpu.memory_space<vmem_shared>>
        %dma_wait3A_385 = arith.constant 9984 : i32
        %dma_wait3A_386 = arith.constant 0 : i32
        %dma_wait3A_387 = tpu.memref_slice %arg5[%dma_wait3A_385, %dma_wait3A_386] : memref<10000x128xf32, #tpu.memory_space<hbm>> -> memref<16x128xf32, #tpu.memory_space<hbm>>
        tpu.wait_dma2 semaphore(%run_scoped3A : memref<!tpu.dma_semaphore, #tpu.memory_space<semaphore_mem>>) src(%dma_wait3A_387 : memref<16x128xf32, #tpu.memory_space<hbm>>) dst(%dma_wait3A_384 : memref<16x128xf32, #tpu.memory_space<vmem_shared>>)
        tpu.yield
      }) : () -> ()
    } else {
    }
    %barrier3A = arith.constant 0 : index
    tpu.barrier barrier_id(%barrier3A)
    %mul3A_60 = arith.constant 10000 : i32
    %mul3A_61 = arith.muli %add3A, %mul3A_60 : i32
    %add3A_62 = arith.constant 0 : i32
    %add3A_63 = arith.addi %mul3A_61, %add3A_62 : i32
    %multiple_of3A_64 = tpu.assume_multiple %add3A_63, 8 : i32
    %dma_wait3A = tpu.memref_slice %arg4[%multiple_of3A_64] : memref<320000xi32, #tpu.memory_space<hbm>> -> memref<80xi32, #tpu.memory_space<hbm>>
    %dma_wait3A_65 = tpu.memref_slice %arg4[%multiple_of3A_64] : memref<320000xi32, #tpu.memory_space<hbm>> -> memref<80xi32, #tpu.memory_space<hbm>>
    tpu.wait_dma2 semaphore(%arg20 : memref<!tpu.dma_semaphore, #tpu.memory_space<semaphore_mem>>) src(%dma_wait3A_65 : memref<80xi32, #tpu.memory_space<hbm>>) dst(%arg7 : memref<80xi32, #tpu.memory_space<vmem>>)
    %dma_start3A_66 = arith.constant 0 : i32
    %dma_start3A_67 = arith.constant 0 : i32
    %dma_start3A_68 = tpu.memref_slice %arg2[%dma_start3A_66, %dma_start3A_67] : memref<10000x128xf32, #tpu.memory_space<hbm>> -> memref<10000x128xf32, #tpu.memory_space<hbm>>
    tpu.enqueue_indirect_dma source(%dma_start3A_68 : memref<10000x128xf32, #tpu.memory_space<hbm>>) target(%arg15 : memref<80x128xf32, #tpu.memory_space<vmem>>) offsets(%arg7 : memref<80xi32, #tpu.memory_space<vmem>>) semaphore(%arg28 : memref<!tpu.dma_semaphore, #tpu.memory_space<semaphore_mem>>)
    %mul3A_69 = arith.constant 10000 : i32
    %mul3A_70 = arith.muli %add3A, %mul3A_69 : i32
    %add3A_71 = arith.constant 80 : i32
    %add3A_72 = arith.addi %mul3A_70, %add3A_71 : i32
    %multiple_of3A_73 = tpu.assume_multiple %add3A_72, 8 : i32
    %dma_wait3A_74 = tpu.memref_slice %arg4[%multiple_of3A_73] : memref<320000xi32, #tpu.memory_space<hbm>> -> memref<80xi32, #tpu.memory_space<hbm>>
    %dma_wait3A_75 = tpu.memref_slice %arg4[%multiple_of3A_73] : memref<320000xi32, #tpu.memory_space<hbm>> -> memref<80xi32, #tpu.memory_space<hbm>>
    tpu.wait_dma2 semaphore(%arg21 : memref<!tpu.dma_semaphore, #tpu.memory_space<semaphore_mem>>) src(%dma_wait3A_75 : memref<80xi32, #tpu.memory_space<hbm>>) dst(%arg8 : memref<80xi32, #tpu.memory_space<vmem>>)
    %dma_start3A_76 = arith.constant 0 : i32
    %dma_start3A_77 = arith.constant 0 : i32
    %dma_start3A_78 = tpu.memref_slice %arg2[%dma_start3A_76, %dma_start3A_77] : memref<10000x128xf32, #tpu.memory_space<hbm>> -> memref<10000x128xf32, #tpu.memory_space<hbm>>
    tpu.enqueue_indirect_dma source(%dma_start3A_78 : memref<10000x128xf32, #tpu.memory_space<hbm>>) target(%arg16 : memref<80x128xf32, #tpu.memory_space<vmem>>) offsets(%arg8 : memref<80xi32, #tpu.memory_space<vmem>>) semaphore(%arg29 : memref<!tpu.dma_semaphore, #tpu.memory_space<semaphore_mem>>)
    %mul3A_79 = arith.constant 10000 : i32
    %mul3A_80 = arith.muli %add3A, %mul3A_79 : i32
    %add3A_81 = arith.constant 160 : i32
    %add3A_82 = arith.addi %mul3A_80, %add3A_81 : i32
    %multiple_of3A_83 = tpu.assume_multiple %add3A_82, 8 : i32
    %dma_wait3A_84 = tpu.memref_slice %arg4[%multiple_of3A_83] : memref<320000xi32, #tpu.memory_space<hbm>> -> memref<80xi32, #tpu.memory_space<hbm>>
    %dma_wait3A_85 = tpu.memref_slice %arg4[%multiple_of3A_83] : memref<320000xi32, #tpu.memory_space<hbm>> -> memref<80xi32, #tpu.memory_space<hbm>>
    tpu.wait_dma2 semaphore(%arg22 : memref<!tpu.dma_semaphore, #tpu.memory_space<semaphore_mem>>) src(%dma_wait3A_85 : memref<80xi32, #tpu.memory_space<hbm>>) dst(%arg9 : memref<80xi32, #tpu.memory_space<vmem>>)
    %dma_start3A_86 = arith.constant 0 : i32
    %dma_start3A_87 = arith.constant 0 : i32
    %dma_start3A_88 = tpu.memref_slice %arg2[%dma_start3A_86, %dma_start3A_87] : memref<10000x128xf32, #tpu.memory_space<hbm>> -> memref<10000x128xf32, #tpu.memory_space<hbm>>
    tpu.enqueue_indirect_dma source(%dma_start3A_88 : memref<10000x128xf32, #tpu.memory_space<hbm>>) target(%arg17 : memref<80x128xf32, #tpu.memory_space<vmem>>) offsets(%arg9 : memref<80xi32, #tpu.memory_space<vmem>>) semaphore(%arg30 : memref<!tpu.dma_semaphore, #tpu.memory_space<semaphore_mem>>)
    %dma_wait3A_89 = arith.constant 0 : i32
    %dma_wait3A_90 = arith.constant 0 : i32
    %dma_wait3A_91 = tpu.memref_slice %arg2[%dma_wait3A_89, %dma_wait3A_90] : memref<10000x128xf32, #tpu.memory_space<hbm>> -> memref<10000x128xf32, #tpu.memory_space<hbm>>
    tpu.wait_indirect_dma semaphore(%arg28 : memref<!tpu.dma_semaphore, #tpu.memory_space<semaphore_mem>>) src(%dma_wait3A_91 : memref<10000x128xf32, #tpu.memory_space<hbm>>) dst(%arg15 : memref<80x128xf32, #tpu.memory_space<vmem>>)
    %mul3A_92 = arith.constant 10000 : i32
    %mul3A_93 = arith.muli %add3A, %mul3A_92 : i32
    %add3A_94 = arith.constant 240 : i32
    %add3A_95 = arith.addi %mul3A_93, %add3A_94 : i32
    %multiple_of3A_96 = tpu.assume_multiple %add3A_95, 8 : i32
    %dma_wait3A_97 = tpu.memref_slice %arg4[%multiple_of3A_96] : memref<320000xi32, #tpu.memory_space<hbm>> -> memref<80xi32, #tpu.memory_space<hbm>>
    %dma_wait3A_98 = tpu.memref_slice %arg4[%multiple_of3A_96] : memref<320000xi32, #tpu.memory_space<hbm>> -> memref<80xi32, #tpu.memory_space<hbm>>
    tpu.wait_dma2 semaphore(%arg23 : memref<!tpu.dma_semaphore, #tpu.memory_space<semaphore_mem>>) src(%dma_wait3A_98 : memref<80xi32, #tpu.memory_space<hbm>>) dst(%arg10 : memref<80xi32, #tpu.memory_space<vmem>>)
    %dma_start3A_99 = arith.constant 0 : i32
    %dma_start3A_100 = arith.constant 0 : i32
    %dma_start3A_101 = tpu.memref_slice %arg2[%dma_start3A_99, %dma_start3A_100] : memref<10000x128xf32, #tpu.memory_space<hbm>> -> memref<10000x128xf32, #tpu.memory_space<hbm>>
    tpu.enqueue_indirect_dma source(%dma_start3A_101 : memref<10000x128xf32, #tpu.memory_space<hbm>>) target(%arg18 : memref<80x128xf32, #tpu.memory_space<vmem>>) offsets(%arg10 : memref<80xi32, #tpu.memory_space<vmem>>) semaphore(%arg31 : memref<!tpu.dma_semaphore, #tpu.memory_space<semaphore_mem>>)
    %mul3A_102 = arith.constant 10000 : i32
    %mul3A_103 = arith.muli %add3A, %mul3A_102 : i32
    %add3A_104 = arith.constant 0 : i32
    %add3A_105 = arith.addi %mul3A_103, %add3A_104 : i32
    %multiple_of3A_106 = tpu.assume_multiple %add3A_105, 8 : i32
    %dma_wait3A_107 = tpu.memref_slice %arg3[%multiple_of3A_106] : memref<320000xi32, #tpu.memory_space<hbm>> -> memref<80xi32, #tpu.memory_space<hbm>>
    %dma_wait3A_108 = tpu.memref_slice %arg3[%multiple_of3A_106] : memref<320000xi32, #tpu.memory_space<hbm>> -> memref<80xi32, #tpu.memory_space<hbm>>
    tpu.wait_dma2 semaphore(%arg24 : memref<!tpu.dma_semaphore, #tpu.memory_space<semaphore_mem>>) src(%dma_wait3A_108 : memref<80xi32, #tpu.memory_space<hbm>>) dst(%arg11 : memref<80xi32, #tpu.memory_space<vmem>>)
    %dma_start3A_109 = arith.constant 0 : i32
    %dma_start3A_110 = arith.constant 0 : i32
    %dma_start3A_111 = tpu.memref_slice %arg19[%dma_start3A_109, %dma_start3A_110] : memref<10000x128xf32, #tpu.memory_space<vmem_shared>> -> memref<10000x128xf32, #tpu.memory_space<vmem_shared>>
    tpu.enqueue_indirect_dma source(%arg15 : memref<80x128xf32, #tpu.memory_space<vmem>>) target(%dma_start3A_111 : memref<10000x128xf32, #tpu.memory_space<vmem_shared>>) offsets(%arg11 : memref<80xi32, #tpu.memory_space<vmem>>) semaphore(%arg32 : memref<!tpu.dma_semaphore, #tpu.memory_space<semaphore_mem>>) {add = true}
    %dma_wait3A_112 = arith.constant 0 : i32
    %dma_wait3A_113 = arith.constant 0 : i32
    %dma_wait3A_114 = tpu.memref_slice %arg2[%dma_wait3A_112, %dma_wait3A_113] : memref<10000x128xf32, #tpu.memory_space<hbm>> -> memref<10000x128xf32, #tpu.memory_space<hbm>>
    tpu.wait_indirect_dma semaphore(%arg29 : memref<!tpu.dma_semaphore, #tpu.memory_space<semaphore_mem>>) src(%dma_wait3A_114 : memref<10000x128xf32, #tpu.memory_space<hbm>>) dst(%arg16 : memref<80x128xf32, #tpu.memory_space<vmem>>)
    %dma_wait3A_115 = arith.constant 0 : i32
    %dma_wait3A_116 = arith.constant 0 : i32
    %dma_wait3A_117 = tpu.memref_slice %arg19[%dma_wait3A_115, %dma_wait3A_116] : memref<10000x128xf32, #tpu.memory_space<vmem_shared>> -> memref<10000x128xf32, #tpu.memory_space<vmem_shared>>
    tpu.wait_indirect_dma semaphore(%arg32 : memref<!tpu.dma_semaphore, #tpu.memory_space<semaphore_mem>>) src(%arg15 : memref<80x128xf32, #tpu.memory_space<vmem>>) dst(%dma_wait3A_117 : memref<10000x128xf32, #tpu.memory_space<vmem_shared>>)
    %mul3A_118 = arith.constant 10000 : i32
    %mul3A_119 = arith.muli %add3A, %mul3A_118 : i32
    %add3A_120 = arith.constant 320 : i32
    %add3A_121 = arith.addi %mul3A_119, %add3A_120 : i32
    %multiple_of3A_122 = tpu.assume_multiple %add3A_121, 8 : i32
    %dma_start3A_123 = tpu.memref_slice %arg4[%multiple_of3A_122] : memref<320000xi32, #tpu.memory_space<hbm>> -> memref<80xi32, #tpu.memory_space<hbm>>
    %dma_start3A_124 = tpu.memref_slice %arg4[%multiple_of3A_122] : memref<320000xi32, #tpu.memory_space<hbm>> -> memref<80xi32, #tpu.memory_space<hbm>>
    tpu.enqueue_dma source(%dma_start3A_124 : memref<80xi32, #tpu.memory_space<hbm>>) target(%arg7 : memref<80xi32, #tpu.memory_space<vmem>>) target_semaphore(%arg20 : memref<!tpu.dma_semaphore, #tpu.memory_space<semaphore_mem>>)
    %mul3A_125 = arith.constant 10000 : i32
    %mul3A_126 = arith.muli %add3A, %mul3A_125 : i32
    %add3A_127 = arith.constant 320 : i32
    %add3A_128 = arith.addi %mul3A_126, %add3A_127 : i32
    %multiple_of3A_129 = tpu.assume_multiple %add3A_128, 8 : i32
    %dma_start3A_130 = tpu.memref_slice %arg3[%multiple_of3A_129] : memref<320000xi32, #tpu.memory_space<hbm>> -> memref<80xi32, #tpu.memory_space<hbm>>
    %dma_start3A_131 = tpu.memref_slice %arg3[%multiple_of3A_129] : memref<320000xi32, #tpu.memory_space<hbm>> -> memref<80xi32, #tpu.memory_space<hbm>>
    tpu.enqueue_dma source(%dma_start3A_131 : memref<80xi32, #tpu.memory_space<hbm>>) target(%arg11 : memref<80xi32, #tpu.memory_space<vmem>>) target_semaphore(%arg24 : memref<!tpu.dma_semaphore, #tpu.memory_space<semaphore_mem>>)
    %mul3A_132 = arith.constant 10000 : i32
    %mul3A_133 = arith.muli %add3A, %mul3A_132 : i32
    %add3A_134 = arith.constant 320 : i32
    %add3A_135 = arith.addi %mul3A_133, %add3A_134 : i32
    %multiple_of3A_136 = tpu.assume_multiple %add3A_135, 8 : i32
    %dma_wait3A_137 = tpu.memref_slice %arg4[%multiple_of3A_136] : memref<320000xi32, #tpu.memory_space<hbm>> -> memref<80xi32, #tpu.memory_space<hbm>>
    %dma_wait3A_138 = tpu.memref_slice %arg4[%multiple_of3A_136] : memref<320000xi32, #tpu.memory_space<hbm>> -> memref<80xi32, #tpu.memory_space<hbm>>
    tpu.wait_dma2 semaphore(%arg20 : memref<!tpu.dma_semaphore, #tpu.memory_space<semaphore_mem>>) src(%dma_wait3A_138 : memref<80xi32, #tpu.memory_space<hbm>>) dst(%arg7 : memref<80xi32, #tpu.memory_space<vmem>>)
    %dma_start3A_139 = arith.constant 0 : i32
    %dma_start3A_140 = arith.constant 0 : i32
    %dma_start3A_141 = tpu.memref_slice %arg2[%dma_start3A_139, %dma_start3A_140] : memref<10000x128xf32, #tpu.memory_space<hbm>> -> memref<10000x128xf32, #tpu.memory_space<hbm>>
    tpu.enqueue_indirect_dma source(%dma_start3A_141 : memref<10000x128xf32, #tpu.memory_space<hbm>>) target(%arg15 : memref<80x128xf32, #tpu.memory_space<vmem>>) offsets(%arg7 : memref<80xi32, #tpu.memory_space<vmem>>) semaphore(%arg28 : memref<!tpu.dma_semaphore, #tpu.memory_space<semaphore_mem>>)
    %mul3A_142 = arith.constant 10000 : i32
    %mul3A_143 = arith.muli %add3A, %mul3A_142 : i32
    %add3A_144 = arith.constant 80 : i32
    %add3A_145 = arith.addi %mul3A_143, %add3A_144 : i32
    %multiple_of3A_146 = tpu.assume_multiple %add3A_145, 8 : i32
    %dma_wait3A_147 = tpu.memref_slice %arg3[%multiple_of3A_146] : memref<320000xi32, #tpu.memory_space<hbm>> -> memref<80xi32, #tpu.memory_space<hbm>>
    %dma_wait3A_148 = tpu.memref_slice %arg3[%multiple_of3A_146] : memref<320000xi32, #tpu.memory_space<hbm>> -> memref<80xi32, #tpu.memory_space<hbm>>
    tpu.wait_dma2 semaphore(%arg25 : memref<!tpu.dma_semaphore, #tpu.memory_space<semaphore_mem>>) src(%dma_wait3A_148 : memref<80xi32, #tpu.memory_space<hbm>>) dst(%arg12 : memref<80xi32, #tpu.memory_space<vmem>>)
    %dma_start3A_149 = arith.constant 0 : i32
    %dma_start3A_150 = arith.constant 0 : i32
    %dma_start3A_151 = tpu.memref_slice %arg19[%dma_start3A_149, %dma_start3A_150] : memref<10000x128xf32, #tpu.memory_space<vmem_shared>> -> memref<10000x128xf32, #tpu.memory_space<vmem_shared>>
    tpu.enqueue_indirect_dma source(%arg16 : memref<80x128xf32, #tpu.memory_space<vmem>>) target(%dma_start3A_151 : memref<10000x128xf32, #tpu.memory_space<vmem_shared>>) offsets(%arg12 : memref<80xi32, #tpu.memory_space<vmem>>) semaphore(%arg33 : memref<!tpu.dma_semaphore, #tpu.memory_space<semaphore_mem>>) {add = true}
    %dma_wait3A_152 = arith.constant 0 : i32
    %dma_wait3A_153 = arith.constant 0 : i32
    %dma_wait3A_154 = tpu.memref_slice %arg2[%dma_wait3A_152, %dma_wait3A_153] : memref<10000x128xf32, #tpu.memory_space<hbm>> -> memref<10000x128xf32, #tpu.memory_space<hbm>>
    tpu.wait_indirect_dma semaphore(%arg30 : memref<!tpu.dma_semaphore, #tpu.memory_space<semaphore_mem>>) src(%dma_wait3A_154 : memref<10000x128xf32, #tpu.memory_space<hbm>>) dst(%arg17 : memref<80x128xf32, #tpu.memory_space<vmem>>)
    %dma_wait3A_155 = arith.constant 0 : i32
    %dma_wait3A_156 = arith.constant 0 : i32
    %dma_wait3A_157 = tpu.memref_slice %arg19[%dma_wait3A_155, %dma_wait3A_156] : memref<10000x128xf32, #tpu.memory_space<vmem_shared>> -> memref<10000x128xf32, #tpu.memory_space<vmem_shared>>
    tpu.wait_indirect_dma semaphore(%arg33 : memref<!tpu.dma_semaphore, #tpu.memory_space<semaphore_mem>>) src(%arg16 : memref<80x128xf32, #tpu.memory_space<vmem>>) dst(%dma_wait3A_157 : memref<10000x128xf32, #tpu.memory_space<vmem_shared>>)
    %mul3A_158 = arith.constant 10000 : i32
    %mul3A_159 = arith.muli %add3A, %mul3A_158 : i32
    %add3A_160 = arith.constant 400 : i32
    %add3A_161 = arith.addi %mul3A_159, %add3A_160 : i32
    %multiple_of3A_162 = tpu.assume_multiple %add3A_161, 8 : i32
    %dma_start3A_163 = tpu.memref_slice %arg4[%multiple_of3A_162] : memref<320000xi32, #tpu.memory_space<hbm>> -> memref<80xi32, #tpu.memory_space<hbm>>
    %dma_start3A_164 = tpu.memref_slice %arg4[%multiple_of3A_162] : memref<320000xi32, #tpu.memory_space<hbm>> -> memref<80xi32, #tpu.memory_space<hbm>>
    tpu.enqueue_dma source(%dma_start3A_164 : memref<80xi32, #tpu.memory_space<hbm>>) target(%arg8 : memref<80xi32, #tpu.memory_space<vmem>>) target_semaphore(%arg21 : memref<!tpu.dma_semaphore, #tpu.memory_space<semaphore_mem>>)
    %mul3A_165 = arith.constant 10000 : i32
    %mul3A_166 = arith.muli %add3A, %mul3A_165 : i32
    %add3A_167 = arith.constant 400 : i32
    %add3A_168 = arith.addi %mul3A_166, %add3A_167 : i32
    %multiple_of3A_169 = tpu.assume_multiple %add3A_168, 8 : i32
    %dma_start3A_170 = tpu.memref_slice %arg3[%multiple_of3A_169] : memref<320000xi32, #tpu.memory_space<hbm>> -> memref<80xi32, #tpu.memory_space<hbm>>
    %dma_start3A_171 = tpu.memref_slice %arg3[%multiple_of3A_169] : memref<320000xi32, #tpu.memory_space<hbm>> -> memref<80xi32, #tpu.memory_space<hbm>>
    tpu.enqueue_dma source(%dma_start3A_171 : memref<80xi32, #tpu.memory_space<hbm>>) target(%arg12 : memref<80xi32, #tpu.memory_space<vmem>>) target_semaphore(%arg25 : memref<!tpu.dma_semaphore, #tpu.memory_space<semaphore_mem>>)
    %mul3A_172 = arith.constant 10000 : i32
    %mul3A_173 = arith.muli %add3A, %mul3A_172 : i32
    %add3A_174 = arith.constant 400 : i32
    %add3A_175 = arith.addi %mul3A_173, %add3A_174 : i32
    %multiple_of3A_176 = tpu.assume_multiple %add3A_175, 8 : i32
    %dma_wait3A_177 = tpu.memref_slice %arg4[%multiple_of3A_176] : memref<320000xi32, #tpu.memory_space<hbm>> -> memref<80xi32, #tpu.memory_space<hbm>>
    %dma_wait3A_178 = tpu.memref_slice %arg4[%multiple_of3A_176] : memref<320000xi32, #tpu.memory_space<hbm>> -> memref<80xi32, #tpu.memory_space<hbm>>
    tpu.wait_dma2 semaphore(%arg21 : memref<!tpu.dma_semaphore, #tpu.memory_space<semaphore_mem>>) src(%dma_wait3A_178 : memref<80xi32, #tpu.memory_space<hbm>>) dst(%arg8 : memref<80xi32, #tpu.memory_space<vmem>>)
    %dma_start3A_179 = arith.constant 0 : i32
    %dma_start3A_180 = arith.constant 0 : i32
    %dma_start3A_181 = tpu.memref_slice %arg2[%dma_start3A_179, %dma_start3A_180] : memref<10000x128xf32, #tpu.memory_space<hbm>> -> memref<10000x128xf32, #tpu.memory_space<hbm>>
    tpu.enqueue_indirect_dma source(%dma_start3A_181 : memref<10000x128xf32, #tpu.memory_space<hbm>>) target(%arg16 : memref<80x128xf32, #tpu.memory_space<vmem>>) offsets(%arg8 : memref<80xi32, #tpu.memory_space<vmem>>) semaphore(%arg29 : memref<!tpu.dma_semaphore, #tpu.memory_space<semaphore_mem>>)
    %mul3A_182 = arith.constant 10000 : i32
    %mul3A_183 = arith.muli %add3A, %mul3A_182 : i32
    %add3A_184 = arith.constant 160 : i32
    %add3A_185 = arith.addi %mul3A_183, %add3A_184 : i32
    %multiple_of3A_186 = tpu.assume_multiple %add3A_185, 8 : i32
    %dma_wait3A_187 = tpu.memref_slice %arg3[%multiple_of3A_186] : memref<320000xi32, #tpu.memory_space<hbm>> -> memref<80xi32, #tpu.memory_space<hbm>>
    %dma_wait3A_188 = tpu.memref_slice %arg3[%multiple_of3A_186] : memref<320000xi32, #tpu.memory_space<hbm>> -> memref<80xi32, #tpu.memory_space<hbm>>
    tpu.wait_dma2 semaphore(%arg26 : memref<!tpu.dma_semaphore, #tpu.memory_space<semaphore_mem>>) src(%dma_wait3A_188 : memref<80xi32, #tpu.memory_space<hbm>>) dst(%arg13 : memref<80xi32, #tpu.memory_space<vmem>>)
    %dma_start3A_189 = arith.constant 0 : i32
    %dma_start3A_190 = arith.constant 0 : i32
    %dma_start3A_191 = tpu.memref_slice %arg19[%dma_start3A_189, %dma_start3A_190] : memref<10000x128xf32, #tpu.memory_space<vmem_shared>> -> memref<10000x128xf32, #tpu.memory_space<vmem_shared>>
    tpu.enqueue_indirect_dma source(%arg17 : memref<80x128xf32, #tpu.memory_space<vmem>>) target(%dma_start3A_191 : memref<10000x128xf32, #tpu.memory_space<vmem_shared>>) offsets(%arg13 : memref<80xi32, #tpu.memory_space<vmem>>) semaphore(%arg34 : memref<!tpu.dma_semaphore, #tpu.memory_space<semaphore_mem>>) {add = true}
    %dma_wait3A_192 = arith.constant 0 : i32
    %dma_wait3A_193 = arith.constant 0 : i32
    %dma_wait3A_194 = tpu.memref_slice %arg2[%dma_wait3A_192, %dma_wait3A_193] : memref<10000x128xf32, #tpu.memory_space<hbm>> -> memref<10000x128xf32, #tpu.memory_space<hbm>>
    tpu.wait_indirect_dma semaphore(%arg31 : memref<!tpu.dma_semaphore, #tpu.memory_space<semaphore_mem>>) src(%dma_wait3A_194 : memref<10000x128xf32, #tpu.memory_space<hbm>>) dst(%arg18 : memref<80x128xf32, #tpu.memory_space<vmem>>)
    %dma_wait3A_195 = arith.constant 0 : i32
    %dma_wait3A_196 = arith.constant 0 : i32
    %dma_wait3A_197 = tpu.memref_slice %arg19[%dma_wait3A_195, %dma_wait3A_196] : memref<10000x128xf32, #tpu.memory_space<vmem_shared>> -> memref<10000x128xf32, #tpu.memory_space<vmem_shared>>
    tpu.wait_indirect_dma semaphore(%arg34 : memref<!tpu.dma_semaphore, #tpu.memory_space<semaphore_mem>>) src(%arg17 : memref<80x128xf32, #tpu.memory_space<vmem>>) dst(%dma_wait3A_197 : memref<10000x128xf32, #tpu.memory_space<vmem_shared>>)
    %mul3A_198 = arith.constant 10000 : i32
    %mul3A_199 = arith.muli %add3A, %mul3A_198 : i32
    %add3A_200 = arith.constant 480 : i32
    %add3A_201 = arith.addi %mul3A_199, %add3A_200 : i32
    %multiple_of3A_202 = tpu.assume_multiple %add3A_201, 8 : i32
    %dma_start3A_203 = tpu.memref_slice %arg4[%multiple_of3A_202] : memref<320000xi32, #tpu.memory_space<hbm>> -> memref<80xi32, #tpu.memory_space<hbm>>
    %dma_start3A_204 = tpu.memref_slice %arg4[%multiple_of3A_202] : memref<320000xi32, #tpu.memory_space<hbm>> -> memref<80xi32, #tpu.memory_space<hbm>>
    tpu.enqueue_dma source(%dma_start3A_204 : memref<80xi32, #tpu.memory_space<hbm>>) target(%arg9 : memref<80xi32, #tpu.memory_space<vmem>>) target_semaphore(%arg22 : memref<!tpu.dma_semaphore, #tpu.memory_space<semaphore_mem>>)
    %mul3A_205 = arith.constant 10000 : i32
    %mul3A_206 = arith.muli %add3A, %mul3A_205 : i32
    %add3A_207 = arith.constant 480 : i32
    %add3A_208 = arith.addi %mul3A_206, %add3A_207 : i32
    %multiple_of3A_209 = tpu.assume_multiple %add3A_208, 8 : i32
    %dma_start3A_210 = tpu.memref_slice %arg3[%multiple_of3A_209] : memref<320000xi32, #tpu.memory_space<hbm>> -> memref<80xi32, #tpu.memory_space<hbm>>
    %dma_start3A_211 = tpu.memref_slice %arg3[%multiple_of3A_209] : memref<320000xi32, #tpu.memory_space<hbm>> -> memref<80xi32, #tpu.memory_space<hbm>>
    tpu.enqueue_dma source(%dma_start3A_211 : memref<80xi32, #tpu.memory_space<hbm>>) target(%arg13 : memref<80xi32, #tpu.memory_space<vmem>>) target_semaphore(%arg26 : memref<!tpu.dma_semaphore, #tpu.memory_space<semaphore_mem>>)
    %mul3A_212 = arith.constant 10000 : i32
    %mul3A_213 = arith.muli %add3A, %mul3A_212 : i32
    %add3A_214 = arith.constant 480 : i32
    %add3A_215 = arith.addi %mul3A_213, %add3A_214 : i32
    %multiple_of3A_216 = tpu.assume_multiple %add3A_215, 8 : i32
    %dma_wait3A_217 = tpu.memref_slice %arg4[%multiple_of3A_216] : memref<320000xi32, #tpu.memory_space<hbm>> -> memref<80xi32, #tpu.memory_space<hbm>>
    %dma_wait3A_218 = tpu.memref_slice %arg4[%multiple_of3A_216] : memref<320000xi32, #tpu.memory_space<hbm>> -> memref<80xi32, #tpu.memory_space<hbm>>
    tpu.wait_dma2 semaphore(%arg22 : memref<!tpu.dma_semaphore, #tpu.memory_space<semaphore_mem>>) src(%dma_wait3A_218 : memref<80xi32, #tpu.memory_space<hbm>>) dst(%arg9 : memref<80xi32, #tpu.memory_space<vmem>>)
    %dma_start3A_219 = arith.constant 0 : i32
    %dma_start3A_220 = arith.constant 0 : i32
    %dma_start3A_221 = tpu.memref_slice %arg2[%dma_start3A_219, %dma_start3A_220] : memref<10000x128xf32, #tpu.memory_space<hbm>> -> memref<10000x128xf32, #tpu.memory_space<hbm>>
    tpu.enqueue_indirect_dma source(%dma_start3A_221 : memref<10000x128xf32, #tpu.memory_space<hbm>>) target(%arg17 : memref<80x128xf32, #tpu.memory_space<vmem>>) offsets(%arg9 : memref<80xi32, #tpu.memory_space<vmem>>) semaphore(%arg30 : memref<!tpu.dma_semaphore, #tpu.memory_space<semaphore_mem>>)
    %mul3A_222 = arith.constant 10000 : i32
    %mul3A_223 = arith.muli %add3A, %mul3A_222 : i32
    %add3A_224 = arith.constant 240 : i32
    %add3A_225 = arith.addi %mul3A_223, %add3A_224 : i32
    %multiple_of3A_226 = tpu.assume_multiple %add3A_225, 8 : i32
    %dma_wait3A_227 = tpu.memref_slice %arg3[%multiple_of3A_226] : memref<320000xi32, #tpu.memory_space<hbm>> -> memref<80xi32, #tpu.memory_space<hbm>>
    %dma_wait3A_228 = tpu.memref_slice %arg3[%multiple_of3A_226] : memref<320000xi32, #tpu.memory_space<hbm>> -> memref<80xi32, #tpu.memory_space<hbm>>
    tpu.wait_dma2 semaphore(%arg27 : memref<!tpu.dma_semaphore, #tpu.memory_space<semaphore_mem>>) src(%dma_wait3A_228 : memref<80xi32, #tpu.memory_space<hbm>>) dst(%arg14 : memref<80xi32, #tpu.memory_space<vmem>>)
    %dma_start3A_229 = arith.constant 0 : i32
    %dma_start3A_230 = arith.constant 0 : i32
    %dma_start3A_231 = tpu.memref_slice %arg19[%dma_start3A_229, %dma_start3A_230] : memref<10000x128xf32, #tpu.memory_space<vmem_shared>> -> memref<10000x128xf32, #tpu.memory_space<vmem_shared>>
    tpu.enqueue_indirect_dma source(%arg18 : memref<80x128xf32, #tpu.memory_space<vmem>>) target(%dma_start3A_231 : memref<10000x128xf32, #tpu.memory_space<vmem_shared>>) offsets(%arg14 : memref<80xi32, #tpu.memory_space<vmem>>) semaphore(%arg35 : memref<!tpu.dma_semaphore, #tpu.memory_space<semaphore_mem>>) {add = true}
    %scan3A = arith.constant 0 : i32
    %scan3A_232 = arith.constant 29 : i32
    %scan3A_233 = arith.addi %scan3A, %scan3A_232 : i32
    %scan3A_234 = arith.constant 1 : i32
    scf.for %scan3A_376 = %scan3A to %scan3A_233 step %scan3A_234  : i32 {
      %mul3A_377 = arith.constant 1 : i32
      %mul3A_378 = arith.muli %scan3A_376, %mul3A_377 : i32
      %add3A_379 = arith.constant 1 : i32
      %add3A_380 = arith.addi %add3A_379, %mul3A_378 : i32
      %mul3A_381 = arith.constant 4 : i32
      %mul3A_382 = arith.muli %mul3A_381, %add3A_380 : i32
      %add3A_383 = arith.constant 0 : i32
      %add3A_384 = arith.addi %mul3A_382, %add3A_383 : i32
      %dma_wait3A_385 = arith.constant 0 : i32
      %dma_wait3A_386 = arith.constant 0 : i32
      %dma_wait3A_387 = tpu.memref_slice %arg2[%dma_wait3A_385, %dma_wait3A_386] : memref<10000x128xf32, #tpu.memory_space<hbm>> -> memref<10000x128xf32, #tpu.memory_space<hbm>>
      tpu.wait_indirect_dma semaphore(%arg28 : memref<!tpu.dma_semaphore, #tpu.memory_space<semaphore_mem>>) src(%dma_wait3A_387 : memref<10000x128xf32, #tpu.memory_space<hbm>>) dst(%arg15 : memref<80x128xf32, #tpu.memory_space<vmem>>)
      %dma_wait3A_388 = arith.constant 0 : i32
      %dma_wait3A_389 = arith.constant 0 : i32
      %dma_wait3A_390 = tpu.memref_slice %arg19[%dma_wait3A_388, %dma_wait3A_389] : memref<10000x128xf32, #tpu.memory_space<vmem_shared>> -> memref<10000x128xf32, #tpu.memory_space<vmem_shared>>
      tpu.wait_indirect_dma semaphore(%arg35 : memref<!tpu.dma_semaphore, #tpu.memory_space<semaphore_mem>>) src(%arg18 : memref<80x128xf32, #tpu.memory_space<vmem>>) dst(%dma_wait3A_390 : memref<10000x128xf32, #tpu.memory_space<vmem_shared>>)
      %sub3A = arith.constant 1 : i32
      %sub3A_391 = arith.subi %add3A_384, %sub3A : i32
      %add3A_392 = arith.constant 4 : i32
      %add3A_393 = arith.addi %sub3A_391, %add3A_392 : i32
      %mul3A_394 = arith.constant 10000 : i32
      %mul3A_395 = arith.muli %add3A, %mul3A_394 : i32
      %mul3A_396 = arith.constant 80 : i32
      %mul3A_397 = arith.muli %add3A_393, %mul3A_396 : i32
      %add3A_398 = arith.addi %mul3A_395, %mul3A_397 : i32
      %multiple_of3A_399 = tpu.assume_multiple %add3A_398, 8 : i32
      %dma_start3A_400 = tpu.memref_slice %arg4[%multiple_of3A_399] : memref<320000xi32, #tpu.memory_space<hbm>> -> memref<80xi32, #tpu.memory_space<hbm>>
      %dma_start3A_401 = tpu.memref_slice %arg4[%multiple_of3A_399] : memref<320000xi32, #tpu.memory_space<hbm>> -> memref<80xi32, #tpu.memory_space<hbm>>
      tpu.enqueue_dma source(%dma_start3A_401 : memref<80xi32, #tpu.memory_space<hbm>>) target(%arg10 : memref<80xi32, #tpu.memory_space<vmem>>) target_semaphore(%arg23 : memref<!tpu.dma_semaphore, #tpu.memory_space<semaphore_mem>>)
      %sub3A_402 = arith.constant 1 : i32
      %sub3A_403 = arith.subi %add3A_384, %sub3A_402 : i32
      %add3A_404 = arith.constant 4 : i32
      %add3A_405 = arith.addi %sub3A_403, %add3A_404 : i32
      %mul3A_406 = arith.constant 10000 : i32
      %mul3A_407 = arith.muli %add3A, %mul3A_406 : i32
      %mul3A_408 = arith.constant 80 : i32
      %mul3A_409 = arith.muli %add3A_405, %mul3A_408 : i32
      %add3A_410 = arith.addi %mul3A_407, %mul3A_409 : i32
      %multiple_of3A_411 = tpu.assume_multiple %add3A_410, 8 : i32
      %dma_start3A_412 = tpu.memref_slice %arg3[%multiple_of3A_411] : memref<320000xi32, #tpu.memory_space<hbm>> -> memref<80xi32, #tpu.memory_space<hbm>>
      %dma_start3A_413 = tpu.memref_slice %arg3[%multiple_of3A_411] : memref<320000xi32, #tpu.memory_space<hbm>> -> memref<80xi32, #tpu.memory_space<hbm>>
      tpu.enqueue_dma source(%dma_start3A_413 : memref<80xi32, #tpu.memory_space<hbm>>) target(%arg14 : memref<80xi32, #tpu.memory_space<vmem>>) target_semaphore(%arg27 : memref<!tpu.dma_semaphore, #tpu.memory_space<semaphore_mem>>)
      %add3A_414 = arith.constant 3 : i32
      %add3A_415 = arith.addi %add3A_384, %add3A_414 : i32
      %mul3A_416 = arith.constant 10000 : i32
      %mul3A_417 = arith.muli %add3A, %mul3A_416 : i32
      %mul3A_418 = arith.constant 80 : i32
      %mul3A_419 = arith.muli %add3A_415, %mul3A_418 : i32
      %add3A_420 = arith.addi %mul3A_417, %mul3A_419 : i32
      %multiple_of3A_421 = tpu.assume_multiple %add3A_420, 8 : i32
      %dma_wait3A_422 = tpu.memref_slice %arg4[%multiple_of3A_421] : memref<320000xi32, #tpu.memory_space<hbm>> -> memref<80xi32, #tpu.memory_space<hbm>>
      %dma_wait3A_423 = tpu.memref_slice %arg4[%multiple_of3A_421] : memref<320000xi32, #tpu.memory_space<hbm>> -> memref<80xi32, #tpu.memory_space<hbm>>
      tpu.wait_dma2 semaphore(%arg23 : memref<!tpu.dma_semaphore, #tpu.memory_space<semaphore_mem>>) src(%dma_wait3A_423 : memref<80xi32, #tpu.memory_space<hbm>>) dst(%arg10 : memref<80xi32, #tpu.memory_space<vmem>>)
      %dma_start3A_424 = arith.constant 0 : i32
      %dma_start3A_425 = arith.constant 0 : i32
      %dma_start3A_426 = tpu.memref_slice %arg2[%dma_start3A_424, %dma_start3A_425] : memref<10000x128xf32, #tpu.memory_space<hbm>> -> memref<10000x128xf32, #tpu.memory_space<hbm>>
      tpu.enqueue_indirect_dma source(%dma_start3A_426 : memref<10000x128xf32, #tpu.memory_space<hbm>>) target(%arg18 : memref<80x128xf32, #tpu.memory_space<vmem>>) offsets(%arg10 : memref<80xi32, #tpu.memory_space<vmem>>) semaphore(%arg31 : memref<!tpu.dma_semaphore, #tpu.memory_space<semaphore_mem>>)
      %mul3A_427 = arith.constant 10000 : i32
      %mul3A_428 = arith.muli %add3A, %mul3A_427 : i32
      %mul3A_429 = arith.constant 80 : i32
      %mul3A_430 = arith.muli %add3A_384, %mul3A_429 : i32
      %add3A_431 = arith.addi %mul3A_428, %mul3A_430 : i32
      %multiple_of3A_432 = tpu.assume_multiple %add3A_431, 8 : i32
      %dma_wait3A_433 = tpu.memref_slice %arg3[%multiple_of3A_432] : memref<320000xi32, #tpu.memory_space<hbm>> -> memref<80xi32, #tpu.memory_space<hbm>>
      %dma_wait3A_434 = tpu.memref_slice %arg3[%multiple_of3A_432] : memref<320000xi32, #tpu.memory_space<hbm>> -> memref<80xi32, #tpu.memory_space<hbm>>
      tpu.wait_dma2 semaphore(%arg24 : memref<!tpu.dma_semaphore, #tpu.memory_space<semaphore_mem>>) src(%dma_wait3A_434 : memref<80xi32, #tpu.memory_space<hbm>>) dst(%arg11 : memref<80xi32, #tpu.memory_space<vmem>>)
      %dma_start3A_435 = arith.constant 0 : i32
      %dma_start3A_436 = arith.constant 0 : i32
      %dma_start3A_437 = tpu.memref_slice %arg19[%dma_start3A_435, %dma_start3A_436] : memref<10000x128xf32, #tpu.memory_space<vmem_shared>> -> memref<10000x128xf32, #tpu.memory_space<vmem_shared>>
      tpu.enqueue_indirect_dma source(%arg15 : memref<80x128xf32, #tpu.memory_space<vmem>>) target(%dma_start3A_437 : memref<10000x128xf32, #tpu.memory_space<vmem_shared>>) offsets(%arg11 : memref<80xi32, #tpu.memory_space<vmem>>) semaphore(%arg32 : memref<!tpu.dma_semaphore, #tpu.memory_space<semaphore_mem>>) {add = true}
      %mul3A_438 = arith.constant 4 : i32
      %mul3A_439 = arith.muli %mul3A_438, %add3A_380 : i32
      %add3A_440 = arith.constant 1 : i32
      %add3A_441 = arith.addi %mul3A_439, %add3A_440 : i32
      %dma_wait3A_442 = arith.constant 0 : i32
      %dma_wait3A_443 = arith.constant 0 : i32
      %dma_wait3A_444 = tpu.memref_slice %arg2[%dma_wait3A_442, %dma_wait3A_443] : memref<10000x128xf32, #tpu.memory_space<hbm>> -> memref<10000x128xf32, #tpu.memory_space<hbm>>
      tpu.wait_indirect_dma semaphore(%arg29 : memref<!tpu.dma_semaphore, #tpu.memory_space<semaphore_mem>>) src(%dma_wait3A_444 : memref<10000x128xf32, #tpu.memory_space<hbm>>) dst(%arg16 : memref<80x128xf32, #tpu.memory_space<vmem>>)
      %dma_wait3A_445 = arith.constant 0 : i32
      %dma_wait3A_446 = arith.constant 0 : i32
      %dma_wait3A_447 = tpu.memref_slice %arg19[%dma_wait3A_445, %dma_wait3A_446] : memref<10000x128xf32, #tpu.memory_space<vmem_shared>> -> memref<10000x128xf32, #tpu.memory_space<vmem_shared>>
      tpu.wait_indirect_dma semaphore(%arg32 : memref<!tpu.dma_semaphore, #tpu.memory_space<semaphore_mem>>) src(%arg15 : memref<80x128xf32, #tpu.memory_space<vmem>>) dst(%dma_wait3A_447 : memref<10000x128xf32, #tpu.memory_space<vmem_shared>>)
      %sub3A_448 = arith.constant 1 : i32
      %sub3A_449 = arith.subi %add3A_441, %sub3A_448 : i32
      %add3A_450 = arith.constant 4 : i32
      %add3A_451 = arith.addi %sub3A_449, %add3A_450 : i32
      %mul3A_452 = arith.constant 10000 : i32
      %mul3A_453 = arith.muli %add3A, %mul3A_452 : i32
      %mul3A_454 = arith.constant 80 : i32
      %mul3A_455 = arith.muli %add3A_451, %mul3A_454 : i32
      %add3A_456 = arith.addi %mul3A_453, %mul3A_455 : i32
      %multiple_of3A_457 = tpu.assume_multiple %add3A_456, 8 : i32
      %dma_start3A_458 = tpu.memref_slice %arg4[%multiple_of3A_457] : memref<320000xi32, #tpu.memory_space<hbm>> -> memref<80xi32, #tpu.memory_space<hbm>>
      %dma_start3A_459 = tpu.memref_slice %arg4[%multiple_of3A_457] : memref<320000xi32, #tpu.memory_space<hbm>> -> memref<80xi32, #tpu.memory_space<hbm>>
      tpu.enqueue_dma source(%dma_start3A_459 : memref<80xi32, #tpu.memory_space<hbm>>) target(%arg7 : memref<80xi32, #tpu.memory_space<vmem>>) target_semaphore(%arg20 : memref<!tpu.dma_semaphore, #tpu.memory_space<semaphore_mem>>)
      %sub3A_460 = arith.constant 1 : i32
      %sub3A_461 = arith.subi %add3A_441, %sub3A_460 : i32
      %add3A_462 = arith.constant 4 : i32
      %add3A_463 = arith.addi %sub3A_461, %add3A_462 : i32
      %mul3A_464 = arith.constant 10000 : i32
      %mul3A_465 = arith.muli %add3A, %mul3A_464 : i32
      %mul3A_466 = arith.constant 80 : i32
      %mul3A_467 = arith.muli %add3A_463, %mul3A_466 : i32
      %add3A_468 = arith.addi %mul3A_465, %mul3A_467 : i32
      %multiple_of3A_469 = tpu.assume_multiple %add3A_468, 8 : i32
      %dma_start3A_470 = tpu.memref_slice %arg3[%multiple_of3A_469] : memref<320000xi32, #tpu.memory_space<hbm>> -> memref<80xi32, #tpu.memory_space<hbm>>
      %dma_start3A_471 = tpu.memref_slice %arg3[%multiple_of3A_469] : memref<320000xi32, #tpu.memory_space<hbm>> -> memref<80xi32, #tpu.memory_space<hbm>>
      tpu.enqueue_dma source(%dma_start3A_471 : memref<80xi32, #tpu.memory_space<hbm>>) target(%arg11 : memref<80xi32, #tpu.memory_space<vmem>>) target_semaphore(%arg24 : memref<!tpu.dma_semaphore, #tpu.memory_space<semaphore_mem>>)
      %add3A_472 = arith.constant 3 : i32
      %add3A_473 = arith.addi %add3A_441, %add3A_472 : i32
      %mul3A_474 = arith.constant 10000 : i32
      %mul3A_475 = arith.muli %add3A, %mul3A_474 : i32
      %mul3A_476 = arith.constant 80 : i32
      %mul3A_477 = arith.muli %add3A_473, %mul3A_476 : i32
      %add3A_478 = arith.addi %mul3A_475, %mul3A_477 : i32
      %multiple_of3A_479 = tpu.assume_multiple %add3A_478, 8 : i32
      %dma_wait3A_480 = tpu.memref_slice %arg4[%multiple_of3A_479] : memref<320000xi32, #tpu.memory_space<hbm>> -> memref<80xi32, #tpu.memory_space<hbm>>
      %dma_wait3A_481 = tpu.memref_slice %arg4[%multiple_of3A_479] : memref<320000xi32, #tpu.memory_space<hbm>> -> memref<80xi32, #tpu.memory_space<hbm>>
      tpu.wait_dma2 semaphore(%arg20 : memref<!tpu.dma_semaphore, #tpu.memory_space<semaphore_mem>>) src(%dma_wait3A_481 : memref<80xi32, #tpu.memory_space<hbm>>) dst(%arg7 : memref<80xi32, #tpu.memory_space<vmem>>)
      %dma_start3A_482 = arith.constant 0 : i32
      %dma_start3A_483 = arith.constant 0 : i32
      %dma_start3A_484 = tpu.memref_slice %arg2[%dma_start3A_482, %dma_start3A_483] : memref<10000x128xf32, #tpu.memory_space<hbm>> -> memref<10000x128xf32, #tpu.memory_space<hbm>>
      tpu.enqueue_indirect_dma source(%dma_start3A_484 : memref<10000x128xf32, #tpu.memory_space<hbm>>) target(%arg15 : memref<80x128xf32, #tpu.memory_space<vmem>>) offsets(%arg7 : memref<80xi32, #tpu.memory_space<vmem>>) semaphore(%arg28 : memref<!tpu.dma_semaphore, #tpu.memory_space<semaphore_mem>>)
      %mul3A_485 = arith.constant 10000 : i32
      %mul3A_486 = arith.muli %add3A, %mul3A_485 : i32
      %mul3A_487 = arith.constant 80 : i32
      %mul3A_488 = arith.muli %add3A_441, %mul3A_487 : i32
      %add3A_489 = arith.addi %mul3A_486, %mul3A_488 : i32
      %multiple_of3A_490 = tpu.assume_multiple %add3A_489, 8 : i32
      %dma_wait3A_491 = tpu.memref_slice %arg3[%multiple_of3A_490] : memref<320000xi32, #tpu.memory_space<hbm>> -> memref<80xi32, #tpu.memory_space<hbm>>
      %dma_wait3A_492 = tpu.memref_slice %arg3[%multiple_of3A_490] : memref<320000xi32, #tpu.memory_space<hbm>> -> memref<80xi32, #tpu.memory_space<hbm>>
      tpu.wait_dma2 semaphore(%arg25 : memref<!tpu.dma_semaphore, #tpu.memory_space<semaphore_mem>>) src(%dma_wait3A_492 : memref<80xi32, #tpu.memory_space<hbm>>) dst(%arg12 : memref<80xi32, #tpu.memory_space<vmem>>)
      %dma_start3A_493 = arith.constant 0 : i32
      %dma_start3A_494 = arith.constant 0 : i32
      %dma_start3A_495 = tpu.memref_slice %arg19[%dma_start3A_493, %dma_start3A_494] : memref<10000x128xf32, #tpu.memory_space<vmem_shared>> -> memref<10000x128xf32, #tpu.memory_space<vmem_shared>>
      tpu.enqueue_indirect_dma source(%arg16 : memref<80x128xf32, #tpu.memory_space<vmem>>) target(%dma_start3A_495 : memref<10000x128xf32, #tpu.memory_space<vmem_shared>>) offsets(%arg12 : memref<80xi32, #tpu.memory_space<vmem>>) semaphore(%arg33 : memref<!tpu.dma_semaphore, #tpu.memory_space<semaphore_mem>>) {add = true}
      %mul3A_496 = arith.constant 4 : i32
      %mul3A_497 = arith.muli %mul3A_496, %add3A_380 : i32
      %add3A_498 = arith.constant 2 : i32
      %add3A_499 = arith.addi %mul3A_497, %add3A_498 : i32
      %dma_wait3A_500 = arith.constant 0 : i32
      %dma_wait3A_501 = arith.constant 0 : i32
      %dma_wait3A_502 = tpu.memref_slice %arg2[%dma_wait3A_500, %dma_wait3A_501] : memref<10000x128xf32, #tpu.memory_space<hbm>> -> memref<10000x128xf32, #tpu.memory_space<hbm>>
      tpu.wait_indirect_dma semaphore(%arg30 : memref<!tpu.dma_semaphore, #tpu.memory_space<semaphore_mem>>) src(%dma_wait3A_502 : memref<10000x128xf32, #tpu.memory_space<hbm>>) dst(%arg17 : memref<80x128xf32, #tpu.memory_space<vmem>>)
      %dma_wait3A_503 = arith.constant 0 : i32
      %dma_wait3A_504 = arith.constant 0 : i32
      %dma_wait3A_505 = tpu.memref_slice %arg19[%dma_wait3A_503, %dma_wait3A_504] : memref<10000x128xf32, #tpu.memory_space<vmem_shared>> -> memref<10000x128xf32, #tpu.memory_space<vmem_shared>>
      tpu.wait_indirect_dma semaphore(%arg33 : memref<!tpu.dma_semaphore, #tpu.memory_space<semaphore_mem>>) src(%arg16 : memref<80x128xf32, #tpu.memory_space<vmem>>) dst(%dma_wait3A_505 : memref<10000x128xf32, #tpu.memory_space<vmem_shared>>)
      %sub3A_506 = arith.constant 1 : i32
      %sub3A_507 = arith.subi %add3A_499, %sub3A_506 : i32
      %add3A_508 = arith.constant 4 : i32
      %add3A_509 = arith.addi %sub3A_507, %add3A_508 : i32
      %mul3A_510 = arith.constant 10000 : i32
      %mul3A_511 = arith.muli %add3A, %mul3A_510 : i32
      %mul3A_512 = arith.constant 80 : i32
      %mul3A_513 = arith.muli %add3A_509, %mul3A_512 : i32
      %add3A_514 = arith.addi %mul3A_511, %mul3A_513 : i32
      %multiple_of3A_515 = tpu.assume_multiple %add3A_514, 8 : i32
      %dma_start3A_516 = tpu.memref_slice %arg4[%multiple_of3A_515] : memref<320000xi32, #tpu.memory_space<hbm>> -> memref<80xi32, #tpu.memory_space<hbm>>
      %dma_start3A_517 = tpu.memref_slice %arg4[%multiple_of3A_515] : memref<320000xi32, #tpu.memory_space<hbm>> -> memref<80xi32, #tpu.memory_space<hbm>>
      tpu.enqueue_dma source(%dma_start3A_517 : memref<80xi32, #tpu.memory_space<hbm>>) target(%arg8 : memref<80xi32, #tpu.memory_space<vmem>>) target_semaphore(%arg21 : memref<!tpu.dma_semaphore, #tpu.memory_space<semaphore_mem>>)
      %sub3A_518 = arith.constant 1 : i32
      %sub3A_519 = arith.subi %add3A_499, %sub3A_518 : i32
      %add3A_520 = arith.constant 4 : i32
      %add3A_521 = arith.addi %sub3A_519, %add3A_520 : i32
      %mul3A_522 = arith.constant 10000 : i32
      %mul3A_523 = arith.muli %add3A, %mul3A_522 : i32
      %mul3A_524 = arith.constant 80 : i32
      %mul3A_525 = arith.muli %add3A_521, %mul3A_524 : i32
      %add3A_526 = arith.addi %mul3A_523, %mul3A_525 : i32
      %multiple_of3A_527 = tpu.assume_multiple %add3A_526, 8 : i32
      %dma_start3A_528 = tpu.memref_slice %arg3[%multiple_of3A_527] : memref<320000xi32, #tpu.memory_space<hbm>> -> memref<80xi32, #tpu.memory_space<hbm>>
      %dma_start3A_529 = tpu.memref_slice %arg3[%multiple_of3A_527] : memref<320000xi32, #tpu.memory_space<hbm>> -> memref<80xi32, #tpu.memory_space<hbm>>
      tpu.enqueue_dma source(%dma_start3A_529 : memref<80xi32, #tpu.memory_space<hbm>>) target(%arg12 : memref<80xi32, #tpu.memory_space<vmem>>) target_semaphore(%arg25 : memref<!tpu.dma_semaphore, #tpu.memory_space<semaphore_mem>>)
      %add3A_530 = arith.constant 3 : i32
      %add3A_531 = arith.addi %add3A_499, %add3A_530 : i32
      %mul3A_532 = arith.constant 10000 : i32
      %mul3A_533 = arith.muli %add3A, %mul3A_532 : i32
      %mul3A_534 = arith.constant 80 : i32
      %mul3A_535 = arith.muli %add3A_531, %mul3A_534 : i32
      %add3A_536 = arith.addi %mul3A_533, %mul3A_535 : i32
      %multiple_of3A_537 = tpu.assume_multiple %add3A_536, 8 : i32
      %dma_wait3A_538 = tpu.memref_slice %arg4[%multiple_of3A_537] : memref<320000xi32, #tpu.memory_space<hbm>> -> memref<80xi32, #tpu.memory_space<hbm>>
      %dma_wait3A_539 = tpu.memref_slice %arg4[%multiple_of3A_537] : memref<320000xi32, #tpu.memory_space<hbm>> -> memref<80xi32, #tpu.memory_space<hbm>>
      tpu.wait_dma2 semaphore(%arg21 : memref<!tpu.dma_semaphore, #tpu.memory_space<semaphore_mem>>) src(%dma_wait3A_539 : memref<80xi32, #tpu.memory_space<hbm>>) dst(%arg8 : memref<80xi32, #tpu.memory_space<vmem>>)
      %dma_start3A_540 = arith.constant 0 : i32
      %dma_start3A_541 = arith.constant 0 : i32
      %dma_start3A_542 = tpu.memref_slice %arg2[%dma_start3A_540, %dma_start3A_541] : memref<10000x128xf32, #tpu.memory_space<hbm>> -> memref<10000x128xf32, #tpu.memory_space<hbm>>
      tpu.enqueue_indirect_dma source(%dma_start3A_542 : memref<10000x128xf32, #tpu.memory_space<hbm>>) target(%arg16 : memref<80x128xf32, #tpu.memory_space<vmem>>) offsets(%arg8 : memref<80xi32, #tpu.memory_space<vmem>>) semaphore(%arg29 : memref<!tpu.dma_semaphore, #tpu.memory_space<semaphore_mem>>)
      %mul3A_543 = arith.constant 10000 : i32
      %mul3A_544 = arith.muli %add3A, %mul3A_543 : i32
      %mul3A_545 = arith.constant 80 : i32
      %mul3A_546 = arith.muli %add3A_499, %mul3A_545 : i32
      %add3A_547 = arith.addi %mul3A_544, %mul3A_546 : i32
      %multiple_of3A_548 = tpu.assume_multiple %add3A_547, 8 : i32
      %dma_wait3A_549 = tpu.memref_slice %arg3[%multiple_of3A_548] : memref<320000xi32, #tpu.memory_space<hbm>> -> memref<80xi32, #tpu.memory_space<hbm>>
      %dma_wait3A_550 = tpu.memref_slice %arg3[%multiple_of3A_548] : memref<320000xi32, #tpu.memory_space<hbm>> -> memref<80xi32, #tpu.memory_space<hbm>>
      tpu.wait_dma2 semaphore(%arg26 : memref<!tpu.dma_semaphore, #tpu.memory_space<semaphore_mem>>) src(%dma_wait3A_550 : memref<80xi32, #tpu.memory_space<hbm>>) dst(%arg13 : memref<80xi32, #tpu.memory_space<vmem>>)
      %dma_start3A_551 = arith.constant 0 : i32
      %dma_start3A_552 = arith.constant 0 : i32
      %dma_start3A_553 = tpu.memref_slice %arg19[%dma_start3A_551, %dma_start3A_552] : memref<10000x128xf32, #tpu.memory_space<vmem_shared>> -> memref<10000x128xf32, #tpu.memory_space<vmem_shared>>
      tpu.enqueue_indirect_dma source(%arg17 : memref<80x128xf32, #tpu.memory_space<vmem>>) target(%dma_start3A_553 : memref<10000x128xf32, #tpu.memory_space<vmem_shared>>) offsets(%arg13 : memref<80xi32, #tpu.memory_space<vmem>>) semaphore(%arg34 : memref<!tpu.dma_semaphore, #tpu.memory_space<semaphore_mem>>) {add = true}
      %mul3A_554 = arith.constant 4 : i32
      %mul3A_555 = arith.muli %mul3A_554, %add3A_380 : i32
      %add3A_556 = arith.constant 3 : i32
      %add3A_557 = arith.addi %mul3A_555, %add3A_556 : i32
      %dma_wait3A_558 = arith.constant 0 : i32
      %dma_wait3A_559 = arith.constant 0 : i32
      %dma_wait3A_560 = tpu.memref_slice %arg2[%dma_wait3A_558, %dma_wait3A_559] : memref<10000x128xf32, #tpu.memory_space<hbm>> -> memref<10000x128xf32, #tpu.memory_space<hbm>>
      tpu.wait_indirect_dma semaphore(%arg31 : memref<!tpu.dma_semaphore, #tpu.memory_space<semaphore_mem>>) src(%dma_wait3A_560 : memref<10000x128xf32, #tpu.memory_space<hbm>>) dst(%arg18 : memref<80x128xf32, #tpu.memory_space<vmem>>)
      %dma_wait3A_561 = arith.constant 0 : i32
      %dma_wait3A_562 = arith.constant 0 : i32
      %dma_wait3A_563 = tpu.memref_slice %arg19[%dma_wait3A_561, %dma_wait3A_562] : memref<10000x128xf32, #tpu.memory_space<vmem_shared>> -> memref<10000x128xf32, #tpu.memory_space<vmem_shared>>
      tpu.wait_indirect_dma semaphore(%arg34 : memref<!tpu.dma_semaphore, #tpu.memory_space<semaphore_mem>>) src(%arg17 : memref<80x128xf32, #tpu.memory_space<vmem>>) dst(%dma_wait3A_563 : memref<10000x128xf32, #tpu.memory_space<vmem_shared>>)
      %sub3A_564 = arith.constant 1 : i32
      %sub3A_565 = arith.subi %add3A_557, %sub3A_564 : i32
      %add3A_566 = arith.constant 4 : i32
      %add3A_567 = arith.addi %sub3A_565, %add3A_566 : i32
      %mul3A_568 = arith.constant 10000 : i32
      %mul3A_569 = arith.muli %add3A, %mul3A_568 : i32
      %mul3A_570 = arith.constant 80 : i32
      %mul3A_571 = arith.muli %add3A_567, %mul3A_570 : i32
      %add3A_572 = arith.addi %mul3A_569, %mul3A_571 : i32
      %multiple_of3A_573 = tpu.assume_multiple %add3A_572, 8 : i32
      %dma_start3A_574 = tpu.memref_slice %arg4[%multiple_of3A_573] : memref<320000xi32, #tpu.memory_space<hbm>> -> memref<80xi32, #tpu.memory_space<hbm>>
      %dma_start3A_575 = tpu.memref_slice %arg4[%multiple_of3A_573] : memref<320000xi32, #tpu.memory_space<hbm>> -> memref<80xi32, #tpu.memory_space<hbm>>
      tpu.enqueue_dma source(%dma_start3A_575 : memref<80xi32, #tpu.memory_space<hbm>>) target(%arg9 : memref<80xi32, #tpu.memory_space<vmem>>) target_semaphore(%arg22 : memref<!tpu.dma_semaphore, #tpu.memory_space<semaphore_mem>>)
      %sub3A_576 = arith.constant 1 : i32
      %sub3A_577 = arith.subi %add3A_557, %sub3A_576 : i32
      %add3A_578 = arith.constant 4 : i32
      %add3A_579 = arith.addi %sub3A_577, %add3A_578 : i32
      %mul3A_580 = arith.constant 10000 : i32
      %mul3A_581 = arith.muli %add3A, %mul3A_580 : i32
      %mul3A_582 = arith.constant 80 : i32
      %mul3A_583 = arith.muli %add3A_579, %mul3A_582 : i32
      %add3A_584 = arith.addi %mul3A_581, %mul3A_583 : i32
      %multiple_of3A_585 = tpu.assume_multiple %add3A_584, 8 : i32
      %dma_start3A_586 = tpu.memref_slice %arg3[%multiple_of3A_585] : memref<320000xi32, #tpu.memory_space<hbm>> -> memref<80xi32, #tpu.memory_space<hbm>>
      %dma_start3A_587 = tpu.memref_slice %arg3[%multiple_of3A_585] : memref<320000xi32, #tpu.memory_space<hbm>> -> memref<80xi32, #tpu.memory_space<hbm>>
      tpu.enqueue_dma source(%dma_start3A_587 : memref<80xi32, #tpu.memory_space<hbm>>) target(%arg13 : memref<80xi32, #tpu.memory_space<vmem>>) target_semaphore(%arg26 : memref<!tpu.dma_semaphore, #tpu.memory_space<semaphore_mem>>)
      %add3A_588 = arith.constant 3 : i32
      %add3A_589 = arith.addi %add3A_557, %add3A_588 : i32
      %mul3A_590 = arith.constant 10000 : i32
      %mul3A_591 = arith.muli %add3A, %mul3A_590 : i32
      %mul3A_592 = arith.constant 80 : i32
      %mul3A_593 = arith.muli %add3A_589, %mul3A_592 : i32
      %add3A_594 = arith.addi %mul3A_591, %mul3A_593 : i32
      %multiple_of3A_595 = tpu.assume_multiple %add3A_594, 8 : i32
      %dma_wait3A_596 = tpu.memref_slice %arg4[%multiple_of3A_595] : memref<320000xi32, #tpu.memory_space<hbm>> -> memref<80xi32, #tpu.memory_space<hbm>>
      %dma_wait3A_597 = tpu.memref_slice %arg4[%multiple_of3A_595] : memref<320000xi32, #tpu.memory_space<hbm>> -> memref<80xi32, #tpu.memory_space<hbm>>
      tpu.wait_dma2 semaphore(%arg22 : memref<!tpu.dma_semaphore, #tpu.memory_space<semaphore_mem>>) src(%dma_wait3A_597 : memref<80xi32, #tpu.memory_space<hbm>>) dst(%arg9 : memref<80xi32, #tpu.memory_space<vmem>>)
      %dma_start3A_598 = arith.constant 0 : i32
      %dma_start3A_599 = arith.constant 0 : i32
      %dma_start3A_600 = tpu.memref_slice %arg2[%dma_start3A_598, %dma_start3A_599] : memref<10000x128xf32, #tpu.memory_space<hbm>> -> memref<10000x128xf32, #tpu.memory_space<hbm>>
      tpu.enqueue_indirect_dma source(%dma_start3A_600 : memref<10000x128xf32, #tpu.memory_space<hbm>>) target(%arg17 : memref<80x128xf32, #tpu.memory_space<vmem>>) offsets(%arg9 : memref<80xi32, #tpu.memory_space<vmem>>) semaphore(%arg30 : memref<!tpu.dma_semaphore, #tpu.memory_space<semaphore_mem>>)
      %mul3A_601 = arith.constant 10000 : i32
      %mul3A_602 = arith.muli %add3A, %mul3A_601 : i32
      %mul3A_603 = arith.constant 80 : i32
      %mul3A_604 = arith.muli %add3A_557, %mul3A_603 : i32
      %add3A_605 = arith.addi %mul3A_602, %mul3A_604 : i32
      %multiple_of3A_606 = tpu.assume_multiple %add3A_605, 8 : i32
      %dma_wait3A_607 = tpu.memref_slice %arg3[%multiple_of3A_606] : memref<320000xi32, #tpu.memory_space<hbm>> -> memref<80xi32, #tpu.memory_space<hbm>>
      %dma_wait3A_608 = tpu.memref_slice %arg3[%multiple_of3A_606] : memref<320000xi32, #tpu.memory_space<hbm>> -> memref<80xi32, #tpu.memory_space<hbm>>
      tpu.wait_dma2 semaphore(%arg27 : memref<!tpu.dma_semaphore, #tpu.memory_space<semaphore_mem>>) src(%dma_wait3A_608 : memref<80xi32, #tpu.memory_space<hbm>>) dst(%arg14 : memref<80xi32, #tpu.memory_space<vmem>>)
      %dma_start3A_609 = arith.constant 0 : i32
      %dma_start3A_610 = arith.constant 0 : i32
      %dma_start3A_611 = tpu.memref_slice %arg19[%dma_start3A_609, %dma_start3A_610] : memref<10000x128xf32, #tpu.memory_space<vmem_shared>> -> memref<10000x128xf32, #tpu.memory_space<vmem_shared>>
      tpu.enqueue_indirect_dma source(%arg18 : memref<80x128xf32, #tpu.memory_space<vmem>>) target(%dma_start3A_611 : memref<10000x128xf32, #tpu.memory_space<vmem_shared>>) offsets(%arg14 : memref<80xi32, #tpu.memory_space<vmem>>) semaphore(%arg35 : memref<!tpu.dma_semaphore, #tpu.memory_space<semaphore_mem>>) {add = true}
    }
    %scan3A_235 = arith.constant 29 : i32
    %dma_wait3A_236 = arith.constant 0 : i32
    %dma_wait3A_237 = arith.constant 0 : i32
    %dma_wait3A_238 = tpu.memref_slice %arg2[%dma_wait3A_236, %dma_wait3A_237] : memref<10000x128xf32, #tpu.memory_space<hbm>> -> memref<10000x128xf32, #tpu.memory_space<hbm>>
    tpu.wait_indirect_dma semaphore(%arg28 : memref<!tpu.dma_semaphore, #tpu.memory_space<semaphore_mem>>) src(%dma_wait3A_238 : memref<10000x128xf32, #tpu.memory_space<hbm>>) dst(%arg15 : memref<80x128xf32, #tpu.memory_space<vmem>>)
    %dma_wait3A_239 = arith.constant 0 : i32
    %dma_wait3A_240 = arith.constant 0 : i32
    %dma_wait3A_241 = tpu.memref_slice %arg19[%dma_wait3A_239, %dma_wait3A_240] : memref<10000x128xf32, #tpu.memory_space<vmem_shared>> -> memref<10000x128xf32, #tpu.memory_space<vmem_shared>>
    tpu.wait_indirect_dma semaphore(%arg35 : memref<!tpu.dma_semaphore, #tpu.memory_space<semaphore_mem>>) src(%arg18 : memref<80x128xf32, #tpu.memory_space<vmem>>) dst(%dma_wait3A_241 : memref<10000x128xf32, #tpu.memory_space<vmem_shared>>)
    %mul3A_242 = arith.constant 10000 : i32
    %mul3A_243 = arith.muli %add3A, %mul3A_242 : i32
    %add3A_244 = arith.constant 9840 : i32
    %add3A_245 = arith.addi %mul3A_243, %add3A_244 : i32
    %multiple_of3A_246 = tpu.assume_multiple %add3A_245, 8 : i32
    %dma_start3A_247 = tpu.memref_slice %arg4[%multiple_of3A_246] : memref<320000xi32, #tpu.memory_space<hbm>> -> memref<80xi32, #tpu.memory_space<hbm>>
    %dma_start3A_248 = tpu.memref_slice %arg4[%multiple_of3A_246] : memref<320000xi32, #tpu.memory_space<hbm>> -> memref<80xi32, #tpu.memory_space<hbm>>
    tpu.enqueue_dma source(%dma_start3A_248 : memref<80xi32, #tpu.memory_space<hbm>>) target(%arg10 : memref<80xi32, #tpu.memory_space<vmem>>) target_semaphore(%arg23 : memref<!tpu.dma_semaphore, #tpu.memory_space<semaphore_mem>>)
    %mul3A_249 = arith.constant 10000 : i32
    %mul3A_250 = arith.muli %add3A, %mul3A_249 : i32
    %add3A_251 = arith.constant 9840 : i32
    %add3A_252 = arith.addi %mul3A_250, %add3A_251 : i32
    %multiple_of3A_253 = tpu.assume_multiple %add3A_252, 8 : i32
    %dma_start3A_254 = tpu.memref_slice %arg3[%multiple_of3A_253] : memref<320000xi32, #tpu.memory_space<hbm>> -> memref<80xi32, #tpu.memory_space<hbm>>
    %dma_start3A_255 = tpu.memref_slice %arg3[%multiple_of3A_253] : memref<320000xi32, #tpu.memory_space<hbm>> -> memref<80xi32, #tpu.memory_space<hbm>>
    tpu.enqueue_dma source(%dma_start3A_255 : memref<80xi32, #tpu.memory_space<hbm>>) target(%arg14 : memref<80xi32, #tpu.memory_space<vmem>>) target_semaphore(%arg27 : memref<!tpu.dma_semaphore, #tpu.memory_space<semaphore_mem>>)
    %mul3A_256 = arith.constant 10000 : i32
    %mul3A_257 = arith.muli %add3A, %mul3A_256 : i32
    %add3A_258 = arith.constant 9840 : i32
    %add3A_259 = arith.addi %mul3A_257, %add3A_258 : i32
    %multiple_of3A_260 = tpu.assume_multiple %add3A_259, 8 : i32
    %dma_wait3A_261 = tpu.memref_slice %arg4[%multiple_of3A_260] : memref<320000xi32, #tpu.memory_space<hbm>> -> memref<80xi32, #tpu.memory_space<hbm>>
    %dma_wait3A_262 = tpu.memref_slice %arg4[%multiple_of3A_260] : memref<320000xi32, #tpu.memory_space<hbm>> -> memref<80xi32, #tpu.memory_space<hbm>>
    tpu.wait_dma2 semaphore(%arg23 : memref<!tpu.dma_semaphore, #tpu.memory_space<semaphore_mem>>) src(%dma_wait3A_262 : memref<80xi32, #tpu.memory_space<hbm>>) dst(%arg10 : memref<80xi32, #tpu.memory_space<vmem>>)
    %dma_start3A_263 = arith.constant 0 : i32
    %dma_start3A_264 = arith.constant 0 : i32
    %dma_start3A_265 = tpu.memref_slice %arg2[%dma_start3A_263, %dma_start3A_264] : memref<10000x128xf32, #tpu.memory_space<hbm>> -> memref<10000x128xf32, #tpu.memory_space<hbm>>
    tpu.enqueue_indirect_dma source(%dma_start3A_265 : memref<10000x128xf32, #tpu.memory_space<hbm>>) target(%arg18 : memref<80x128xf32, #tpu.memory_space<vmem>>) offsets(%arg10 : memref<80xi32, #tpu.memory_space<vmem>>) semaphore(%arg31 : memref<!tpu.dma_semaphore, #tpu.memory_space<semaphore_mem>>)
    %mul3A_266 = arith.constant 10000 : i32
    %mul3A_267 = arith.muli %add3A, %mul3A_266 : i32
    %add3A_268 = arith.constant 9600 : i32
    %add3A_269 = arith.addi %mul3A_267, %add3A_268 : i32
    %multiple_of3A_270 = tpu.assume_multiple %add3A_269, 8 : i32
    %dma_wait3A_271 = tpu.memref_slice %arg3[%multiple_of3A_270] : memref<320000xi32, #tpu.memory_space<hbm>> -> memref<80xi32, #tpu.memory_space<hbm>>
    %dma_wait3A_272 = tpu.memref_slice %arg3[%multiple_of3A_270] : memref<320000xi32, #tpu.memory_space<hbm>> -> memref<80xi32, #tpu.memory_space<hbm>>
    tpu.wait_dma2 semaphore(%arg24 : memref<!tpu.dma_semaphore, #tpu.memory_space<semaphore_mem>>) src(%dma_wait3A_272 : memref<80xi32, #tpu.memory_space<hbm>>) dst(%arg11 : memref<80xi32, #tpu.memory_space<vmem>>)
    %dma_start3A_273 = arith.constant 0 : i32
    %dma_start3A_274 = arith.constant 0 : i32
    %dma_start3A_275 = tpu.memref_slice %arg19[%dma_start3A_273, %dma_start3A_274] : memref<10000x128xf32, #tpu.memory_space<vmem_shared>> -> memref<10000x128xf32, #tpu.memory_space<vmem_shared>>
    tpu.enqueue_indirect_dma source(%arg15 : memref<80x128xf32, #tpu.memory_space<vmem>>) target(%dma_start3A_275 : memref<10000x128xf32, #tpu.memory_space<vmem_shared>>) offsets(%arg11 : memref<80xi32, #tpu.memory_space<vmem>>) semaphore(%arg32 : memref<!tpu.dma_semaphore, #tpu.memory_space<semaphore_mem>>) {add = true}
    %dma_wait3A_276 = arith.constant 0 : i32
    %dma_wait3A_277 = arith.constant 0 : i32
    %dma_wait3A_278 = tpu.memref_slice %arg2[%dma_wait3A_276, %dma_wait3A_277] : memref<10000x128xf32, #tpu.memory_space<hbm>> -> memref<10000x128xf32, #tpu.memory_space<hbm>>
    tpu.wait_indirect_dma semaphore(%arg29 : memref<!tpu.dma_semaphore, #tpu.memory_space<semaphore_mem>>) src(%dma_wait3A_278 : memref<10000x128xf32, #tpu.memory_space<hbm>>) dst(%arg16 : memref<80x128xf32, #tpu.memory_space<vmem>>)
    %dma_wait3A_279 = arith.constant 0 : i32
    %dma_wait3A_280 = arith.constant 0 : i32
    %dma_wait3A_281 = tpu.memref_slice %arg19[%dma_wait3A_279, %dma_wait3A_280] : memref<10000x128xf32, #tpu.memory_space<vmem_shared>> -> memref<10000x128xf32, #tpu.memory_space<vmem_shared>>
    tpu.wait_indirect_dma semaphore(%arg32 : memref<!tpu.dma_semaphore, #tpu.memory_space<semaphore_mem>>) src(%arg15 : memref<80x128xf32, #tpu.memory_space<vmem>>) dst(%dma_wait3A_281 : memref<10000x128xf32, #tpu.memory_space<vmem_shared>>)
    %mul3A_282 = arith.constant 10000 : i32
    %mul3A_283 = arith.muli %add3A, %mul3A_282 : i32
    %add3A_284 = arith.constant 9920 : i32
    %add3A_285 = arith.addi %mul3A_283, %add3A_284 : i32
    %multiple_of3A_286 = tpu.assume_multiple %add3A_285, 8 : i32
    %dma_start3A_287 = tpu.memref_slice %arg4[%multiple_of3A_286] : memref<320000xi32, #tpu.memory_space<hbm>> -> memref<80xi32, #tpu.memory_space<hbm>>
    %dma_start3A_288 = tpu.memref_slice %arg4[%multiple_of3A_286] : memref<320000xi32, #tpu.memory_space<hbm>> -> memref<80xi32, #tpu.memory_space<hbm>>
    tpu.enqueue_dma source(%dma_start3A_288 : memref<80xi32, #tpu.memory_space<hbm>>) target(%arg7 : memref<80xi32, #tpu.memory_space<vmem>>) target_semaphore(%arg20 : memref<!tpu.dma_semaphore, #tpu.memory_space<semaphore_mem>>)
    %mul3A_289 = arith.constant 10000 : i32
    %mul3A_290 = arith.muli %add3A, %mul3A_289 : i32
    %add3A_291 = arith.constant 9920 : i32
    %add3A_292 = arith.addi %mul3A_290, %add3A_291 : i32
    %multiple_of3A_293 = tpu.assume_multiple %add3A_292, 8 : i32
    %dma_start3A_294 = tpu.memref_slice %arg3[%multiple_of3A_293] : memref<320000xi32, #tpu.memory_space<hbm>> -> memref<80xi32, #tpu.memory_space<hbm>>
    %dma_start3A_295 = tpu.memref_slice %arg3[%multiple_of3A_293] : memref<320000xi32, #tpu.memory_space<hbm>> -> memref<80xi32, #tpu.memory_space<hbm>>
    tpu.enqueue_dma source(%dma_start3A_295 : memref<80xi32, #tpu.memory_space<hbm>>) target(%arg11 : memref<80xi32, #tpu.memory_space<vmem>>) target_semaphore(%arg24 : memref<!tpu.dma_semaphore, #tpu.memory_space<semaphore_mem>>)
    %mul3A_296 = arith.constant 10000 : i32
    %mul3A_297 = arith.muli %add3A, %mul3A_296 : i32
    %add3A_298 = arith.constant 9920 : i32
    %add3A_299 = arith.addi %mul3A_297, %add3A_298 : i32
    %multiple_of3A_300 = tpu.assume_multiple %add3A_299, 8 : i32
    %dma_wait3A_301 = tpu.memref_slice %arg4[%multiple_of3A_300] : memref<320000xi32, #tpu.memory_space<hbm>> -> memref<80xi32, #tpu.memory_space<hbm>>
    %dma_wait3A_302 = tpu.memref_slice %arg4[%multiple_of3A_300] : memref<320000xi32, #tpu.memory_space<hbm>> -> memref<80xi32, #tpu.memory_space<hbm>>
    tpu.wait_dma2 semaphore(%arg20 : memref<!tpu.dma_semaphore, #tpu.memory_space<semaphore_mem>>) src(%dma_wait3A_302 : memref<80xi32, #tpu.memory_space<hbm>>) dst(%arg7 : memref<80xi32, #tpu.memory_space<vmem>>)
    %dma_start3A_303 = arith.constant 0 : i32
    %dma_start3A_304 = arith.constant 0 : i32
    %dma_start3A_305 = tpu.memref_slice %arg2[%dma_start3A_303, %dma_start3A_304] : memref<10000x128xf32, #tpu.memory_space<hbm>> -> memref<10000x128xf32, #tpu.memory_space<hbm>>
    tpu.enqueue_indirect_dma source(%dma_start3A_305 : memref<10000x128xf32, #tpu.memory_space<hbm>>) target(%arg15 : memref<80x128xf32, #tpu.memory_space<vmem>>) offsets(%arg7 : memref<80xi32, #tpu.memory_space<vmem>>) semaphore(%arg28 : memref<!tpu.dma_semaphore, #tpu.memory_space<semaphore_mem>>)
    %mul3A_306 = arith.constant 10000 : i32
    %mul3A_307 = arith.muli %add3A, %mul3A_306 : i32
    %add3A_308 = arith.constant 9680 : i32
    %add3A_309 = arith.addi %mul3A_307, %add3A_308 : i32
    %multiple_of3A_310 = tpu.assume_multiple %add3A_309, 8 : i32
    %dma_wait3A_311 = tpu.memref_slice %arg3[%multiple_of3A_310] : memref<320000xi32, #tpu.memory_space<hbm>> -> memref<80xi32, #tpu.memory_space<hbm>>
    %dma_wait3A_312 = tpu.memref_slice %arg3[%multiple_of3A_310] : memref<320000xi32, #tpu.memory_space<hbm>> -> memref<80xi32, #tpu.memory_space<hbm>>
    tpu.wait_dma2 semaphore(%arg25 : memref<!tpu.dma_semaphore, #tpu.memory_space<semaphore_mem>>) src(%dma_wait3A_312 : memref<80xi32, #tpu.memory_space<hbm>>) dst(%arg12 : memref<80xi32, #tpu.memory_space<vmem>>)
    %dma_start3A_313 = arith.constant 0 : i32
    %dma_start3A_314 = arith.constant 0 : i32
    %dma_start3A_315 = tpu.memref_slice %arg19[%dma_start3A_313, %dma_start3A_314] : memref<10000x128xf32, #tpu.memory_space<vmem_shared>> -> memref<10000x128xf32, #tpu.memory_space<vmem_shared>>
    tpu.enqueue_indirect_dma source(%arg16 : memref<80x128xf32, #tpu.memory_space<vmem>>) target(%dma_start3A_315 : memref<10000x128xf32, #tpu.memory_space<vmem_shared>>) offsets(%arg12 : memref<80xi32, #tpu.memory_space<vmem>>) semaphore(%arg33 : memref<!tpu.dma_semaphore, #tpu.memory_space<semaphore_mem>>) {add = true}
    %dma_wait3A_316 = arith.constant 0 : i32
    %dma_wait3A_317 = arith.constant 0 : i32
    %dma_wait3A_318 = tpu.memref_slice %arg2[%dma_wait3A_316, %dma_wait3A_317] : memref<10000x128xf32, #tpu.memory_space<hbm>> -> memref<10000x128xf32, #tpu.memory_space<hbm>>
    tpu.wait_indirect_dma semaphore(%arg30 : memref<!tpu.dma_semaphore, #tpu.memory_space<semaphore_mem>>) src(%dma_wait3A_318 : memref<10000x128xf32, #tpu.memory_space<hbm>>) dst(%arg17 : memref<80x128xf32, #tpu.memory_space<vmem>>)
    %dma_wait3A_319 = arith.constant 0 : i32
    %dma_wait3A_320 = arith.constant 0 : i32
    %dma_wait3A_321 = tpu.memref_slice %arg19[%dma_wait3A_319, %dma_wait3A_320] : memref<10000x128xf32, #tpu.memory_space<vmem_shared>> -> memref<10000x128xf32, #tpu.memory_space<vmem_shared>>
    tpu.wait_indirect_dma semaphore(%arg33 : memref<!tpu.dma_semaphore, #tpu.memory_space<semaphore_mem>>) src(%arg16 : memref<80x128xf32, #tpu.memory_space<vmem>>) dst(%dma_wait3A_321 : memref<10000x128xf32, #tpu.memory_space<vmem_shared>>)
    %mul3A_322 = arith.constant 10000 : i32
    %mul3A_323 = arith.muli %add3A, %mul3A_322 : i32
    %add3A_324 = arith.constant 9760 : i32
    %add3A_325 = arith.addi %mul3A_323, %add3A_324 : i32
    %multiple_of3A_326 = tpu.assume_multiple %add3A_325, 8 : i32
    %dma_wait3A_327 = tpu.memref_slice %arg3[%multiple_of3A_326] : memref<320000xi32, #tpu.memory_space<hbm>> -> memref<80xi32, #tpu.memory_space<hbm>>
    %dma_wait3A_328 = tpu.memref_slice %arg3[%multiple_of3A_326] : memref<320000xi32, #tpu.memory_space<hbm>> -> memref<80xi32, #tpu.memory_space<hbm>>
    tpu.wait_dma2 semaphore(%arg26 : memref<!tpu.dma_semaphore, #tpu.memory_space<semaphore_mem>>) src(%dma_wait3A_328 : memref<80xi32, #tpu.memory_space<hbm>>) dst(%arg13 : memref<80xi32, #tpu.memory_space<vmem>>)
    %dma_start3A_329 = arith.constant 0 : i32
    %dma_start3A_330 = arith.constant 0 : i32
    %dma_start3A_331 = tpu.memref_slice %arg19[%dma_start3A_329, %dma_start3A_330] : memref<10000x128xf32, #tpu.memory_space<vmem_shared>> -> memref<10000x128xf32, #tpu.memory_space<vmem_shared>>
    tpu.enqueue_indirect_dma source(%arg17 : memref<80x128xf32, #tpu.memory_space<vmem>>) target(%dma_start3A_331 : memref<10000x128xf32, #tpu.memory_space<vmem_shared>>) offsets(%arg13 : memref<80xi32, #tpu.memory_space<vmem>>) semaphore(%arg34 : memref<!tpu.dma_semaphore, #tpu.memory_space<semaphore_mem>>) {add = true}
    %dma_wait3A_332 = arith.constant 0 : i32
    %dma_wait3A_333 = arith.constant 0 : i32
    %dma_wait3A_334 = tpu.memref_slice %arg2[%dma_wait3A_332, %dma_wait3A_333] : memref<10000x128xf32, #tpu.memory_space<hbm>> -> memref<10000x128xf32, #tpu.memory_space<hbm>>
    tpu.wait_indirect_dma semaphore(%arg31 : memref<!tpu.dma_semaphore, #tpu.memory_space<semaphore_mem>>) src(%dma_wait3A_334 : memref<10000x128xf32, #tpu.memory_space<hbm>>) dst(%arg18 : memref<80x128xf32, #tpu.memory_space<vmem>>)
    %dma_wait3A_335 = arith.constant 0 : i32
    %dma_wait3A_336 = arith.constant 0 : i32
    %dma_wait3A_337 = tpu.memref_slice %arg19[%dma_wait3A_335, %dma_wait3A_336] : memref<10000x128xf32, #tpu.memory_space<vmem_shared>> -> memref<10000x128xf32, #tpu.memory_space<vmem_shared>>
    tpu.wait_indirect_dma semaphore(%arg34 : memref<!tpu.dma_semaphore, #tpu.memory_space<semaphore_mem>>) src(%arg17 : memref<80x128xf32, #tpu.memory_space<vmem>>) dst(%dma_wait3A_337 : memref<10000x128xf32, #tpu.memory_space<vmem_shared>>)
    %mul3A_338 = arith.constant 10000 : i32
    %mul3A_339 = arith.muli %add3A, %mul3A_338 : i32
    %add3A_340 = arith.constant 9840 : i32
    %add3A_341 = arith.addi %mul3A_339, %add3A_340 : i32
    %multiple_of3A_342 = tpu.assume_multiple %add3A_341, 8 : i32
    %dma_wait3A_343 = tpu.memref_slice %arg3[%multiple_of3A_342] : memref<320000xi32, #tpu.memory_space<hbm>> -> memref<80xi32, #tpu.memory_space<hbm>>
    %dma_wait3A_344 = tpu.memref_slice %arg3[%multiple_of3A_342] : memref<320000xi32, #tpu.memory_space<hbm>> -> memref<80xi32, #tpu.memory_space<hbm>>
    tpu.wait_dma2 semaphore(%arg27 : memref<!tpu.dma_semaphore, #tpu.memory_space<semaphore_mem>>) src(%dma_wait3A_344 : memref<80xi32, #tpu.memory_space<hbm>>) dst(%arg14 : memref<80xi32, #tpu.memory_space<vmem>>)
    %dma_start3A_345 = arith.constant 0 : i32
    %dma_start3A_346 = arith.constant 0 : i32
    %dma_start3A_347 = tpu.memref_slice %arg19[%dma_start3A_345, %dma_start3A_346] : memref<10000x128xf32, #tpu.memory_space<vmem_shared>> -> memref<10000x128xf32, #tpu.memory_space<vmem_shared>>
    tpu.enqueue_indirect_dma source(%arg18 : memref<80x128xf32, #tpu.memory_space<vmem>>) target(%dma_start3A_347 : memref<10000x128xf32, #tpu.memory_space<vmem_shared>>) offsets(%arg14 : memref<80xi32, #tpu.memory_space<vmem>>) semaphore(%arg35 : memref<!tpu.dma_semaphore, #tpu.memory_space<semaphore_mem>>) {add = true}
    %dma_wait3A_348 = arith.constant 0 : i32
    %dma_wait3A_349 = arith.constant 0 : i32
    %dma_wait3A_350 = tpu.memref_slice %arg2[%dma_wait3A_348, %dma_wait3A_349] : memref<10000x128xf32, #tpu.memory_space<hbm>> -> memref<10000x128xf32, #tpu.memory_space<hbm>>
    tpu.wait_indirect_dma semaphore(%arg28 : memref<!tpu.dma_semaphore, #tpu.memory_space<semaphore_mem>>) src(%dma_wait3A_350 : memref<10000x128xf32, #tpu.memory_space<hbm>>) dst(%arg15 : memref<80x128xf32, #tpu.memory_space<vmem>>)
    %dma_wait3A_351 = arith.constant 0 : i32
    %dma_wait3A_352 = arith.constant 0 : i32
    %dma_wait3A_353 = tpu.memref_slice %arg19[%dma_wait3A_351, %dma_wait3A_352] : memref<10000x128xf32, #tpu.memory_space<vmem_shared>> -> memref<10000x128xf32, #tpu.memory_space<vmem_shared>>
    tpu.wait_indirect_dma semaphore(%arg35 : memref<!tpu.dma_semaphore, #tpu.memory_space<semaphore_mem>>) src(%arg18 : memref<80x128xf32, #tpu.memory_space<vmem>>) dst(%dma_wait3A_353 : memref<10000x128xf32, #tpu.memory_space<vmem_shared>>)
    %mul3A_354 = arith.constant 10000 : i32
    %mul3A_355 = arith.muli %add3A, %mul3A_354 : i32
    %add3A_356 = arith.constant 9920 : i32
    %add3A_357 = arith.addi %mul3A_355, %add3A_356 : i32
    %multiple_of3A_358 = tpu.assume_multiple %add3A_357, 8 : i32
    %dma_wait3A_359 = tpu.memref_slice %arg3[%multiple_of3A_358] : memref<320000xi32, #tpu.memory_space<hbm>> -> memref<80xi32, #tpu.memory_space<hbm>>
    %dma_wait3A_360 = tpu.memref_slice %arg3[%multiple_of3A_358] : memref<320000xi32, #tpu.memory_space<hbm>> -> memref<80xi32, #tpu.memory_space<hbm>>
    tpu.wait_dma2 semaphore(%arg24 : memref<!tpu.dma_semaphore, #tpu.memory_space<semaphore_mem>>) src(%dma_wait3A_360 : memref<80xi32, #tpu.memory_space<hbm>>) dst(%arg11 : memref<80xi32, #tpu.memory_space<vmem>>)
    %dma_start3A_361 = arith.constant 0 : i32
    %dma_start3A_362 = arith.constant 0 : i32
    %dma_start3A_363 = tpu.memref_slice %arg19[%dma_start3A_361, %dma_start3A_362] : memref<10000x128xf32, #tpu.memory_space<vmem_shared>> -> memref<10000x128xf32, #tpu.memory_space<vmem_shared>>
    tpu.enqueue_indirect_dma source(%arg15 : memref<80x128xf32, #tpu.memory_space<vmem>>) target(%dma_start3A_363 : memref<10000x128xf32, #tpu.memory_space<vmem_shared>>) offsets(%arg11 : memref<80xi32, #tpu.memory_space<vmem>>) semaphore(%arg32 : memref<!tpu.dma_semaphore, #tpu.memory_space<semaphore_mem>>) {add = true}
    %dma_wait3A_364 = arith.constant 0 : i32
    %dma_wait3A_365 = arith.constant 0 : i32
    %dma_wait3A_366 = tpu.memref_slice %arg19[%dma_wait3A_364, %dma_wait3A_365] : memref<10000x128xf32, #tpu.memory_space<vmem_shared>> -> memref<10000x128xf32, #tpu.memory_space<vmem_shared>>
    tpu.wait_indirect_dma semaphore(%arg32 : memref<!tpu.dma_semaphore, #tpu.memory_space<semaphore_mem>>) src(%arg15 : memref<80x128xf32, #tpu.memory_space<vmem>>) dst(%dma_wait3A_366 : memref<10000x128xf32, #tpu.memory_space<vmem_shared>>)
    %barrier3A_367 = arith.constant 0 : index
    tpu.barrier barrier_id(%barrier3A_367)
    %mul3A_368 = arith.constant 624 : i32
    %mul3A_369 = arith.muli %arg1, %mul3A_368 : i32
    %multiple_of3A_370 = tpu.assume_multiple %mul3A_369, 8 : i32
    "tpu.region"() ({
      %run_scoped3A = tpu.sem_alloc : memref<!tpu.dma_semaphore, #tpu.memory_space<semaphore_mem>>
      %dma_start3A_376 = arith.constant 0 : i32
      %dma_start3A_377 = arith.constant 0 : i32
      %dma_start3A_378 = tpu.memref_slice %arg6[%arg0, %dma_start3A_376, %dma_start3A_377] : memref<2x10000x128xf32, #tpu.memory_space<hbm>> -> memref<1x10000x128xf32, #tpu.memory_space<hbm>>
      %dma_start3A_379 = tpu.memref_squeeze %dma_start3A_378 : memref<1x10000x128xf32, #tpu.memory_space<hbm>> -> memref<10000x128xf32, #tpu.memory_space<hbm>>
      %dma_start3A_380 = arith.constant 0 : i32
      %dma_start3A_381 = tpu.memref_slice %dma_start3A_379[%multiple_of3A_370, %dma_start3A_380] : memref<10000x128xf32, #tpu.memory_space<hbm>> -> memref<624x128xf32, #tpu.memory_space<hbm>>
      %dma_start3A_382 = arith.constant 0 : i32
      %dma_start3A_383 = tpu.memref_slice %arg19[%multiple_of3A_370, %dma_start3A_382] : memref<10000x128xf32, #tpu.memory_space<vmem_shared>> -> memref<624x128xf32, #tpu.memory_space<vmem_shared>>
      tpu.enqueue_dma source(%dma_start3A_383 : memref<624x128xf32, #tpu.memory_space<vmem_shared>>) target(%dma_start3A_381 : memref<624x128xf32, #tpu.memory_space<hbm>>) target_semaphore(%run_scoped3A : memref<!tpu.dma_semaphore, #tpu.memory_space<semaphore_mem>>)
      %dma_wait3A_384 = arith.constant 0 : i32
      %dma_wait3A_385 = arith.constant 0 : i32
      %dma_wait3A_386 = tpu.memref_slice %arg6[%arg0, %dma_wait3A_384, %dma_wait3A_385] : memref<2x10000x128xf32, #tpu.memory_space<hbm>> -> memref<1x10000x128xf32, #tpu.memory_space<hbm>>
      %dma_wait3A_387 = tpu.memref_squeeze %dma_wait3A_386 : memref<1x10000x128xf32, #tpu.memory_space<hbm>> -> memref<10000x128xf32, #tpu.memory_space<hbm>>
      %dma_wait3A_388 = arith.constant 0 : i32
      %dma_wait3A_389 = tpu.memref_slice %dma_wait3A_387[%multiple_of3A_370, %dma_wait3A_388] : memref<10000x128xf32, #tpu.memory_space<hbm>> -> memref<624x128xf32, #tpu.memory_space<hbm>>
      %dma_wait3A_390 = arith.constant 0 : i32
      %dma_wait3A_391 = tpu.memref_slice %arg19[%multiple_of3A_370, %dma_wait3A_390] : memref<10000x128xf32, #tpu.memory_space<vmem_shared>> -> memref<624x128xf32, #tpu.memory_space<vmem_shared>>
      tpu.wait_dma2 semaphore(%run_scoped3A : memref<!tpu.dma_semaphore, #tpu.memory_space<semaphore_mem>>) src(%dma_wait3A_391 : memref<624x128xf32, #tpu.memory_space<vmem_shared>>) dst(%dma_wait3A_389 : memref<624x128xf32, #tpu.memory_space<hbm>>)
      tpu.yield
    }) : () -> ()
    %eq3A_371 = arith.constant 0 : i32
    %eq3A_372 = arith.cmpi eq, %arg1, %eq3A_371 : i32
    %convert_element_type3A_373 = arith.extui %eq3A_372 : i1 to i32
    %cond3A_374 = arith.constant 0 : i32
    %cond3A_375 = arith.cmpi ne, %convert_element_type3A_373, %cond3A_374 : i32
    scf.if %cond3A_375 {
      "tpu.region"() ({
        %run_scoped3A = tpu.sem_alloc : memref<!tpu.dma_semaphore, #tpu.memory_space<semaphore_mem>>
        %dma_start3A_376 = arith.constant 0 : i32
        %dma_start3A_377 = arith.constant 0 : i32
        %dma_start3A_378 = tpu.memref_slice %arg6[%arg0, %dma_start3A_376, %dma_start3A_377] : memref<2x10000x128xf32, #tpu.memory_space<hbm>> -> memref<1x10000x128xf32, #tpu.memory_space<hbm>>
        %dma_start3A_379 = tpu.memref_squeeze %dma_start3A_378 : memref<1x10000x128xf32, #tpu.memory_space<hbm>> -> memref<10000x128xf32, #tpu.memory_space<hbm>>
        %dma_start3A_380 = arith.constant 9984 : i32
        %dma_start3A_381 = arith.constant 0 : i32
        %dma_start3A_382 = tpu.memref_slice %dma_start3A_379[%dma_start3A_380, %dma_start3A_381] : memref<10000x128xf32, #tpu.memory_space<hbm>> -> memref<16x128xf32, #tpu.memory_space<hbm>>
        %dma_start3A_383 = arith.constant 9984 : i32
        %dma_start3A_384 = arith.constant 0 : i32
        %dma_start3A_385 = tpu.memref_slice %arg19[%dma_start3A_383, %dma_start3A_384] : memref<10000x128xf32, #tpu.memory_space<vmem_shared>> -> memref<16x128xf32, #tpu.memory_space<vmem_shared>>
        tpu.enqueue_dma source(%dma_start3A_385 : memref<16x128xf32, #tpu.memory_space<vmem_shared>>) target(%dma_start3A_382 : memref<16x128xf32, #tpu.memory_space<hbm>>) target_semaphore(%run_scoped3A : memref<!tpu.dma_semaphore, #tpu.memory_space<semaphore_mem>>)
        %dma_wait3A_386 = arith.constant 0 : i32
        %dma_wait3A_387 = arith.constant 0 : i32
        %dma_wait3A_388 = tpu.memref_slice %arg6[%arg0, %dma_wait3A_386, %dma_wait3A_387] : memref<2x10000x128xf32, #tpu.memory_space<hbm>> -> memref<1x10000x128xf32, #tpu.memory_space<hbm>>
        %dma_wait3A_389 = tpu.memref_squeeze %dma_wait3A_388 : memref<1x10000x128xf32, #tpu.memory_space<hbm>> -> memref<10000x128xf32, #tpu.memory_space<hbm>>
        %dma_wait3A_390 = arith.constant 9984 : i32
        %dma_wait3A_391 = arith.constant 0 : i32
        %dma_wait3A_392 = tpu.memref_slice %dma_wait3A_389[%dma_wait3A_390, %dma_wait3A_391] : memref<10000x128xf32, #tpu.memory_space<hbm>> -> memref<16x128xf32, #tpu.memory_space<hbm>>
        %dma_wait3A_393 = arith.constant 9984 : i32
        %dma_wait3A_394 = arith.constant 0 : i32
        %dma_wait3A_395 = tpu.memref_slice %arg19[%dma_wait3A_393, %dma_wait3A_394] : memref<10000x128xf32, #tpu.memory_space<vmem_shared>> -> memref<16x128xf32, #tpu.memory_space<vmem_shared>>
        tpu.wait_dma2 semaphore(%run_scoped3A : memref<!tpu.dma_semaphore, #tpu.memory_space<semaphore_mem>>) src(%dma_wait3A_395 : memref<16x128xf32, #tpu.memory_space<vmem_shared>>) dst(%dma_wait3A_392 : memref<16x128xf32, #tpu.memory_space<hbm>>)
        tpu.yield
      }) : () -> ()
    } else {
    }
    return
  }
}

module attributes {stable_mosaic.version = 14 : i64} {
  func.func @_combine_body(%arg0: i32, %arg1: memref<2x1000x128xf32, #tpu.memory_space<vmem>>, %arg2: memref<2x1000x128xf32, #tpu.memory_space<vmem>>, %arg3: memref<1000x128xf32, #tpu.memory_space<vmem>>, %arg4: memref<1000x64xf32, #tpu.memory_space<vmem>>) attributes {dimension_semantics = [#tpu.dimension_semantics<arbitrary>], iteration_bounds = array<i64: 10>, scalar_prefetch = 0 : i64, scratch_operands = 0 : i64, tpu.core_type = #tpu.core_type<tc>, window_params = [{transform_indices = @transform_0, window_bounds = array<i64: 2, 1000, 128>}, {transform_indices = @transform_1, window_bounds = array<i64: 2, 1000, 128>}, {transform_indices = @transform_2, window_bounds = array<i64: 1000, 128>}, {transform_indices = @transform_3, window_bounds = array<i64: 1000, 64>}]} {
    %get3A = arith.constant 0 : index
    %get3A_0 = arith.constant 0 : index
    %get3A_1 = arith.constant 0 : index
    %get3A_2 = vector.load %arg1[%get3A, %get3A_0, %get3A_1] : memref<2x1000x128xf32, #tpu.memory_space<vmem>>, vector<1x1000x64xf32>
    %get3A_3 = vector.shape_cast %get3A_2 : vector<1x1000x64xf32> to vector<1000x64xf32>
    %get3A_4 = arith.constant 1 : index
    %get3A_5 = arith.constant 0 : index
    %get3A_6 = arith.constant 0 : index
    %get3A_7 = vector.load %arg1[%get3A_4, %get3A_5, %get3A_6] : memref<2x1000x128xf32, #tpu.memory_space<vmem>>, vector<1x1000x64xf32>
    %get3A_8 = vector.shape_cast %get3A_7 : vector<1x1000x64xf32> to vector<1000x64xf32>
    %add3A = arith.addf %get3A_3, %get3A_8 : vector<1000x64xf32>
    %get3A_9 = arith.constant 0 : index
    %get3A_10 = arith.constant 0 : index
    %get3A_11 = arith.constant 64 : index
    %get3A_12 = vector.load %arg2[%get3A_9, %get3A_10, %get3A_11] : memref<2x1000x128xf32, #tpu.memory_space<vmem>>, vector<1x1000x1xf32>
    %get3A_13 = vector.shape_cast %get3A_12 : vector<1x1000x1xf32> to vector<1000x1xf32>
    %get3A_14 = arith.constant 1 : index
    %get3A_15 = arith.constant 0 : index
    %get3A_16 = arith.constant 64 : index
    %get3A_17 = vector.load %arg2[%get3A_14, %get3A_15, %get3A_16] : memref<2x1000x128xf32, #tpu.memory_space<vmem>>, vector<1x1000x1xf32>
    %get3A_18 = vector.shape_cast %get3A_17 : vector<1x1000x1xf32> to vector<1000x1xf32>
    %add3A_19 = arith.addf %get3A_13, %get3A_18 : vector<1000x1xf32>
    %max3A = arith.constant 9.99999996E-13 : f32
    %max3A_20 = vector.broadcast %max3A : f32 to vector<1000x1xf32>
    %max3A_21 = arith.maximumf %add3A_19, %max3A_20 : vector<1000x1xf32>
    %div3A = arith.constant 7.500000e-01 : f32
    %div3A_22 = vector.broadcast %div3A : f32 to vector<1000x1xf32>
    %div3A_23 = arith.divf %div3A_22, %max3A_21 : vector<1000x1xf32>
    %mul3A = vector.broadcast %div3A_23 : vector<1000x1xf32> to vector<1000x64xf32>
    %mul3A_24 = arith.mulf %mul3A, %add3A : vector<1000x64xf32>
    %get3A_25 = arith.constant 0 : index
    %get3A_26 = arith.constant 0 : index
    %get3A_27 = vector.load %arg3[%get3A_25, %get3A_26] : memref<1000x128xf32, #tpu.memory_space<vmem>>, vector<1000x64xf32>
    %mul3A_28 = arith.constant 2.500000e-01 : f32
    %mul3A_29 = vector.broadcast %mul3A_28 : f32 to vector<1000x64xf32>
    %mul3A_30 = arith.mulf %mul3A_29, %get3A_27 : vector<1000x64xf32>
    %add3A_31 = arith.addf %mul3A_24, %mul3A_30 : vector<1000x64xf32>
    %reduce_max3A = arith.constant dense<0xFF800000> : vector<1000xf32>
    %reduce_max3A_32 = vector.multi_reduction <maximumf>, %add3A_31, %reduce_max3A [1] : vector<1000x64xf32> to vector<1000xf32>
    %broadcast_in_dim3A = vector.shape_cast %reduce_max3A_32 : vector<1000xf32> to vector<1000x1xf32>
    %sub3A = vector.broadcast %broadcast_in_dim3A : vector<1000x1xf32> to vector<1000x64xf32>
    %sub3A_33 = arith.subf %add3A_31, %sub3A : vector<1000x64xf32>
    %exp3A = math.exp %sub3A_33 : vector<1000x64xf32>
    %reduce_sum3A = arith.constant dense<0.000000e+00> : vector<1000xf32>
    %reduce_sum3A_34 = vector.multi_reduction <add>, %exp3A, %reduce_sum3A [1] : vector<1000x64xf32> to vector<1000xf32>
    %broadcast_in_dim3A_35 = vector.shape_cast %reduce_sum3A_34 : vector<1000xf32> to vector<1000x1xf32>
    %log3A = math.log %broadcast_in_dim3A_35 : vector<1000x1xf32>
    %add3A_36 = arith.addf %log3A, %broadcast_in_dim3A : vector<1000x1xf32>
    %sub3A_37 = vector.broadcast %add3A_36 : vector<1000x1xf32> to vector<1000x64xf32>
    %sub3A_38 = arith.subf %add3A_31, %sub3A_37 : vector<1000x64xf32>
    %swap3A = arith.constant 0 : index
    %swap3A_39 = arith.constant 0 : index
    %swap3A_40 = vector.load %arg4[%swap3A, %swap3A_39] : memref<1000x64xf32, #tpu.memory_space<vmem>>, vector<1000x64xf32>
    tpu.vector_store %arg4[%swap3A, %swap3A_39], %sub3A_38 {strides = array<i32>} : memref<1000x64xf32, #tpu.memory_space<vmem>>, vector<1000x64xf32>,
    return
  }
  func.func @transform_0(%arg0: i32) -> (i32, i32, i32) {
    %c0_i32 = arith.constant 0 : i32
    %c0_i32_0 = arith.constant 0 : i32
    %c0_i32_1 = arith.constant 0 : i32
    return %c0_i32, %arg0, %c0_i32_0 : i32, i32, i32
  }
  func.func @transform_1(%arg0: i32) -> (i32, i32, i32) {
    %c0_i32 = arith.constant 0 : i32
    %c0_i32_0 = arith.constant 0 : i32
    %c0_i32_1 = arith.constant 0 : i32
    return %c0_i32, %arg0, %c0_i32_0 : i32, i32, i32
  }
  func.func @transform_2(%arg0: i32) -> (i32, i32) {
    %c0_i32 = arith.constant 0 : i32
    %c0_i32_0 = arith.constant 0 : i32
    return %arg0, %c0_i32 : i32, i32
  }
  func.func @transform_3(%arg0: i32) -> (i32, i32) {
    %c0_i32 = arith.constant 0 : i32
    %c0_i32_0 = arith.constant 0 : i32
    return %arg0, %c0_i32 : i32, i32
  }
}

module attributes {stable_mosaic.version = 14 : i64} {
  func.func @_mlp_body(%arg0: i32, %arg1: memref<1000x128xf32, #tpu.memory_space<vmem>>, %arg2: memref<128x128xf32, #tpu.memory_space<vmem>>, %arg3: memref<128x64xf32, #tpu.memory_space<vmem>>, %arg4: memref<1000x128xf32, #tpu.memory_space<vmem>>) attributes {dimension_semantics = [#tpu.dimension_semantics<arbitrary>], iteration_bounds = array<i64: 10>, scalar_prefetch = 0 : i64, scratch_operands = 0 : i64, tpu.core_type = #tpu.core_type<tc>, window_params = [{transform_indices = @transform_0, window_bounds = array<i64: 1000, 128>}, {pipeline_mode = #tpu.pipeline_mode<synchronous>, transform_indices = @transform_1, window_bounds = array<i64: 128, 128>}, {pipeline_mode = #tpu.pipeline_mode<synchronous>, transform_indices = @transform_2, window_bounds = array<i64: 128, 64>}, {transform_indices = @transform_3, window_bounds = array<i64: 1000, 128>}]} {
    %get3A = arith.constant 0 : index
    %get3A_0 = arith.constant 0 : index
    %get3A_1 = vector.load %arg1[%get3A, %get3A_0] : memref<1000x128xf32, #tpu.memory_space<vmem>>, vector<1000x128xf32>
    %get3A_2 = arith.constant 0 : index
    %get3A_3 = arith.constant 0 : index
    %get3A_4 = vector.load %arg2[%get3A_2, %get3A_3] : memref<128x128xf32, #tpu.memory_space<vmem>>, vector<128x128xf32>
    %dot_general3A = arith.constant dense<0.000000e+00> : vector<1000x128xf32>
    %dot_general3A_5 = tpu.matmul %get3A_1, %get3A_4, %dot_general3A {dimension_numbers = #tpu.dot_dimension_numbers<[1], [0], [0], [1], [0, 0, 1, 1], [], []>, precision = #tpu.contract_precision<fp32>, transpose_lhs_hint = false} : vector<1000x128xf32>, vector<128x128xf32>, vector<1000x128xf32> -> vector<1000x128xf32>
    %max3A = arith.constant 0.000000e+00 : f32
    %max3A_6 = vector.broadcast %max3A : f32 to vector<1000x128xf32>
    %max3A_7 = arith.maximumf %dot_general3A_5, %max3A_6 : vector<1000x128xf32>
    %get3A_8 = arith.constant 0 : index
    %get3A_9 = arith.constant 0 : index
    %get3A_10 = vector.load %arg3[%get3A_8, %get3A_9] : memref<128x64xf32, #tpu.memory_space<vmem>>, vector<128x64xf32>
    %dot_general3A_11 = arith.constant dense<0.000000e+00> : vector<1000x64xf32>
    %dot_general3A_12 = tpu.matmul %max3A_7, %get3A_10, %dot_general3A_11 {dimension_numbers = #tpu.dot_dimension_numbers<[1], [0], [0], [1], [0, 0, 1, 1], [], []>, precision = #tpu.contract_precision<fp32>, transpose_lhs_hint = false} : vector<1000x128xf32>, vector<128x64xf32>, vector<1000x64xf32> -> vector<1000x64xf32>
    %iota3A = tpu.iota {dimensions = array<i32: 1>} : vector<1000x64xi32>
    %eq3A = arith.constant 0 : i32
    %eq3A_13 = vector.broadcast %eq3A : i32 to vector<1000x64xi32>
    %eq3A_14 = arith.cmpi eq, %iota3A, %eq3A_13 : vector<1000x64xi32>
    %jit3A = arith.constant 1.000000e+00 : f32
    %jit3A_15 = arith.constant 0.000000e+00 : f32
    %broadcast_in_dim3A = vector.broadcast %jit3A : f32 to vector<1000x64xf32>
    %broadcast_in_dim3A_16 = vector.broadcast %jit3A_15 : f32 to vector<1000x64xf32>
    %select_n3A = arith.select %eq3A_14, %broadcast_in_dim3A, %broadcast_in_dim3A_16 : vector<1000x64xi1>, vector<1000x64xf32>
    %concatenate3A = tpu.concatenate %dot_general3A_12, %select_n3A in 1 : vector<1000x64xf32>, vector<1000x64xf32> -> vector<1000x128xf32>
    %swap3A = arith.constant 0 : index
    %swap3A_17 = arith.constant 0 : index
    %swap3A_18 = vector.load %arg4[%swap3A, %swap3A_17] : memref<1000x128xf32, #tpu.memory_space<vmem>>, vector<1000x128xf32>
    tpu.vector_store %arg4[%swap3A, %swap3A_17], %concatenate3A {strides = array<i32>} : memref<1000x128xf32, #tpu.memory_space<vmem>>, vector<1000x128xf32>,
    return
  }
  func.func @transform_0(%arg0: i32) -> (i32, i32) {
    %c0_i32 = arith.constant 0 : i32
    %c0_i32_0 = arith.constant 0 : i32
    return %arg0, %c0_i32 : i32, i32
  }
  func.func @transform_1(%arg0: i32) -> (i32, i32) {
    %c0_i32 = arith.constant 0 : i32
    %c0_i32_0 = arith.constant 0 : i32
    %c0_i32_1 = arith.constant 0 : i32
    return %c0_i32, %c0_i32_0 : i32, i32
  }
  func.func @transform_2(%arg0: i32) -> (i32, i32) {
    %c0_i32 = arith.constant 0 : i32
    %c0_i32_0 = arith.constant 0 : i32
    %c0_i32_1 = arith.constant 0 : i32
    return %c0_i32, %c0_i32_0 : i32, i32
  }
  func.func @transform_3(%arg0: i32) -> (i32, i32) {
    %c0_i32 = arith.constant 0 : i32
    %c0_i32_0 = arith.constant 0 : i32
    return %arg0, %c0_i32 : i32, i32
  }
}

module attributes {stable_mosaic.version = 14 : i64} {
  func.func @_combine_body(%arg0: i32, %arg1: memref<2x1000x128xf32, #tpu.memory_space<vmem>>, %arg2: memref<2x1000x128xf32, #tpu.memory_space<vmem>>, %arg3: memref<1000x128xf32, #tpu.memory_space<vmem>>, %arg4: memref<1000x128xf32, #tpu.memory_space<vmem>>) attributes {dimension_semantics = [#tpu.dimension_semantics<arbitrary>], iteration_bounds = array<i64: 10>, scalar_prefetch = 0 : i64, scratch_operands = 0 : i64, tpu.core_type = #tpu.core_type<tc>, window_params = [{transform_indices = @transform_0, window_bounds = array<i64: 2, 1000, 128>}, {transform_indices = @transform_1, window_bounds = array<i64: 2, 1000, 128>}, {transform_indices = @transform_2, window_bounds = array<i64: 1000, 128>}, {transform_indices = @transform_3, window_bounds = array<i64: 1000, 128>}]} {
    %get3A = arith.constant 0 : index
    %get3A_0 = arith.constant 0 : index
    %get3A_1 = arith.constant 0 : index
    %get3A_2 = vector.load %arg1[%get3A, %get3A_0, %get3A_1] : memref<2x1000x128xf32, #tpu.memory_space<vmem>>, vector<1x1000x64xf32>
    %get3A_3 = vector.shape_cast %get3A_2 : vector<1x1000x64xf32> to vector<1000x64xf32>
    %get3A_4 = arith.constant 1 : index
    %get3A_5 = arith.constant 0 : index
    %get3A_6 = arith.constant 0 : index
    %get3A_7 = vector.load %arg1[%get3A_4, %get3A_5, %get3A_6] : memref<2x1000x128xf32, #tpu.memory_space<vmem>>, vector<1x1000x64xf32>
    %get3A_8 = vector.shape_cast %get3A_7 : vector<1x1000x64xf32> to vector<1000x64xf32>
    %add3A = arith.addf %get3A_3, %get3A_8 : vector<1000x64xf32>
    %get3A_9 = arith.constant 0 : index
    %get3A_10 = arith.constant 0 : index
    %get3A_11 = arith.constant 64 : index
    %get3A_12 = vector.load %arg2[%get3A_9, %get3A_10, %get3A_11] : memref<2x1000x128xf32, #tpu.memory_space<vmem>>, vector<1x1000x1xf32>
    %get3A_13 = vector.shape_cast %get3A_12 : vector<1x1000x1xf32> to vector<1000x1xf32>
    %get3A_14 = arith.constant 1 : index
    %get3A_15 = arith.constant 0 : index
    %get3A_16 = arith.constant 64 : index
    %get3A_17 = vector.load %arg2[%get3A_14, %get3A_15, %get3A_16] : memref<2x1000x128xf32, #tpu.memory_space<vmem>>, vector<1x1000x1xf32>
    %get3A_18 = vector.shape_cast %get3A_17 : vector<1x1000x1xf32> to vector<1000x1xf32>
    %add3A_19 = arith.addf %get3A_13, %get3A_18 : vector<1000x1xf32>
    %max3A = arith.constant 9.99999996E-13 : f32
    %max3A_20 = vector.broadcast %max3A : f32 to vector<1000x1xf32>
    %max3A_21 = arith.maximumf %add3A_19, %max3A_20 : vector<1000x1xf32>
    %div3A = arith.constant 7.500000e-01 : f32
    %div3A_22 = vector.broadcast %div3A : f32 to vector<1000x1xf32>
    %div3A_23 = arith.divf %div3A_22, %max3A_21 : vector<1000x1xf32>
    %mul3A = vector.broadcast %div3A_23 : vector<1000x1xf32> to vector<1000x64xf32>
    %mul3A_24 = arith.mulf %mul3A, %add3A : vector<1000x64xf32>
    %get3A_25 = arith.constant 0 : index
    %get3A_26 = arith.constant 0 : index
    %get3A_27 = vector.load %arg3[%get3A_25, %get3A_26] : memref<1000x128xf32, #tpu.memory_space<vmem>>, vector<1000x64xf32>
    %mul3A_28 = arith.constant 2.500000e-01 : f32
    %mul3A_29 = vector.broadcast %mul3A_28 : f32 to vector<1000x64xf32>
    %mul3A_30 = arith.mulf %mul3A_29, %get3A_27 : vector<1000x64xf32>
    %add3A_31 = arith.addf %mul3A_24, %mul3A_30 : vector<1000x64xf32>
    %iota3A = tpu.iota {dimensions = array<i32: 1>} : vector<1000x64xi32>
    %eq3A = arith.constant 0 : i32
    %eq3A_32 = vector.broadcast %eq3A : i32 to vector<1000x64xi32>
    %eq3A_33 = arith.cmpi eq, %iota3A, %eq3A_32 : vector<1000x64xi32>
    %jit3A = arith.constant 1.000000e+00 : f32
    %jit3A_34 = arith.constant 0.000000e+00 : f32
    %broadcast_in_dim3A = vector.broadcast %jit3A : f32 to vector<1000x64xf32>
    %broadcast_in_dim3A_35 = vector.broadcast %jit3A_34 : f32 to vector<1000x64xf32>
    %select_n3A = arith.select %eq3A_33, %broadcast_in_dim3A, %broadcast_in_dim3A_35 : vector<1000x64xi1>, vector<1000x64xf32>
    %concatenate3A = tpu.concatenate %add3A_31, %select_n3A in 1 : vector<1000x64xf32>, vector<1000x64xf32> -> vector<1000x128xf32>
    %swap3A = arith.constant 0 : index
    %swap3A_36 = arith.constant 0 : index
    %swap3A_37 = vector.load %arg4[%swap3A, %swap3A_36] : memref<1000x128xf32, #tpu.memory_space<vmem>>, vector<1000x128xf32>
    tpu.vector_store %arg4[%swap3A, %swap3A_36], %concatenate3A {strides = array<i32>} : memref<1000x128xf32, #tpu.memory_space<vmem>>, vector<1000x128xf32>,
    return
  }
  func.func @transform_0(%arg0: i32) -> (i32, i32, i32) {
    %c0_i32 = arith.constant 0 : i32
    %c0_i32_0 = arith.constant 0 : i32
    %c0_i32_1 = arith.constant 0 : i32
    return %c0_i32, %arg0, %c0_i32_0 : i32, i32, i32
  }
  func.func @transform_1(%arg0: i32) -> (i32, i32, i32) {
    %c0_i32 = arith.constant 0 : i32
    %c0_i32_0 = arith.constant 0 : i32
    %c0_i32_1 = arith.constant 0 : i32
    return %c0_i32, %arg0, %c0_i32_0 : i32, i32, i32
  }
  func.func @transform_2(%arg0: i32) -> (i32, i32) {
    %c0_i32 = arith.constant 0 : i32
    %c0_i32_0 = arith.constant 0 : i32
    return %arg0, %c0_i32 : i32, i32
  }
  func.func @transform_3(%arg0: i32) -> (i32, i32) {
    %c0_i32 = arith.constant 0 : i32
    %c0_i32_0 = arith.constant 0 : i32
    return %arg0, %c0_i32 : i32, i32
  }
}

</mosaic_0001>

<sc_bundles>
// kernel: kernel.10.cloned.1.call-start
scs
__scs_entry_jumppad:
0x0: {  	(pc) =	sbr.rel $0x88, $3  }
0x1: {  	(tag) =	ssettag $0x0;
	lr =	simm.s32 $0x1  }
0x2: {  	[smem:$0x3F9D] =	sst lr;
	_ =	strace $0xD0000000  }
0x3: {  	_ = 	snop  }
0x4: {  	_ = 	snop  }
0x5: {  	_ = 	snop  }
0x6: {  	_ = 	snop  }
0x7: {  	_ = 	snop  }
__scs_overlays_trampoline_lowered:
0x8: {  	[smem:$0x3FAC] =	sst s0  }
0x9: {  	[smem:$0x3FAD] =	sst s1  }
0xa: {  	[smem:$0x3FAE] =	sst s2  }
0xb: {  	[smem:$0x3FAF] =	sst s3  }
0xc: {  	[smem:$0x3FB0] =	sst s4  }
0xd: {  	[smem:$0x3FB1] =	sst s5  }
0xe: {  	[smem:$0x3FB2] =	sst s6  }
0xf: {  	[smem:$0x3FB3] =	sst s7  }
0x10: {  	[smem:$0x3FB4] =	sst s8  }
0x11: {  	[smem:$0x3FB5] =	sst s9;
	s0 =	simm.s32 @!p0 $0x0  }
0x12: {  	s1 =	sld [smem:$0x3F9B];
	s0 =	simm.s32 @p0 $0x1  }
0x13: {  	[smem:$0x3FB6] =	sst s0;
	s0 =	simm.s32 @!p1 $0x0  }
0x14: {  	s2 =	sld [smem:$0x3F9A];
	s0 =	simm.s32 @p1 $0x1  }
0x15: {  	[smem:$0x3FB7] =	sst s0;
	s0 =	simm.s32 @!p2 $0x0  }
0x16: {  	s3 =	sld [smem:$0x3FDB];
	s0 =	simm.s32 @p2 $0x1  }
0x17: {  	s4 =	simm.s32 $0x1BF5;
	[smem:$0x3FB9] =	sst s0  }
0x18: {  	s0 =	sld [smem:$0x3F9C];
	_ =	swait.ge [sflag:s4], $0x0  }
0x19: {  	s7 =	sld [smem:$0x3F9D]  }
0x1a: {  	s8 =	sadd.s32 $0xFFFFE003, lr  }
0x1b: {  	s9 =	sadd.s32 $0xFFFFFEF7, lr;
	s5 =	simm.s32 $0xFFFFFFFF;
	p2 =	slt.u32 s8, $0xFFFFF086  }
0x1c: {  	p1 =	slt.u32 s9, $0xF7A;
	s5 =	simm.s32 @!p2 $0x0  }
0x1d: {  	s5 =	simm.s32 @p1 $0x1;
	p0 =	seq.s32 s7, s2  }
0x1e: {  	s7 =	smul.u32 @!p0 $0xF7A, s2;
	p2 =	seq.s32 @!p0 s5, $0x0  }
0x1f: {  	s9 =	smul.u32 $0xF7A, s1;
	s8 =	simm.s32 @!p0 $0x1BF5;
	p2 =	por !p2, p0  }
0x20: {  	[sflag:s8] =	ssyncset.s32 @!p0 $0xFFFFF086;
	s6 =	sadd.s32 @!p0 s3, s7;
	s7 =	simm.s32 @!p0 $0x108  }
0x21: {  	s3 =	sadd.s32 s3, s9;
	s6 =	sadd.s32 @!p0 $0x88, s6;
	s7 =	simm.s32 @p2 $0x1082  }
0x22: {  	[simem:s7], [sflag:s8] =	dma.local @!p0 [hbm:s6], $0xF7A  }
0x23: {  	s9 =	sor.u32 $0xD0000000, s2;
	s6 =	simm.s32 $0x108;
	_ =	swait.ge @!p0 [sflag:s8], $0x0  }
0x24: {  	s3 =	sadd.s32 $0x88, s3;
	s6 =	simm.s32 @!p1 $0x1082;
	[sflag:s4] =	ssyncset.s32 $0xFFFFF086  }
0x25: {  	[simem:s6], [sflag:s4] =	dma.local [hbm:s3], $0xF7A  }
0x26: {  	[smem:$0x3F9D] =	sst s1;
	(tag) =	ssettag s2;
	_ =	strace s9  }
0x27: {  	s1 =	sld [smem:$0x3FAD]  }
0x28: {  	s2 =	sld [smem:$0x3FAE]  }
0x29: {  	s4 =	sld [smem:$0x3FB0]  }
0x2a: {  	p0 =	seq.s32 s5, $0x0;
	s5 =	sld [smem:$0x3FB1]  }
0x2b: {  	s6 =	sld [smem:$0x3FB2]  }
0x2c: {  	s7 =	sld [smem:$0x3FB3]  }
0x2d: {  	s3 =	simm.s32 $0x108;
	s8 =	sld [smem:$0x3FB4]  }
0x2e: {  	s3 =	simm.s32 @!p0 $0x1082;
	s9 =	sld [smem:$0x3FB5]  }
0x2f: {  	lr =	sadd.s32 s0, s3;
	s0 =	sld [smem:$0x3FAC]  }
0x30: {  	s3 =	sld [smem:$0x3FAF]  }
0x31: {  	[smem:$0x3FB8] =	sst s10  }
0x32: {  	s10 =	sld [smem:$0x3FB6];
	_ =	sdelay $0x3  }
0x33: {  	p0 =	seq.s32 s10, $0x1;
	s10 =	sld [smem:$0x3FB8];
	_ =	sdelay $0x3  }
0x34: {  	[smem:$0x3FB8] =	sst s10  }
0x35: {  	s10 =	sld [smem:$0x3FB7];
	_ =	sdelay $0x3  }
0x36: {  	p1 =	seq.s32 s10, $0x1;
	s10 =	sld [smem:$0x3FB8];
	_ =	sdelay $0x3  }
0x37: {  	[smem:$0x3FB8] =	sst s10  }
0x38: {  	s10 =	sld [smem:$0x3FB9]  }
0x39: {  	_ = 	snop;
	(pc) =	sbr.ind lr, $3  }
0x3a: {  	_ = 	snop  }
0x3b: {  	_ = 	snop  }
0x3c: {  	p2 =	seq.s32 s10, $0x1;
	s10 =	sld [smem:$0x3FB8]  }
0x3d: {  	_ =	shalt  }
0x3e: {  	_ =	shalt  }
0x3f: {  	_ =	shalt  }
0x40: {  	_ =	shalt  }
0x41: {  	_ =	shalt  }
0x42: {  	_ =	shalt  }
0x43: {  	_ =	shalt  }
0x44: {  	_ =	shalt  }
0x45: {  	_ =	shalt  }
0x46: {  	_ =	shalt  }
0x47: {  	_ =	shalt  }
0x48: {  	_ =	shalt  }
0x49: {  	_ =	shalt  }
0x4a: {  	_ =	shalt  }
0x4b: {  	_ =	shalt  }
0x4c: {  	_ =	shalt  }
0x4d: {  	_ =	shalt  }
0x4e: {  	_ =	shalt  }
0x4f: {  	_ =	shalt  }
0x50: {  	_ =	shalt  }
0x51: {  	_ =	shalt  }
0x52: {  	_ =	shalt  }
0x53: {  	_ =	shalt  }
0x54: {  	_ =	shalt  }
0x55: {  	_ =	shalt  }
0x56: {  	_ =	shalt  }
0x57: {  	_ =	shalt  }
0x58: {  	_ =	shalt  }
0x59: {  	_ =	shalt  }
0x5a: {  	_ =	shalt  }
0x5b: {  	_ =	shalt  }
0x5c: {  	_ =	shalt  }
0x5d: {  	_ =	shalt  }
0x5e: {  	_ =	shalt  }
0x5f: {  	_ =	shalt  }
0x60: {  	_ =	shalt  }
0x61: {  	_ =	shalt  }
0x62: {  	_ =	shalt  }
0x63: {  	_ =	shalt  }
0x64: {  	_ =	shalt  }
0x65: {  	_ =	shalt  }
0x66: {  	_ =	shalt  }
0x67: {  	_ =	shalt  }
0x68: {  	_ =	shalt  }
0x69: {  	_ =	shalt  }
0x6a: {  	_ =	shalt  }
0x6b: {  	_ =	shalt  }
0x6c: {  	_ =	shalt  }
0x6d: {  	_ =	shalt  }
0x6e: {  	_ =	shalt  }
0x6f: {  	_ =	shalt  }
0x70: {  	_ =	shalt  }
0x71: {  	_ =	shalt  }
0x72: {  	_ =	shalt  }
0x73: {  	_ =	shalt  }
0x74: {  	_ =	shalt  }
0x75: {  	_ =	shalt  }
0x76: {  	_ =	shalt  }
0x77: {  	_ =	shalt  }
0x78: {  	_ =	shalt  }
0x79: {  	_ =	shalt  }
0x7a: {  	_ =	shalt  }
0x7b: {  	_ =	shalt  }
0x7c: {  	_ =	shalt  }
0x7d: {  	_ =	shalt  }
0x7e: {  	_ =	shalt  }
0x7f: {  	_ =	shalt  }
0x80: {  	_ =	shalt  }
0x81: {  	_ =	shalt  }
0x82: {  	_ =	shalt  }
0x83: {  	_ =	shalt  }
0x84: {  	_ =	shalt  }
0x85: {  	_ =	shalt  }
0x86: {  	_ =	shalt  }
0x87: {  	_ =	shalt  }
.Lfunc_end0:
.L_simem_size_0:
called_computation.1_lowered:
.L_overlay_start_0:
0x88: {  	s2 =	sld [smem:$0x3FD9]  }
0x89: {  	s3 =	sld [smem:$0x3FFE];
	_ =	sdelay $0x1  }
0x8a: {  	s1 =	srdreg.scid  }
0x8b: {  	s0 =	sand.u32 $0x1, s1  }
0x8c: {  	s17 =	sshll.u32 s0, $0xA;
	s2 =	sadd.s32 s3, s2  }
0x8d: {  	s2 =	sadd.s32 s2, s17  }
0x8e: {  	[smem:$0x3FC4] =	sst s2  }
0x8f: {  	_ = 	snop  }
0x90: {  	s2 =	sld [smem:$0x3FD0];
	(tm) =	ssettm $0x1  }
0x91: {  	s18 =	sld [smem:$0x3FFB];
	_ =	sdelay $0x3  }
0x92: {  	_ =	strace s18  }
0x93: {  	s3 =	sld [smem:$0x3FFC];
	_ =	sdelay $0x3  }
0x94: {  	_ =	strace s3  }
0x95: {  	s3 =	sld [smem:$0x3FFD];
	_ =	sdelay $0x3  }
0x96: {  	_ =	strace s3  }
0x97: {  	_ =	strace $0x8FFFFFFF  }
0x98: {  	s19 =	sld [smem:$0x3FDB];
	_ =	sdelay $0x1  }
0x99: {  	s4 =	simm.s32 $_scs_section_size  }
0x9a: {  	s5 =	simm.s32 $_size__tile_overlayer_lowered;
	s6 =	simm.s32 $_tile_overlayer_lowered  }
0x9b: {  	s22 =	simm.s32 $0x1BFF;
	s21 =	sshll.u32 s6, $0x1;
	s3 =	sadd.s32 s4, s19  }
0x9c: {  	s7 =	simm.s32 $0x0;
	s20 =	sshll.u32 s5, $0x1;
	s5 =	sadd.s32 s21, s3  }
0x9d: {  	[timem:s7], [sflag:s22] =	dma.local [hbm:s5], s20  }
0x9e: {  	_ =	swait.ge [sflag:s22], s20  }
0x9f: {  	s4 =	ssub.s32 $0x0, s20;
	[sflag:s22] =	ssyncset.done $0x0  }
0xa0: {  	[sflag:s22] =	ssyncadd.s32 s4;
	_ =	sdelay $0x1  }
0xa1: {  	s23 =	simm.s32 $0x1B8B  }
0xa2: {  	_ =	swait.ge [sflag:s23], $0x1  }
0xa3: {  	[sflag:s23] =	ssyncset.done $0x0  }
0xa4: {  	s25 =	simm.s32 $0x1B8E;
	s24 =	sld [smem:$0x3FFE];
	[sflag:s23] =	ssyncadd.s32 $0xFFFFFFFF  }
0xa5: {  	s26 =	simm.s32 $execute0_lowered;
	[smem:$0x3FD2] =	sst s25  }
0xa6: {  	s5 =	sshll.u32 s26, $0x1;
	_ =	strace $0x80000049;
	[dreg:$0x1] =	wrdreg $0xFFFFFFFF  }
0xa7: {  	s28 =	simm.s32 $_size_execute0_lowered;
	s3 =	sadd.s32 s3, s5;
	[dreg:$0x0] =	wrdreg $0x0  }
0xa8: {  	s5 =	sshll.u32 s28, $0x1;
	[dreg:$0x2] =	wrdreg s3  }
0xa9: {  	[dreg:$0x3] =	wrdreg s5  }
0xaa: {  	[dreg:$0x4] =	wrdreg $0xC0  }
0xab: {  	_ =	task [dreg:s7], $0x5FFFF  }
0xac: {  	[dreg:$0x1] =	wrdreg $0xFFFFFFFF  }
0xad: {  	[dreg:$0x0] =	wrdreg $0x60  }
0xae: {  	[dreg:$0x2] =	wrdreg s24  }
0xaf: {  	[dreg:$0x3] =	wrdreg s2  }
0xb0: {  	[dreg:$0x4] =	wrdreg $0xA4000  }
0xb1: {  	[dreg:$0x5] =	wrdreg $0x9  }
0xb2: {  	_ =	task.clear_ibuf [dreg:s7], $0x6FFFF;
	_ =	strace $0x90000049  }
0xb3: {  	s29 =	simm.s32 $0x9;
	_ =	strace $0x8000004B  }
0xb4: {  	_ =	swait.ge [sflag:s29], $0x1  }
0xb5: {  	[sflag:s29] =	ssyncadd.s32 $0xFFFFFFFF  }
0xb6: {  	_ =	strace $0x9000004B  }
0xb7: {  	_ =	sfence  }
0xb8: {  	s30 =	sld [smem:$0x0];
	_ =	sdelay $0x2  }
0xb9: {  	s31 =	sshll.u32 s1, $0xD;
	s1 =	sshrl.u32 s1, $0x2  }
0xba: {  	s3 =	sand.u32 $0x4000, s31;
	s1 =	sadd.s32 s1, s30  }
0xbb: {  	s0 =	sor.u32 s3, s0;
	s1 =	sshll.u32 s1, $0x11  }
0xbc: {  	s0 =	sor.u32 s1, s0  }
0xbd: {  	s0 =	sadd.s32 $0x8F2B, s0  }
0xbe: {  	[sflag:s0] =	ssyncadd.remote.s32 $0x1  }
0xbf: {  	_ =	sfence.sel $0xFFFF  }
0xc0: {  	[dreg:$0x0] =	wrdreg $0xFFFFFFFF;
	(pc) =	sbr.abs _section_cstart, $3  }
0xc1: {  	[dreg:$0x1] =	wrdreg $0xFFFFFFFF  }
0xc2: {  	_ =	task.clear_ibuf [dreg:s7], $0x2FFFF;
	_ =	strace $0x9FFFFFFF  }
0xc3: {  	(tm) =	ssettm $0x7FFFFFFF  }
tec
execute0_lowered:
.L_overlay_start_1:
0x0: {  	(tag) =	ssettag $0x1  }
0x1: {  	s0 =	rddreg [dreg:$0x0]  }
0x2: {  	s1 =	srdreg.scid;
	s4 =	rddreg [dreg:$0x1]  }
0x3: {  	s3 =	stileid.u32;
	s2 =	simm.s32 $0x0;
	s31 =	simm.s32 $0x11  }
0x4: {  	s29 =	simm.s32 $0xE;
	s5 =	sand.u32 $0x1, s1;
	s1 =	rddreg [dreg:$0x2]  }
0x5: {  	s30 =	simm.s32 $0xC;
	s28 =	simm.s32 $0xF;
	[smem:$0x7FF] =	sst s2  }
0x6: {  	s8 =	sadd.s32 $0xE00, s0;
	s11 =	smul.u32 $0x2710, s3;
	s6 =	sshll.u32 s5, $0x4  }
0x7: {  	s7 =	ssub.s32 $0x2, s5;
	s10 =	smul.u32 $0x27100, s5;
	s6 =	sor.u32 s3, s6  }
0x8: {  	p0 =	sne.s32 s3, $0x0;
	s9 =	sshrl.u32 s7, $0x1;
	s6 =	smul.u32 $0x2710, s6  }
0x9: {  	_ =	strace $0x8000004A;
	s5 =	ssub.s32 s7, s9;
	s14 =	sadd.s32 s11, s10  }
0xa: {  	s17 =	sadd.s32 $0x320, s14;
	s9 =	sadd.s32 $0x230, s14;
	s6 =	sshrl.u32 s6, $0x3  }
0xb: {  	s19 =	sshrl.u32 s17, $0x3;
	s9 =	sshrl.u32 s9, $0x3;
	s17 =	smul.u32 $0x4E000, s3  }
0xc: {  	s21 =	sadd.s32 $0xA, s6;
	s22 =	sadd.s32 s4, s6;
	s24 =	sadd.s32 $0x14, s6  }
0xd: {  	s25 =	sadd.s32 $0x1E, s6;
	s20 =	sadd.s32 s19, s8;
	[dreg:$0xc] =	wrdreg s22  }
0xe: {  	s13 =	sadd.s32 $0x28, s6;
	s23 =	sadd.s32 s4, s21;
	[dreg:$0x4] =	wrdreg s20  }
0xf: {  	s16 =	sadd.s32 $0x32, s6;
	s7 =	sadd.s32 s8, s21;
	[dreg:$0xd] =	wrdreg s23  }
0x10: {  	s12 =	sadd.s32 s4, s24;
	s26 =	sadd.s32 s4, s25;
	[dreg:$0xe] =	wrdreg s7  }
0x11: {  	s15 =	sadd.s32 s4, s13;
	s18 =	sadd.s32 s4, s16;
	[dreg:$0xf] =	wrdreg s12  }
0x12: {  	s11 =	sadd.s32 s8, s16;
	s21 =	sadd.s32 $0x2D0, s14;
	[dreg:$0x11] =	wrdreg s26  }
0x13: {  	s16 =	sadd.s32 s8, s6;
	s20 =	sshrl.u32 s17, $0x2;
	[dreg:$0x13] =	wrdreg s15  }
0x14: {  	s17 =	simm.s32 $0x4;
	s7 =	sadd.s32 s8, s24;
	[dreg:$0x15] =	wrdreg s18  }
0x15: {  	s12 =	sadd.s32 s8, s25;
	[dreg:$0x16] =	wrdreg s11;
	s22 =	sshrl.u32 s21, $0x3  }
0x16: {  	s23 =	sadd.s32 $0x3C, s6;
	s25 =	sadd.s32 $0x280, s14;
	[dreg:$0x1b] =	wrdreg s16  }
0x17: {  	s18 =	smul.u32 $0x2700, s3;
	s21 =	sadd.s32 s10, s0;
	[dreg:$0x10] =	wrdreg s7  }
0x18: {  	s3 =	sshll.u32 s3, $0x6;
	[dreg:$0x12] =	wrdreg s12;
	s7 =	sadd.s32 s8, s13  }
0x19: {  	s10 =	simm.s32 $0x50;
	s13 =	sadd.s32 s4, s23;
	[dreg:$0x14] =	wrdreg s7  }
0x1a: {  	s16 =	simm.s32 $0x9;
	s24 =	sadd.s32 s22, s8;
	[dreg:$0x17] =	wrdreg s13  }
0x1b: {  	s12 =	sadd.s32 s8, s23;
	s11 =	sadd.s32 s22, s4;
	[dreg:$0x6] =	wrdreg s24  }
0x1c: {  	s23 =	sadd.s32 $0xA7200, s21;
	s21 =	simm.s32 $0xA;
	[dreg:$0x18] =	wrdreg s12  }
0x1d: {  	s7 =	sadd.s32 s19, s4;
	[dreg:$0x7] =	wrdreg s11;
	s12 =	sadd.s32 $0x4CE, s6  }
0x1e: {  	s13 =	sadd.s32 s9, s8;
	s6 =	sadd.s32 $0x4D8, s6;
	[dreg:$0x1d] =	wrdreg s18  }
0x1f: {  	s9 =	sadd.s32 s9, s4;
	s22 =	sadd.s32 s18, s0;
	[smem:$0x7FA] =	sst s23  }
0x20: {  	s11 =	sor.u32 $0x1C11, s3;
	s24 =	smax.u32 s5, $0x1;
	[dreg:$0x5] =	wrdreg s7  }
0x21: {  	s5 =	simm.s32 $0x80;
	s18 =	simm.s32 $0x7C00;
	[dreg:$0xa] =	wrdreg s13  }
0x22: {  	s23 =	simm.s32 $0x6;
	s7 =	sshrl.u32 s25, $0x3;
	[dreg:$0xb] =	wrdreg s9  }
0x23: {  	s14 =	sadd.s32 s4, s12;
	s15 =	sadd.s32 s8, s12;
	[smem:$0x7FB] =	sst s24  }
0x24: {  	s19 =	sadd.s32 s8, s6;
	s25 =	sadd.s32 $0xAC00, s0;
	[smem:$0x7FD] =	sst s11  }
0x25: {  	s0 =	sadd.s32 $0x58E00, s0;
	s9 =	simm.s32 $0x1;
	[dreg:$0x19] =	wrdreg s14  }
0x26: {  	s12 =	simm.s32 $0x2;
	s13 =	simm.s32 $0x2C00;
	[dreg:$0x1a] =	wrdreg s15  }
0x27: {  	s24 =	simm.s32 $0x10;
	s26 =	sadd.s32 s7, s8;
	[dreg:$0x1e] =	wrdreg s19  }
0x28: {  	s7 =	sadd.s32 s7, s4;
	s4 =	sadd.s32 s4, s6;
	[smem:$0x7F9] =	sst s0  }
0x29: {  	s14 =	simm.s32 $0x3;
	s15 =	simm.s32 $0x5400;
	[dreg:$0x8] =	wrdreg s26  }
0x2a: {  	s19 =	simm.s32 $0x5;
	s8 =	simm.s32 $0x8;
	[dreg:$0x9] =	wrdreg s7  }
0x2b: {  	s6 =	simm.s32 $0x0;
	[dreg:$0x1c] =	wrdreg s4;
	s4 =	sadd.s32 s20, s1  }
0x2c: {  	s26 =	sadd.s32 $0x138000, s1;
	s7 =	simm.s32 $0x100;
	[dreg:$0x1f] =	wrdreg s4  }
0x2d: {  	s20 =	simm.s32 $0x7;
	s4 =	sadd.s32 $0x31E00, s22;
	[smem:$0x7FC] =	sst s26  }
0x2e: {  	s22 =	simm.s32 $0xD;
	s26 =	simm.s32 $0xB;
	[smem:$0x7F8] =	sst s4  }
.LBB2_1:
0x2f: {  	[smem:$0x7F5] =	sst s6  }
0x30: {  	s0 =	rddreg [dreg:$0xc]  }
0x31: {  	[tilespmem:s2], [sflag:$0x1] =	stream.linear.gather [hbm4b:s0+s2], $0x50, $0x38;
	[tilespmem:$0x1DC80] =	vst v63  }
0x32: {  	s6 =	rddreg [dreg:$0x1b];
	s3 =	simm.s32 $0x200  }
0x33: {  	[tilespmem:s3], [sflag:$0x5] =	stream.linear.gather [hbm4b:s6+s2], $0x50, $0x38;
	[tilespmem:$0x1DC80] =	vst v63  }
0x34: {  	s3 =	rddreg [dreg:$0xd]  }
0x35: {  	[tilespmem:s5], [sflag:$0x2] =	stream.linear.gather [hbm4b:s3+s2], $0x50, $0x38;
	[tilespmem:$0x1DC80] =	vst v63  }
0x36: {  	s4 =	rddreg [dreg:$0xe];
	s6 =	simm.s32 $0x280  }
0x37: {  	[tilespmem:s6], [sflag:$0x6] =	stream.linear.gather [hbm4b:s4+s2], $0x50, $0x38;
	[tilespmem:$0x1DC80] =	vst v63  }
0x38: {  	s3 =	rddreg [dreg:$0xf]  }
0x39: {  	[tilespmem:s7], [sflag:$0x3] =	stream.linear.gather [hbm4b:s3+s2], $0x50, $0x38;
	[tilespmem:$0x1DC80] =	vst v63  }
0x3a: {  	s4 =	rddreg [dreg:$0x10];
	s6 =	simm.s32 $0x300  }
0x3b: {  	[tilespmem:s6], [sflag:$0x7] =	stream.linear.gather [hbm4b:s4+s2], $0x50, $0x38;
	[tilespmem:$0x1DC80] =	vst v63  }
0x3c: {  	s4 =	rddreg [dreg:$0x11];
	s6 =	simm.s32 $0x180  }
0x3d: {  	[tilespmem:s6], [sflag:$0x4] =	stream.linear.gather [hbm4b:s4+s2], $0x50, $0x38;
	[tilespmem:$0x1DC80] =	vst v63  }
0x3e: {  	s3 =	rddreg [dreg:$0x12];
	s6 =	simm.s32 $0x380  }
0x3f: {  	[tilespmem:s6], [sflag:$0x8] =	stream.linear.gather [hbm4b:s3+s2], $0x50, $0x38;
	[tilespmem:$0x1DC80] =	vst v63  }
0x40: {  	s6 =	rddreg [dreg:$0x1f]  }
0x41: {  	s0 =	sshrl.u32 s6, $0x3;
	s6 =	sld [smem:$0x7F8];
	_ =	sdelay $0x1  }
0x42: {  	[smem:$0x7F6] =	sst s0  }
0x43: {  	[spmem:s0], [sflag:s11] =	dma.local [hbm:s6], $0x2700  }
0x44: {  	_ =	swait.ge [sflag:s31], $0x2700  }
0x45: {  	s0 =	sld [smem:$0x7FC];
	_ =	sdelay $0x2  }
0x46: {  	s3 =	sshrl.u32 @!p0 s0, $0x3;
	s0 =	sld [smem:$0x7F9]  }
0x47: {  	[sflag:s31] =	ssyncset.done $0x0  }
0x48: {  	[sflag:s31] =	ssyncadd.s32 $0xFFFFD900;
	[smem:$0x7F7] =	sst s3  }
0x49: {  	[spmem:s3], [sflag:s11] =	dma.local @!p0 [hbm:s0], $0x100  }
0x4a: {  	s0 =	simm.s32 @!p0 $0x11  }
0x4b: {  	_ =	swait.ge @!p0 [sflag:s0], $0x100  }
0x4c: {  	[sflag:s0] =	ssyncset.done @!p0 $0x0  }
0x4d: {  	[sflag:s0] =	ssyncadd.s32 @!p0 $0xFFFFFF00  }
0x4e: {  	[bflag:$0x0] =	sbarrier.arrive $0xFFFF  }
0x4f: {  	_ =	swait.ge [sflag:s9], $0x50  }
0x50: {  	[sflag:s9] =	ssyncset.done $0x0  }
0x51: {  	s6 =	simm.s32 $0x400;
	[sflag:s9] =	ssyncadd.s32 $0xFFFFFFB0  }
0x52: {  	[tilespmem:s6], [sflag:$0x9] =	stream.indirect.gather [hbm4b:s25+s10], $0x80, s2, s10, $0xb8;
	[tilespmem:$0x1DC80] =	vst v63  }
0x53: {  	_ =	swait.ge [sflag:s12], $0x50  }
0x54: {  	[sflag:s12] =	ssyncset.done $0x0  }
0x55: {  	[sflag:s12] =	ssyncadd.s32 $0xFFFFFFB0  }
0x56: {  	[tilespmem:s13], [sflag:$0xA] =	stream.indirect.gather [hbm4b:s25+s10], $0x80, s5, s10, $0xb8;
	[tilespmem:$0x1DC80] =	vst v63  }
0x57: {  	_ =	swait.ge [sflag:s14], $0x50  }
0x58: {  	[sflag:s14] =	ssyncset.done $0x0  }
0x59: {  	[sflag:s14] =	ssyncadd.s32 $0xFFFFFFB0  }
0x5a: {  	[tilespmem:s15], [sflag:$0xB] =	stream.indirect.gather [hbm4b:s25+s10], $0x80, s7, s10, $0xb8;
	[tilespmem:$0x1DC80] =	vst v63  }
0x5b: {  	_ =	swait.ge [sflag:s16], $0x2800  }
0x5c: {  	[sflag:s16] =	ssyncset.done $0x0  }
0x5d: {  	[sflag:s16] =	ssyncadd.s32 $0xFFFFD800  }
0x5e: {  	_ =	swait.ge [sflag:s17], $0x50  }
0x5f: {  	[sflag:s17] =	ssyncset.done $0x0  }
0x60: {  	s4 =	simm.s32 $0x180;
	[sflag:s17] =	ssyncadd.s32 $0xFFFFFFB0  }
0x61: {  	[tilespmem:s18], [sflag:$0xC] =	stream.indirect.gather [hbm4b:s25+s10], $0x80, s4, s10, $0xb8;
	[tilespmem:$0x1DC80] =	vst v63  }
0x62: {  	_ =	swait.ge [sflag:s19], $0x50  }
0x63: {  	[sflag:s19] =	ssyncset.done $0x0  }
0x64: {  	s3 =	simm.s32 $0x200;
	[sflag:s19] =	ssyncadd.s32 $0xFFFFFFB0  }
0x65: {  	[spmem:s1] =	stream.indirect.scatter.add.f32 [tilespmem:s6], [sflag:$0xD], $0x80, s3, s10, $0xb8;
	[tilespmem:$0x1DC80] =	vst v63  }
0x66: {  	_ =	swait.ge [sflag:s21], $0x2800  }
0x67: {  	[sflag:s21] =	ssyncset.done $0x0  }
0x68: {  	[sflag:s21] =	ssyncadd.s32 $0xFFFFD800  }
0x69: {  	_ =	swait.ge [sflag:s22], $0x2800  }
0x6a: {  	[sflag:s22] =	ssyncset.done $0x0  }
0x6b: {  	s4 =	rddreg [dreg:$0x13];
	[sflag:s22] =	ssyncadd.s32 $0xFFFFD800  }
0x6c: {  	[tilespmem:s2], [sflag:$0x1] =	stream.linear.gather [hbm4b:s4+s2], $0x50, $0x38;
	[tilespmem:$0x1DC80] =	vst v63  }
0x6d: {  	s11 =	rddreg [dreg:$0x14]  }
0x6e: {  	[tilespmem:s3], [sflag:$0x5] =	stream.linear.gather [hbm4b:s11+s2], $0x50, $0x38;
	[tilespmem:$0x1DC80] =	vst v63  }
0x6f: {  	_ =	swait.ge [sflag:s9], $0x50  }
0x70: {  	[sflag:s9] =	ssyncset.done $0x0  }
0x71: {  	[sflag:s9] =	ssyncadd.s32 $0xFFFFFFB0  }
0x72: {  	[tilespmem:s6], [sflag:$0x9] =	stream.indirect.gather [hbm4b:s25+s10], $0x80, s2, s10, $0xb8;
	[tilespmem:$0x1DC80] =	vst v63  }
0x73: {  	_ =	swait.ge [sflag:s23], $0x50  }
0x74: {  	[sflag:s23] =	ssyncset.done $0x0  }
0x75: {  	s11 =	simm.s32 $0x280;
	[sflag:s23] =	ssyncadd.s32 $0xFFFFFFB0  }
0x76: {  	[spmem:s1] =	stream.indirect.scatter.add.f32 [tilespmem:s13], [sflag:$0xE], $0x80, s11, s10, $0xb8;
	[tilespmem:$0x1DC80] =	vst v63  }
0x77: {  	_ =	swait.ge [sflag:s26], $0x2800  }
0x78: {  	[sflag:s26] =	ssyncset.done $0x0  }
0x79: {  	[sflag:s26] =	ssyncadd.s32 $0xFFFFD800  }
0x7a: {  	_ =	swait.ge [sflag:s29], $0x2800  }
0x7b: {  	[sflag:s29] =	ssyncset.done $0x0  }
0x7c: {  	s3 =	rddreg [dreg:$0x15];
	[sflag:s29] =	ssyncadd.s32 $0xFFFFD800  }
0x7d: {  	[tilespmem:s5], [sflag:$0x2] =	stream.linear.gather [hbm4b:s3+s2], $0x50, $0x38;
	[tilespmem:$0x1DC80] =	vst v63  }
0x7e: {  	s4 =	rddreg [dreg:$0x16]  }
0x7f: {  	[tilespmem:s11], [sflag:$0x6] =	stream.linear.gather [hbm4b:s4+s2], $0x50, $0x38;
	[tilespmem:$0x1DC80] =	vst v63  }
0x80: {  	_ =	swait.ge [sflag:s12], $0x50  }
0x81: {  	[sflag:s12] =	ssyncset.done $0x0  }
0x82: {  	[sflag:s12] =	ssyncadd.s32 $0xFFFFFFB0  }
0x83: {  	[tilespmem:s13], [sflag:$0xA] =	stream.indirect.gather [hbm4b:s25+s10], $0x80, s5, s10, $0xb8;
	[tilespmem:$0x1DC80] =	vst v63  }
0x84: {  	_ =	swait.ge [sflag:s20], $0x50  }
0x85: {  	[sflag:s20] =	ssyncset.done $0x0  }
0x86: {  	s11 =	simm.s32 $0x300;
	[sflag:s20] =	ssyncadd.s32 $0xFFFFFFB0  }
0x87: {  	[spmem:s1] =	stream.indirect.scatter.add.f32 [tilespmem:s15], [sflag:$0xF], $0x80, s11, s10, $0xb8;
	[tilespmem:$0x1DC80] =	vst v63  }
0x88: {  	_ =	swait.ge [sflag:s30], $0x2800  }
0x89: {  	[sflag:s30] =	ssyncset.done $0x0  }
0x8a: {  	[sflag:s30] =	ssyncadd.s32 $0xFFFFD800  }
0x8b: {  	_ =	swait.ge [sflag:s28], $0x2800  }
0x8c: {  	[sflag:s28] =	ssyncset.done $0x0  }
0x8d: {  	s3 =	rddreg [dreg:$0x17];
	[sflag:s28] =	ssyncadd.s32 $0xFFFFD800  }
0x8e: {  	[tilespmem:s7], [sflag:$0x3] =	stream.linear.gather [hbm4b:s3+s2], $0x50, $0x38;
	[tilespmem:$0x1DC80] =	vst v63  }
0x8f: {  	s4 =	rddreg [dreg:$0x18]  }
0x90: {  	[tilespmem:s11], [sflag:$0x7] =	stream.linear.gather [hbm4b:s4+s2], $0x50, $0x38;
	[tilespmem:$0x1DC80] =	vst v63  }
0x91: {  	_ =	swait.ge [sflag:s14], $0x50  }
0x92: {  	[sflag:s14] =	ssyncset.done $0x0  }
0x93: {  	[sflag:s14] =	ssyncadd.s32 $0xFFFFFFB0  }
0x94: {  	[tilespmem:s15], [sflag:$0xB] =	stream.indirect.gather [hbm4b:s25+s10], $0x80, s7, s10, $0xb8;
	[tilespmem:$0x1DC80] =	vst v63  }
0x95: {  	_ =	swait.ge [sflag:s8], $0x50  }
0x96: {  	[sflag:s8] =	ssyncset.done $0x0  }
0x97: {  	s4 =	simm.s32 $0x380;
	[sflag:s8] =	ssyncadd.s32 $0xFFFFFFB0  }
0x98: {  	[spmem:s1] =	stream.indirect.scatter.add.f32 [tilespmem:s18], [sflag:$0x10], $0x80, s4, s10, $0xb8;
	[tilespmem:$0x1DC80] =	vst v63  }
0x99: {  	_ =	swait.ge [sflag:s16], $0x2800  }
0x9a: {  	[sflag:s16] =	ssyncset.done $0x0  }
0x9b: {  	[sflag:s16] =	ssyncadd.s32 $0xFFFFD800  }
0x9c: {  	_ =	swait.ge [sflag:s24], $0x2800  }
0x9d: {  	s3 =	rddreg [dreg:$0xb]  }
0x9e: {  	[sflag:s24] =	ssyncset.done $0x0;
	s31 =	rddreg [dreg:$0xa]  }
0x9f: {  	[sflag:s24] =	ssyncadd.s32 $0xFFFFD800;
	s0 =	sadd.s32 $0x0, s3;
	s3 =	simm.s32 $0x180  }
0xa0: {  	[tilespmem:s3], [sflag:$0x4] =	stream.linear.gather [hbm4b:s0+s2], $0x50, $0x38;
	[tilespmem:$0x1DC80] =	vst v63  }
0xa1: {  	s0 =	sadd.s32 $0x0, s31  }
0xa2: {  	[tilespmem:s4], [sflag:$0x8] =	stream.linear.gather [hbm4b:s0+s2], $0x50, $0x38;
	[tilespmem:$0x1DC80] =	vst v63  }
0xa3: {  	_ =	swait.ge [sflag:s17], $0x50  }
0xa4: {  	[sflag:s17] =	ssyncset.done $0x0  }
0xa5: {  	[sflag:s17] =	ssyncadd.s32 $0xFFFFFFB0  }
0xa6: {  	[tilespmem:s18], [sflag:$0xC] =	stream.indirect.gather [hbm4b:s25+s10], $0x80, s3, s10, $0xb8;
	[tilespmem:$0x1DC80] =	vst v63  }
0xa7: {  	_ =	swait.ge [sflag:s19], $0x50  }
0xa8: {  	[sflag:s19] =	ssyncset.done $0x0  }
0xa9: {  	s3 =	simm.s32 $0x200;
	[sflag:s19] =	ssyncadd.s32 $0xFFFFFFB0  }
0xaa: {  	[spmem:s1] =	stream.indirect.scatter.add.f32 [tilespmem:s6], [sflag:$0xD], $0x80, s3, s10, $0xb8;
	[tilespmem:$0x1DC80] =	vst v63  }
0xab: {  	_ =	swait.ge [sflag:s21], $0x2800  }
0xac: {  	[sflag:s21] =	ssyncset.done $0x0  }
0xad: {  	[sflag:s21] =	ssyncadd.s32 $0xFFFFD800  }
0xae: {  	_ =	swait.ge [sflag:s22], $0x2800  }
0xaf: {  	s4 =	rddreg [dreg:$0x9];
	[sflag:s22] =	ssyncset.done $0x0  }
0xb0: {  	s31 =	rddreg [dreg:$0x8];
	[sflag:s22] =	ssyncadd.s32 $0xFFFFD800;
	s0 =	sadd.s32 $0x0, s4  }
0xb1: {  	[tilespmem:s2], [sflag:$0x1] =	stream.linear.gather [hbm4b:s0+s2], $0x50, $0x38;
	[tilespmem:$0x1DC80] =	vst v63  }
0xb2: {  	s4 =	sadd.s32 $0x0, s31  }
0xb3: {  	[tilespmem:s3], [sflag:$0x5] =	stream.linear.gather [hbm4b:s4+s2], $0x50, $0x38;
	[tilespmem:$0x1DC80] =	vst v63  }
0xb4: {  	_ =	swait.ge [sflag:s9], $0x50  }
0xb5: {  	[sflag:s9] =	ssyncset.done $0x0  }
0xb6: {  	[sflag:s9] =	ssyncadd.s32 $0xFFFFFFB0  }
0xb7: {  	[tilespmem:s6], [sflag:$0x9] =	stream.indirect.gather [hbm4b:s25+s10], $0x80, s2, s10, $0xb8;
	[tilespmem:$0x1DC80] =	vst v63  }
0xb8: {  	_ =	swait.ge [sflag:s23], $0x50  }
0xb9: {  	[sflag:s23] =	ssyncset.done $0x0  }
0xba: {  	s3 =	simm.s32 $0x280;
	[sflag:s23] =	ssyncadd.s32 $0xFFFFFFB0  }
0xbb: {  	[spmem:s1] =	stream.indirect.scatter.add.f32 [tilespmem:s13], [sflag:$0xE], $0x80, s3, s10, $0xb8;
	[tilespmem:$0x1DC80] =	vst v63  }
0xbc: {  	_ =	swait.ge [sflag:s26], $0x2800  }
0xbd: {  	[sflag:s26] =	ssyncset.done $0x0  }
0xbe: {  	[sflag:s26] =	ssyncadd.s32 $0xFFFFD800  }
0xbf: {  	_ =	swait.ge [sflag:s29], $0x2800  }
0xc0: {  	s6 =	rddreg [dreg:$0x7];
	[sflag:s29] =	ssyncset.done $0x0  }
0xc1: {  	s31 =	rddreg [dreg:$0x6];
	[sflag:s29] =	ssyncadd.s32 $0xFFFFD800;
	s0 =	sadd.s32 $0x0, s6  }
0xc2: {  	[tilespmem:s5], [sflag:$0x2] =	stream.linear.gather [hbm4b:s0+s2], $0x50, $0x38;
	[tilespmem:$0x1DC80] =	vst v63  }
0xc3: {  	s4 =	sadd.s32 $0x0, s31  }
0xc4: {  	[tilespmem:s3], [sflag:$0x6] =	stream.linear.gather [hbm4b:s4+s2], $0x50, $0x38;
	[tilespmem:$0x1DC80] =	vst v63  }
0xc5: {  	_ =	swait.ge [sflag:s12], $0x50  }
0xc6: {  	[sflag:s12] =	ssyncset.done $0x0  }
0xc7: {  	[sflag:s12] =	ssyncadd.s32 $0xFFFFFFB0  }
0xc8: {  	[tilespmem:s13], [sflag:$0xA] =	stream.indirect.gather [hbm4b:s25+s10], $0x80, s5, s10, $0xb8;
	[tilespmem:$0x1DC80] =	vst v63  }
0xc9: {  	_ =	swait.ge [sflag:s20], $0x50  }
0xca: {  	[sflag:s20] =	ssyncset.done $0x0  }
0xcb: {  	s11 =	simm.s32 $0x300;
	[sflag:s20] =	ssyncadd.s32 $0xFFFFFFB0  }
0xcc: {  	[spmem:s1] =	stream.indirect.scatter.add.f32 [tilespmem:s15], [sflag:$0xF], $0x80, s11, s10, $0xb8;
	[tilespmem:$0x1DC80] =	vst v63  }
0xcd: {  	_ =	swait.ge [sflag:s30], $0x2800  }
0xce: {  	[sflag:s30] =	ssyncset.done $0x0  }
0xcf: {  	[sflag:s30] =	ssyncadd.s32 $0xFFFFD800  }
0xd0: {  	_ =	swait.ge [sflag:s28], $0x2800  }
0xd1: {  	s5 =	rddreg [dreg:$0x5];
	[sflag:s28] =	ssyncset.done $0x0  }
0xd2: {  	s31 =	rddreg [dreg:$0x4];
	[sflag:s28] =	ssyncadd.s32 $0xFFFFD800;
	s0 =	sadd.s32 $0x0, s5  }
0xd3: {  	[tilespmem:s7], [sflag:$0x3] =	stream.linear.gather [hbm4b:s0+s2], $0x50, $0x38;
	[tilespmem:$0x1DC80] =	vst v63  }
0xd4: {  	s6 =	sadd.s32 $0x0, s31  }
0xd5: {  	[tilespmem:s11], [sflag:$0x7] =	stream.linear.gather [hbm4b:s6+s2], $0x50, $0x38;
	[tilespmem:$0x1DC80] =	vst v63  }
0xd6: {  	_ =	swait.ge [sflag:s14], $0x50  }
0xd7: {  	[sflag:s14] =	ssyncset.done $0x0  }
0xd8: {  	[sflag:s14] =	ssyncadd.s32 $0xFFFFFFB0  }
0xd9: {  	[tilespmem:s15], [sflag:$0xB] =	stream.indirect.gather [hbm4b:s25+s10], $0x80, s7, s10, $0xb8;
	[tilespmem:$0x1DC80] =	vst v63  }
0xda: {  	_ =	swait.ge [sflag:s8], $0x50  }
0xdb: {  	[sflag:s8] =	ssyncset.done $0x0  }
0xdc: {  	s31 =	simm.s32 $0x28;
	[sflag:s8] =	ssyncadd.s32 $0xFFFFFFB0  }
.LBB2_2:
0xdd: {  	s6 =	simm.s32 $0x380  }
0xde: {  	[spmem:s1] =	stream.indirect.scatter.add.f32 [tilespmem:s18], [sflag:$0x10], $0x80, s6, s10, $0xb8;
	[tilespmem:$0x1DC80] =	vst v63  }
0xdf: {  	_ =	swait.ge [sflag:s16], $0x2800  }
0xe0: {  	[sflag:s16] =	ssyncset.done $0x0  }
0xe1: {  	[sflag:s16] =	ssyncadd.s32 $0xFFFFD800  }
0xe2: {  	s0 =	smov.u32 s31;
	_ =	swait.ge [sflag:s24], $0x2800  }
0xe3: {  	s5 =	simm.s32 $0x180;
	s3 =	rddreg [dreg:$0xb];
	[sflag:s24] =	ssyncset.done $0x0  }
0xe4: {  	s4 =	rddreg [dreg:$0xa];
	[sflag:s24] =	ssyncadd.s32 $0xFFFFD800;
	s3 =	sadd.s32 s0, s3  }
0xe5: {  	[tilespmem:s5], [sflag:$0x4] =	stream.linear.gather [hbm4b:s3+s2], $0x50, $0x38;
	[tilespmem:$0x1DC80] =	vst v63  }
0xe6: {  	s11 =	sadd.s32 s0, s4  }
0xe7: {  	[tilespmem:s6], [sflag:$0x8] =	stream.linear.gather [hbm4b:s11+s2], $0x50, $0x38;
	[tilespmem:$0x1DC80] =	vst v63  }
0xe8: {  	_ =	swait.ge [sflag:s17], $0x50  }
0xe9: {  	[sflag:s17] =	ssyncset.done $0x0  }
0xea: {  	[sflag:s17] =	ssyncadd.s32 $0xFFFFFFB0  }
0xeb: {  	[tilespmem:s18], [sflag:$0xC] =	stream.indirect.gather [hbm4b:s25+s10], $0x80, s5, s10, $0xb8;
	[tilespmem:$0x1DC80] =	vst v63  }
0xec: {  	_ =	swait.ge [sflag:s19], $0x50  }
0xed: {  	[sflag:s19] =	ssyncset.done $0x0  }
0xee: {  	s6 =	simm.s32 $0x400;
	s5 =	simm.s32 $0x200;
	[sflag:s19] =	ssyncadd.s32 $0xFFFFFFB0  }
0xef: {  	[spmem:s1] =	stream.indirect.scatter.add.f32 [tilespmem:s6], [sflag:$0xD], $0x80, s5, s10, $0xb8;
	[tilespmem:$0x1DC80] =	vst v63  }
0xf0: {  	_ =	swait.ge [sflag:s21], $0x2800  }
0xf1: {  	[sflag:s21] =	ssyncset.done $0x0  }
0xf2: {  	[sflag:s21] =	ssyncadd.s32 $0xFFFFD800  }
0xf3: {  	_ =	swait.ge [sflag:s22], $0x2800  }
0xf4: {  	s4 =	rddreg [dreg:$0x9];
	[sflag:s22] =	ssyncset.done $0x0  }
0xf5: {  	s7 =	rddreg [dreg:$0x8];
	[sflag:s22] =	ssyncadd.s32 $0xFFFFD800;
	s3 =	sadd.s32 s0, s4  }
0xf6: {  	[tilespmem:s2], [sflag:$0x1] =	stream.linear.gather [hbm4b:s3+s2], $0x50, $0x38;
	[tilespmem:$0x1DC80] =	vst v63  }
0xf7: {  	s11 =	sadd.s32 s0, s7  }
0xf8: {  	[tilespmem:s5], [sflag:$0x5] =	stream.linear.gather [hbm4b:s11+s2], $0x50, $0x38;
	[tilespmem:$0x1DC80] =	vst v63  }
0xf9: {  	_ =	swait.ge [sflag:s9], $0x50  }
0xfa: {  	[sflag:s9] =	ssyncset.done $0x0  }
0xfb: {  	[sflag:s9] =	ssyncadd.s32 $0xFFFFFFB0  }
0xfc: {  	[tilespmem:s6], [sflag:$0x9] =	stream.indirect.gather [hbm4b:s25+s10], $0x80, s2, s10, $0xb8;
	[tilespmem:$0x1DC80] =	vst v63  }
0xfd: {  	_ =	swait.ge [sflag:s23], $0x50  }
0xfe: {  	[sflag:s23] =	ssyncset.done $0x0  }
0xff: {  	s7 =	simm.s32 $0x280;
	[sflag:s23] =	ssyncadd.s32 $0xFFFFFFB0  }
0x100: {  	[spmem:s1] =	stream.indirect.scatter.add.f32 [tilespmem:s13], [sflag:$0xE], $0x80, s7, s10, $0xb8;
	[tilespmem:$0x1DC80] =	vst v63  }
0x101: {  	_ =	swait.ge [sflag:s26], $0x2800  }
0x102: {  	[sflag:s26] =	ssyncset.done $0x0  }
0x103: {  	[sflag:s26] =	ssyncadd.s32 $0xFFFFD800  }
0x104: {  	_ =	swait.ge [sflag:s29], $0x2800  }
0x105: {  	s5 =	simm.s32 $0x80;
	s4 =	rddreg [dreg:$0x7];
	[sflag:s29] =	ssyncset.done $0x0  }
0x106: {  	s6 =	rddreg [dreg:$0x6];
	[sflag:s29] =	ssyncadd.s32 $0xFFFFD800;
	s3 =	sadd.s32 s0, s4  }
0x107: {  	[tilespmem:s5], [sflag:$0x2] =	stream.linear.gather [hbm4b:s3+s2], $0x50, $0x38;
	[tilespmem:$0x1DC80] =	vst v63  }
0x108: {  	s11 =	sadd.s32 s0, s6  }
0x109: {  	[tilespmem:s7], [sflag:$0x6] =	stream.linear.gather [hbm4b:s11+s2], $0x50, $0x38;
	[tilespmem:$0x1DC80] =	vst v63  }
0x10a: {  	_ =	swait.ge [sflag:s12], $0x50  }
0x10b: {  	[sflag:s12] =	ssyncset.done $0x0  }
0x10c: {  	[sflag:s12] =	ssyncadd.s32 $0xFFFFFFB0  }
0x10d: {  	[tilespmem:s13], [sflag:$0xA] =	stream.indirect.gather [hbm4b:s25+s10], $0x80, s5, s10, $0xb8;
	[tilespmem:$0x1DC80] =	vst v63  }
0x10e: {  	_ =	swait.ge [sflag:s20], $0x50  }
0x10f: {  	[sflag:s20] =	ssyncset.done $0x0  }
0x110: {  	s11 =	simm.s32 $0x300;
	[sflag:s20] =	ssyncadd.s32 $0xFFFFFFB0  }
0x111: {  	[spmem:s1] =	stream.indirect.scatter.add.f32 [tilespmem:s15], [sflag:$0xF], $0x80, s11, s10, $0xb8;
	[tilespmem:$0x1DC80] =	vst v63  }
0x112: {  	_ =	swait.ge [sflag:s30], $0x2800  }
0x113: {  	[sflag:s30] =	ssyncset.done $0x0  }
0x114: {  	[sflag:s30] =	ssyncadd.s32 $0xFFFFD800  }
0x115: {  	_ =	swait.ge [sflag:s28], $0x2800  }
0x116: {  	s7 =	simm.s32 $0x100;
	s3 =	rddreg [dreg:$0x5];
	[sflag:s28] =	ssyncset.done $0x0  }
0x117: {  	s4 =	rddreg [dreg:$0x4];
	[sflag:s28] =	ssyncadd.s32 $0xFFFFD800;
	s3 =	sadd.s32 s0, s3  }
0x118: {  	[tilespmem:s7], [sflag:$0x3] =	stream.linear.gather [hbm4b:s3+s2], $0x50, $0x38;
	[tilespmem:$0x1DC80] =	vst v63  }
0x119: {  	s0 =	sadd.s32 s0, s4  }
0x11a: {  	[tilespmem:s11], [sflag:$0x7] =	stream.linear.gather [hbm4b:s0+s2], $0x50, $0x38;
	[tilespmem:$0x1DC80] =	vst v63  }
0x11b: {  	_ =	swait.ge [sflag:s14], $0x50  }
0x11c: {  	p1 =	sne.s32 s31, $0x460;
	[sflag:s14] =	ssyncset.done $0x0  }
.Ltmp0:
0x11d: {  	[sflag:s14] =	ssyncadd.s32 $0xFFFFFFB0;
	(pc) =	sbr.rel @p1 .LBB2_2-.Ltmp0, $4  }
0x11e: {  	[tilespmem:s15], [sflag:$0xB] =	stream.indirect.gather [hbm4b:s25+s10], $0x80, s7, s10, $0xb8;
	[tilespmem:$0x1DC80] =	vst v63  }
0x11f: {  	_ =	swait.ge [sflag:s8], $0x50  }
0x120: {  	s31 =	sadd.s32 $0x28, s31;
	[sflag:s8] =	ssyncset.done $0x0  }
0x121: {  	s6 =	simm.s32 $0x280;
	s4 =	simm.s32 $0x300;
	[sflag:s8] =	ssyncadd.s32 $0xFFFFFFB0  }
0x122: {  	s11 =	simm.s32 $0x380  }
0x123: {  	[spmem:s1] =	stream.indirect.scatter.add.f32 [tilespmem:s18], [sflag:$0x10], $0x80, s11, s10, $0xb8;
	[tilespmem:$0x1DC80] =	vst v63  }
0x124: {  	_ =	swait.ge [sflag:s16], $0x2800  }
0x125: {  	[sflag:s16] =	ssyncset.done $0x0  }
0x126: {  	[sflag:s16] =	ssyncadd.s32 $0xFFFFD800  }
0x127: {  	_ =	swait.ge [sflag:s24], $0x2800  }
0x128: {  	[sflag:s24] =	ssyncset.done $0x0  }
0x129: {  	s3 =	simm.s32 $0x180;
	s0 =	rddreg [dreg:$0x19];
	[sflag:s24] =	ssyncadd.s32 $0xFFFFD800  }
0x12a: {  	[tilespmem:s3], [sflag:$0x4] =	stream.linear.gather [hbm4b:s0+s2], $0x50, $0x38;
	[tilespmem:$0x1DC80] =	vst v63  }
0x12b: {  	s0 =	rddreg [dreg:$0x1a]  }
0x12c: {  	[tilespmem:s11], [sflag:$0x8] =	stream.linear.gather [hbm4b:s0+s2], $0x50, $0x38;
	[tilespmem:$0x1DC80] =	vst v63  }
0x12d: {  	_ =	swait.ge [sflag:s17], $0x50  }
0x12e: {  	[sflag:s17] =	ssyncset.done $0x0  }
0x12f: {  	[sflag:s17] =	ssyncadd.s32 $0xFFFFFFB0  }
0x130: {  	[tilespmem:s18], [sflag:$0xC] =	stream.indirect.gather [hbm4b:s25+s10], $0x80, s3, s10, $0xb8;
	[tilespmem:$0x1DC80] =	vst v63  }
0x131: {  	_ =	swait.ge [sflag:s19], $0x50  }
0x132: {  	[sflag:s19] =	ssyncset.done $0x0  }
0x133: {  	s31 =	simm.s32 $0x400;
	s3 =	simm.s32 $0x200;
	[sflag:s19] =	ssyncadd.s32 $0xFFFFFFB0  }
0x134: {  	[spmem:s1] =	stream.indirect.scatter.add.f32 [tilespmem:s31], [sflag:$0xD], $0x80, s3, s10, $0xb8;
	[tilespmem:$0x1DC80] =	vst v63  }
0x135: {  	_ =	swait.ge [sflag:s21], $0x2800  }
0x136: {  	[sflag:s21] =	ssyncset.done $0x0  }
0x137: {  	[sflag:s21] =	ssyncadd.s32 $0xFFFFD800  }
0x138: {  	_ =	swait.ge [sflag:s22], $0x2800  }
0x139: {  	[sflag:s22] =	ssyncset.done $0x0  }
0x13a: {  	s0 =	rddreg [dreg:$0x1c];
	[sflag:s22] =	ssyncadd.s32 $0xFFFFD800  }
0x13b: {  	[tilespmem:s2], [sflag:$0x1] =	stream.linear.gather [hbm4b:s0+s2], $0x50, $0x38;
	[tilespmem:$0x1DC80] =	vst v63  }
0x13c: {  	s0 =	rddreg [dreg:$0x1e]  }
0x13d: {  	[tilespmem:s3], [sflag:$0x5] =	stream.linear.gather [hbm4b:s0+s2], $0x50, $0x38;
	[tilespmem:$0x1DC80] =	vst v63  }
0x13e: {  	_ =	swait.ge [sflag:s9], $0x50  }
0x13f: {  	[sflag:s9] =	ssyncset.done $0x0  }
0x140: {  	[sflag:s9] =	ssyncadd.s32 $0xFFFFFFB0  }
0x141: {  	[tilespmem:s31], [sflag:$0x9] =	stream.indirect.gather [hbm4b:s25+s10], $0x80, s2, s10, $0xb8;
	[tilespmem:$0x1DC80] =	vst v63  }
0x142: {  	_ =	swait.ge [sflag:s23], $0x50  }
0x143: {  	[sflag:s23] =	ssyncset.done $0x0  }
0x144: {  	[sflag:s23] =	ssyncadd.s32 $0xFFFFFFB0  }
0x145: {  	[spmem:s1] =	stream.indirect.scatter.add.f32 [tilespmem:s13], [sflag:$0xE], $0x80, s6, s10, $0xb8;
	[tilespmem:$0x1DC80] =	vst v63  }
0x146: {  	_ =	swait.ge [sflag:s26], $0x2800  }
0x147: {  	[sflag:s26] =	ssyncset.done $0x0  }
0x148: {  	[sflag:s26] =	ssyncadd.s32 $0xFFFFD800  }
0x149: {  	_ =	swait.ge [sflag:s29], $0x2800  }
0x14a: {  	[sflag:s29] =	ssyncset.done $0x0  }
0x14b: {  	[sflag:s29] =	ssyncadd.s32 $0xFFFFD800  }
0x14c: {  	_ =	swait.ge [sflag:s20], $0x50  }
0x14d: {  	[sflag:s20] =	ssyncset.done $0x0  }
0x14e: {  	[sflag:s20] =	ssyncadd.s32 $0xFFFFFFB0  }
0x14f: {  	[spmem:s1] =	stream.indirect.scatter.add.f32 [tilespmem:s15], [sflag:$0xF], $0x80, s4, s10, $0xb8;
	[tilespmem:$0x1DC80] =	vst v63  }
0x150: {  	_ =	swait.ge [sflag:s30], $0x2800  }
0x151: {  	[sflag:s30] =	ssyncset.done $0x0  }
0x152: {  	[sflag:s30] =	ssyncadd.s32 $0xFFFFD800  }
0x153: {  	_ =	swait.ge [sflag:s28], $0x2800  }
0x154: {  	[sflag:s28] =	ssyncset.done $0x0  }
0x155: {  	[sflag:s28] =	ssyncadd.s32 $0xFFFFD800  }
0x156: {  	_ =	swait.ge [sflag:s8], $0x50  }
0x157: {  	[sflag:s8] =	ssyncset.done $0x0  }
0x158: {  	[sflag:s8] =	ssyncadd.s32 $0xFFFFFFB0  }
0x159: {  	[spmem:s1] =	stream.indirect.scatter.add.f32 [tilespmem:s18], [sflag:$0x10], $0x80, s11, s10, $0xb8;
	[tilespmem:$0x1DC80] =	vst v63  }
0x15a: {  	_ =	swait.ge [sflag:s16], $0x2800  }
0x15b: {  	[sflag:s16] =	ssyncset.done $0x0  }
0x15c: {  	[sflag:s16] =	ssyncadd.s32 $0xFFFFD800  }
0x15d: {  	_ =	swait.ge [sflag:s24], $0x2800  }
0x15e: {  	[sflag:s24] =	ssyncset.done $0x0  }
0x15f: {  	[sflag:s24] =	ssyncadd.s32 $0xFFFFD800  }
0x160: {  	_ =	swait.ge [sflag:s19], $0x50  }
0x161: {  	[sflag:s19] =	ssyncset.done $0x0  }
0x162: {  	[sflag:s19] =	ssyncadd.s32 $0xFFFFFFB0  }
0x163: {  	[spmem:s1] =	stream.indirect.scatter.add.f32 [tilespmem:s31], [sflag:$0xD], $0x80, s3, s10, $0xb8;
	[tilespmem:$0x1DC80] =	vst v63  }
0x164: {  	_ =	swait.ge [sflag:s22], $0x2800  }
0x165: {  	[sflag:s22] =	ssyncset.done $0x0  }
0x166: {  	[sflag:s22] =	ssyncadd.s32 $0xFFFFD800  }
0x167: {  	[bflag:$0x0] =	sbarrier.arrive $0xFFFF  }
0x168: {  	s4 =	sld [smem:$0x7FA]  }
0x169: {  	s11 =	rddreg [dreg:$0x1d]  }
0x16a: {  	s3 =	sld [smem:$0x7F6]  }
0x16b: {  	s0 =	sadd.s32 s11, s4;
	s11 =	sld [smem:$0x7FD];
	_ =	sdelay $0x1  }
0x16c: {  	s31 =	simm.s32 $0x11  }
0x16d: {  	[hbm:s0], [sflag:s11] =	dma.local [spmem:s3], $0x2700  }
0x16e: {  	_ =	swait.ge [sflag:s31], $0x2700  }
0x16f: {  	s3 =	sld [smem:$0x7F7]  }
0x170: {  	[sflag:s31] =	ssyncset.done $0x0  }
0x171: {  	s0 =	sadd.s32 @!p0 $0x27000, s4;
	[sflag:s31] =	ssyncadd.s32 $0xFFFFD900  }
0x172: {  	[hbm:s0], [sflag:s11] =	dma.local @!p0 [spmem:s3], $0x100  }
0x173: {  	s0 =	simm.s32 @!p0 $0x11  }
0x174: {  	_ =	swait.ge @!p0 [sflag:s0], $0x100  }
0x175: {  	s4 =	sld [smem:$0x7F5]  }
0x176: {  	s3 =	sld [smem:$0x7FB];
	_ =	sdelay $0x1  }
0x177: {  	s6 =	sadd.s32 $0x1, s4  }
0x178: {  	p1 =	sne.s32 s6, s3  }
.Ltmp1:
0x179: {  	_ = 	snop;
	(pc) =	sbr.rel @p1 .LBB2_1-.Ltmp1, $3  }
0x17a: {  	_ =	sdelay $0x1  }
0x17b: {  	[sflag:s0] =	ssyncset.done @!p0 $0x0  }
0x17c: {  	[sflag:s0] =	ssyncadd.s32 @!p0 $0xFFFFFF00  }
0x17d: {  	_ =	sfence.sel $0x180000  }
0x17e: {  	[bflag:$0x0] =	sbarrier.arrive $0xFFFF  }
0x17f: {  	_ =	strace $0x9000004A  }
0x180: {  	[bflag:$0x2] =	sbarrier.arrive $0xFFFF  }
0x181: {  	s0 =	rddreg [dreg:$0x3]  }
0x182: {  	s0 =	sadd.s32 @!p0 $0x100000, s0  }
0x183: {  	[sflag:s0] =	ssyncadd.tile.s32 @!p0 $0x1;
	_ =	shalt  }
.Lfunc_end2:
_tile_overlayer_lowered:
.L_overlay_start_2:
0x184: {  	(tag) =	ssettag $0x2  }
0x185: {  	s0 =	rddreg [dreg:$0x0];
	s2 =	stileid.u32  }
0x186: {  	s1 =	rddreg [dreg:$0x1];
	p0 =	sne.s32 s2, $0x0  }
0x187: {  	s3 =	rddreg [dreg:$0x2];
	[bflag:$0x3] =	sbarrier.arrive $0xFFFF;
	s2 =	simm.s32 @!p0 $0x1C11  }
0x188: {  	[timem:s3], [sflag:s2] =	dma.local @!p0 [hbm:s0], s1  }
0x189: {  	s0 =	simm.s32 @!p0 $0x11  }
0x18a: {  	_ =	swait.ge @!p0 [sflag:s0], s1  }
0x18b: {  	s1 =	ssub.s32 @!p0 $0x0, s1;
	[sflag:s0] =	ssyncset.done @!p0 $0x0  }
0x18c: {  	[sflag:s0] =	ssyncadd.s32 @!p0 s1  }
0x18d: {  	[bflag:$0x3] =	sbarrier.arrive $0xFFFF  }
0x18e: {  	_ =	shalt  }

// kernel: kernel.7.cloned.1.call-start
scs
__scs_entry_jumppad:
0x0: {  	(pc) =	sbr.rel $0x88, $3  }
0x1: {  	(tag) =	ssettag $0x0;
	lr =	simm.s32 $0x1  }
0x2: {  	[smem:$0x3F9D] =	sst lr;
	_ =	strace $0xD0000000  }
0x3: {  	_ = 	snop  }
0x4: {  	_ = 	snop  }
0x5: {  	_ = 	snop  }
0x6: {  	_ = 	snop  }
0x7: {  	_ = 	snop  }
__scs_overlays_trampoline_lowered:
0x8: {  	[smem:$0x3FAC] =	sst s0  }
0x9: {  	[smem:$0x3FAD] =	sst s1  }
0xa: {  	[smem:$0x3FAE] =	sst s2  }
0xb: {  	[smem:$0x3FAF] =	sst s3  }
0xc: {  	[smem:$0x3FB0] =	sst s4  }
0xd: {  	[smem:$0x3FB1] =	sst s5  }
0xe: {  	[smem:$0x3FB2] =	sst s6  }
0xf: {  	[smem:$0x3FB3] =	sst s7  }
0x10: {  	[smem:$0x3FB4] =	sst s8  }
0x11: {  	[smem:$0x3FB5] =	sst s9;
	s0 =	simm.s32 @!p0 $0x0  }
0x12: {  	s1 =	sld [smem:$0x3F9B];
	s0 =	simm.s32 @p0 $0x1  }
0x13: {  	[smem:$0x3FB6] =	sst s0;
	s0 =	simm.s32 @!p1 $0x0  }
0x14: {  	s2 =	sld [smem:$0x3F9A];
	s0 =	simm.s32 @p1 $0x1  }
0x15: {  	[smem:$0x3FB7] =	sst s0;
	s0 =	simm.s32 @!p2 $0x0  }
0x16: {  	s3 =	sld [smem:$0x3FDB];
	s0 =	simm.s32 @p2 $0x1  }
0x17: {  	s4 =	simm.s32 $0x1BF5;
	[smem:$0x3FB9] =	sst s0  }
0x18: {  	s0 =	sld [smem:$0x3F9C];
	_ =	swait.ge [sflag:s4], $0x0  }
0x19: {  	s7 =	sld [smem:$0x3F9D]  }
0x1a: {  	s8 =	sadd.s32 $0xFFFFE003, lr  }
0x1b: {  	s9 =	sadd.s32 $0xFFFFFEF7, lr;
	s5 =	simm.s32 $0xFFFFFFFF;
	p2 =	slt.u32 s8, $0xFFFFF086  }
0x1c: {  	p1 =	slt.u32 s9, $0xF7A;
	s5 =	simm.s32 @!p2 $0x0  }
0x1d: {  	s5 =	simm.s32 @p1 $0x1;
	p0 =	seq.s32 s7, s2  }
0x1e: {  	s7 =	smul.u32 @!p0 $0xF7A, s2;
	p2 =	seq.s32 @!p0 s5, $0x0  }
0x1f: {  	s9 =	smul.u32 $0xF7A, s1;
	s8 =	simm.s32 @!p0 $0x1BF5;
	p2 =	por !p2, p0  }
0x20: {  	[sflag:s8] =	ssyncset.s32 @!p0 $0xFFFFF086;
	s6 =	sadd.s32 @!p0 s3, s7;
	s7 =	simm.s32 @!p0 $0x108  }
0x21: {  	s3 =	sadd.s32 s3, s9;
	s6 =	sadd.s32 @!p0 $0x88, s6;
	s7 =	simm.s32 @p2 $0x1082  }
0x22: {  	[simem:s7], [sflag:s8] =	dma.local @!p0 [hbm:s6], $0xF7A  }
0x23: {  	s9 =	sor.u32 $0xD0000000, s2;
	s6 =	simm.s32 $0x108;
	_ =	swait.ge @!p0 [sflag:s8], $0x0  }
0x24: {  	s3 =	sadd.s32 $0x88, s3;
	s6 =	simm.s32 @!p1 $0x1082;
	[sflag:s4] =	ssyncset.s32 $0xFFFFF086  }
0x25: {  	[simem:s6], [sflag:s4] =	dma.local [hbm:s3], $0xF7A  }
0x26: {  	[smem:$0x3F9D] =	sst s1;
	(tag) =	ssettag s2;
	_ =	strace s9  }
0x27: {  	s1 =	sld [smem:$0x3FAD]  }
0x28: {  	s2 =	sld [smem:$0x3FAE]  }
0x29: {  	s4 =	sld [smem:$0x3FB0]  }
0x2a: {  	p0 =	seq.s32 s5, $0x0;
	s5 =	sld [smem:$0x3FB1]  }
0x2b: {  	s6 =	sld [smem:$0x3FB2]  }
0x2c: {  	s7 =	sld [smem:$0x3FB3]  }
0x2d: {  	s3 =	simm.s32 $0x108;
	s8 =	sld [smem:$0x3FB4]  }
0x2e: {  	s3 =	simm.s32 @!p0 $0x1082;
	s9 =	sld [smem:$0x3FB5]  }
0x2f: {  	lr =	sadd.s32 s0, s3;
	s0 =	sld [smem:$0x3FAC]  }
0x30: {  	s3 =	sld [smem:$0x3FAF]  }
0x31: {  	[smem:$0x3FB8] =	sst s10  }
0x32: {  	s10 =	sld [smem:$0x3FB6];
	_ =	sdelay $0x3  }
0x33: {  	p0 =	seq.s32 s10, $0x1;
	s10 =	sld [smem:$0x3FB8];
	_ =	sdelay $0x3  }
0x34: {  	[smem:$0x3FB8] =	sst s10  }
0x35: {  	s10 =	sld [smem:$0x3FB7];
	_ =	sdelay $0x3  }
0x36: {  	p1 =	seq.s32 s10, $0x1;
	s10 =	sld [smem:$0x3FB8];
	_ =	sdelay $0x3  }
0x37: {  	[smem:$0x3FB8] =	sst s10  }
0x38: {  	s10 =	sld [smem:$0x3FB9]  }
0x39: {  	_ = 	snop;
	(pc) =	sbr.ind lr, $3  }
0x3a: {  	_ = 	snop  }
0x3b: {  	_ = 	snop  }
0x3c: {  	p2 =	seq.s32 s10, $0x1;
	s10 =	sld [smem:$0x3FB8]  }
0x3d: {  	_ =	shalt  }
0x3e: {  	_ =	shalt  }
0x3f: {  	_ =	shalt  }
0x40: {  	_ =	shalt  }
0x41: {  	_ =	shalt  }
0x42: {  	_ =	shalt  }
0x43: {  	_ =	shalt  }
0x44: {  	_ =	shalt  }
0x45: {  	_ =	shalt  }
0x46: {  	_ =	shalt  }
0x47: {  	_ =	shalt  }
0x48: {  	_ =	shalt  }
0x49: {  	_ =	shalt  }
0x4a: {  	_ =	shalt  }
0x4b: {  	_ =	shalt  }
0x4c: {  	_ =	shalt  }
0x4d: {  	_ =	shalt  }
0x4e: {  	_ =	shalt  }
0x4f: {  	_ =	shalt  }
0x50: {  	_ =	shalt  }
0x51: {  	_ =	shalt  }
0x52: {  	_ =	shalt  }
0x53: {  	_ =	shalt  }
0x54: {  	_ =	shalt  }
0x55: {  	_ =	shalt  }
0x56: {  	_ =	shalt  }
0x57: {  	_ =	shalt  }
0x58: {  	_ =	shalt  }
0x59: {  	_ =	shalt  }
0x5a: {  	_ =	shalt  }
0x5b: {  	_ =	shalt  }
0x5c: {  	_ =	shalt  }
0x5d: {  	_ =	shalt  }
0x5e: {  	_ =	shalt  }
0x5f: {  	_ =	shalt  }
0x60: {  	_ =	shalt  }
0x61: {  	_ =	shalt  }
0x62: {  	_ =	shalt  }
0x63: {  	_ =	shalt  }
0x64: {  	_ =	shalt  }
0x65: {  	_ =	shalt  }
0x66: {  	_ =	shalt  }
0x67: {  	_ =	shalt  }
0x68: {  	_ =	shalt  }
0x69: {  	_ =	shalt  }
0x6a: {  	_ =	shalt  }
0x6b: {  	_ =	shalt  }
0x6c: {  	_ =	shalt  }
0x6d: {  	_ =	shalt  }
0x6e: {  	_ =	shalt  }
0x6f: {  	_ =	shalt  }
0x70: {  	_ =	shalt  }
0x71: {  	_ =	shalt  }
0x72: {  	_ =	shalt  }
0x73: {  	_ =	shalt  }
0x74: {  	_ =	shalt  }
0x75: {  	_ =	shalt  }
0x76: {  	_ =	shalt  }
0x77: {  	_ =	shalt  }
0x78: {  	_ =	shalt  }
0x79: {  	_ =	shalt  }
0x7a: {  	_ =	shalt  }
0x7b: {  	_ =	shalt  }
0x7c: {  	_ =	shalt  }
0x7d: {  	_ =	shalt  }
0x7e: {  	_ =	shalt  }
0x7f: {  	_ =	shalt  }
0x80: {  	_ =	shalt  }
0x81: {  	_ =	shalt  }
0x82: {  	_ =	shalt  }
0x83: {  	_ =	shalt  }
0x84: {  	_ =	shalt  }
0x85: {  	_ =	shalt  }
0x86: {  	_ =	shalt  }
0x87: {  	_ =	shalt  }
.Lfunc_end0:
.L_simem_size_0:
called_computation_lowered:
.L_overlay_start_0:
0x88: {  	s2 =	sld [smem:$0x3FD9]  }
0x89: {  	s3 =	sld [smem:$0x3FFE];
	_ =	sdelay $0x1  }
0x8a: {  	s1 =	srdreg.scid  }
0x8b: {  	s0 =	sand.u32 $0x1, s1  }
0x8c: {  	s17 =	sshll.u32 s0, $0xA;
	s2 =	sadd.s32 s3, s2  }
0x8d: {  	s2 =	sadd.s32 s2, s17  }
0x8e: {  	[smem:$0x3FC4] =	sst s2  }
0x8f: {  	_ = 	snop  }
0x90: {  	s2 =	sld [smem:$0x3FD0];
	(tm) =	ssettm $0x1  }
0x91: {  	s18 =	sld [smem:$0x3FFB];
	_ =	sdelay $0x3  }
0x92: {  	_ =	strace s18  }
0x93: {  	s3 =	sld [smem:$0x3FFC];
	_ =	sdelay $0x3  }
0x94: {  	_ =	strace s3  }
0x95: {  	s3 =	sld [smem:$0x3FFD];
	_ =	sdelay $0x3  }
0x96: {  	_ =	strace s3  }
0x97: {  	_ =	strace $0x8FFFFFFF  }
0x98: {  	s19 =	sld [smem:$0x3FDB];
	_ =	sdelay $0x1  }
0x99: {  	s4 =	simm.s32 $_scs_section_size  }
0x9a: {  	s5 =	simm.s32 $_size__tile_overlayer_lowered;
	s6 =	simm.s32 $_tile_overlayer_lowered  }
0x9b: {  	s22 =	simm.s32 $0x1BFF;
	s21 =	sshll.u32 s6, $0x1;
	s3 =	sadd.s32 s4, s19  }
0x9c: {  	s7 =	simm.s32 $0x0;
	s20 =	sshll.u32 s5, $0x1;
	s5 =	sadd.s32 s21, s3  }
0x9d: {  	[timem:s7], [sflag:s22] =	dma.local [hbm:s5], s20  }
0x9e: {  	_ =	swait.ge [sflag:s22], s20  }
0x9f: {  	s4 =	ssub.s32 $0x0, s20;
	[sflag:s22] =	ssyncset.done $0x0  }
0xa0: {  	[sflag:s22] =	ssyncadd.s32 s4;
	_ =	sdelay $0x1  }
0xa1: {  	s23 =	simm.s32 $0x1B8B  }
0xa2: {  	_ =	swait.ge [sflag:s23], $0x1  }
0xa3: {  	[sflag:s23] =	ssyncset.done $0x0  }
0xa4: {  	s25 =	simm.s32 $0x1B8E;
	s24 =	sld [smem:$0x3FFE];
	[sflag:s23] =	ssyncadd.s32 $0xFFFFFFFF  }
0xa5: {  	s26 =	simm.s32 $execute0_lowered;
	[smem:$0x3FD2] =	sst s25  }
0xa6: {  	s5 =	sshll.u32 s26, $0x1;
	_ =	strace $0x80000046;
	[dreg:$0x1] =	wrdreg $0xFFFFFFFF  }
0xa7: {  	s28 =	simm.s32 $_size_execute0_lowered;
	s3 =	sadd.s32 s3, s5;
	[dreg:$0x0] =	wrdreg $0x0  }
0xa8: {  	s5 =	sshll.u32 s28, $0x1;
	[dreg:$0x2] =	wrdreg s3  }
0xa9: {  	[dreg:$0x3] =	wrdreg s5  }
0xaa: {  	[dreg:$0x4] =	wrdreg $0xC0  }
0xab: {  	_ =	task [dreg:s7], $0x5FFFF  }
0xac: {  	[dreg:$0x1] =	wrdreg $0xFFFFFFFF  }
0xad: {  	[dreg:$0x0] =	wrdreg $0x60  }
0xae: {  	[dreg:$0x2] =	wrdreg s24  }
0xaf: {  	[dreg:$0x3] =	wrdreg s2  }
0xb0: {  	[dreg:$0x4] =	wrdreg $0xA4000  }
0xb1: {  	[dreg:$0x5] =	wrdreg $0x9  }
0xb2: {  	_ =	task.clear_ibuf [dreg:s7], $0x6FFFF;
	_ =	strace $0x90000046  }
0xb3: {  	s29 =	simm.s32 $0x9;
	_ =	strace $0x80000048  }
0xb4: {  	_ =	swait.ge [sflag:s29], $0x1  }
0xb5: {  	[sflag:s29] =	ssyncadd.s32 $0xFFFFFFFF  }
0xb6: {  	_ =	strace $0x90000048  }
0xb7: {  	_ =	sfence  }
0xb8: {  	s30 =	sld [smem:$0x0];
	_ =	sdelay $0x2  }
0xb9: {  	s31 =	sshll.u32 s1, $0xD;
	s1 =	sshrl.u32 s1, $0x2  }
0xba: {  	s3 =	sand.u32 $0x4000, s31;
	s1 =	sadd.s32 s1, s30  }
0xbb: {  	s0 =	sor.u32 s3, s0;
	s1 =	sshll.u32 s1, $0x11  }
0xbc: {  	s0 =	sor.u32 s1, s0  }
0xbd: {  	s0 =	sadd.s32 $0x8F2B, s0  }
0xbe: {  	[sflag:s0] =	ssyncadd.remote.s32 $0x1  }
0xbf: {  	_ =	sfence.sel $0xFFFF  }
0xc0: {  	[dreg:$0x0] =	wrdreg $0xFFFFFFFF;
	(pc) =	sbr.abs _section_cstart, $3  }
0xc1: {  	[dreg:$0x1] =	wrdreg $0xFFFFFFFF  }
0xc2: {  	_ =	task.clear_ibuf [dreg:s7], $0x2FFFF;
	_ =	strace $0x9FFFFFFF  }
0xc3: {  	(tm) =	ssettm $0x7FFFFFFF  }
tec
execute0_lowered:
.L_overlay_start_1:
0x0: {  	(tag) =	ssettag $0x1  }
0x1: {  	s0 =	rddreg [dreg:$0x0]  }
0x2: {  	s1 =	srdreg.scid;
	s4 =	rddreg [dreg:$0x1]  }
0x3: {  	s3 =	stileid.u32;
	s2 =	simm.s32 $0x0;
	s31 =	simm.s32 $0x11  }
0x4: {  	s29 =	simm.s32 $0xE;
	s5 =	sand.u32 $0x1, s1;
	s1 =	rddreg [dreg:$0x2]  }
0x5: {  	s30 =	simm.s32 $0xC;
	s28 =	simm.s32 $0xF;
	[smem:$0x7FF] =	sst s2  }
0x6: {  	s8 =	sadd.s32 $0xE00, s0;
	s11 =	smul.u32 $0x2710, s3;
	s6 =	sshll.u32 s5, $0x4  }
0x7: {  	s7 =	ssub.s32 $0x2, s5;
	s10 =	smul.u32 $0x27100, s5;
	s6 =	sor.u32 s3, s6  }
0x8: {  	p0 =	sne.s32 s3, $0x0;
	s9 =	sshrl.u32 s7, $0x1;
	s6 =	smul.u32 $0x2710, s6  }
0x9: {  	_ =	strace $0x80000047;
	s5 =	ssub.s32 s7, s9;
	s14 =	sadd.s32 s11, s10  }
0xa: {  	s17 =	sadd.s32 $0x320, s14;
	s9 =	sadd.s32 $0x230, s14;
	s6 =	sshrl.u32 s6, $0x3  }
0xb: {  	s19 =	sshrl.u32 s17, $0x3;
	s9 =	sshrl.u32 s9, $0x3;
	s17 =	smul.u32 $0x4E000, s3  }
0xc: {  	s21 =	sadd.s32 $0xA, s6;
	s22 =	sadd.s32 s4, s6;
	s24 =	sadd.s32 $0x14, s6  }
0xd: {  	s25 =	sadd.s32 $0x1E, s6;
	s20 =	sadd.s32 s19, s8;
	[dreg:$0xc] =	wrdreg s22  }
0xe: {  	s13 =	sadd.s32 $0x28, s6;
	s23 =	sadd.s32 s4, s21;
	[dreg:$0x4] =	wrdreg s20  }
0xf: {  	s16 =	sadd.s32 $0x32, s6;
	s7 =	sadd.s32 s8, s21;
	[dreg:$0xd] =	wrdreg s23  }
0x10: {  	s12 =	sadd.s32 s4, s24;
	s26 =	sadd.s32 s4, s25;
	[dreg:$0xe] =	wrdreg s7  }
0x11: {  	s15 =	sadd.s32 s4, s13;
	s18 =	sadd.s32 s4, s16;
	[dreg:$0xf] =	wrdreg s12  }
0x12: {  	s11 =	sadd.s32 s8, s16;
	s21 =	sadd.s32 $0x2D0, s14;
	[dreg:$0x11] =	wrdreg s26  }
0x13: {  	s16 =	sadd.s32 s8, s6;
	s20 =	sshrl.u32 s17, $0x2;
	[dreg:$0x13] =	wrdreg s15  }
0x14: {  	s17 =	simm.s32 $0x4;
	s7 =	sadd.s32 s8, s24;
	[dreg:$0x15] =	wrdreg s18  }
0x15: {  	s12 =	sadd.s32 s8, s25;
	[dreg:$0x16] =	wrdreg s11;
	s22 =	sshrl.u32 s21, $0x3  }
0x16: {  	s23 =	sadd.s32 $0x3C, s6;
	s25 =	sadd.s32 $0x280, s14;
	[dreg:$0x1b] =	wrdreg s16  }
0x17: {  	s18 =	smul.u32 $0x2700, s3;
	s21 =	sadd.s32 s10, s0;
	[dreg:$0x10] =	wrdreg s7  }
0x18: {  	s3 =	sshll.u32 s3, $0x6;
	[dreg:$0x12] =	wrdreg s12;
	s7 =	sadd.s32 s8, s13  }
0x19: {  	s10 =	simm.s32 $0x50;
	s13 =	sadd.s32 s4, s23;
	[dreg:$0x14] =	wrdreg s7  }
0x1a: {  	s16 =	simm.s32 $0x9;
	s24 =	sadd.s32 s22, s8;
	[dreg:$0x17] =	wrdreg s13  }
0x1b: {  	s12 =	sadd.s32 s8, s23;
	s11 =	sadd.s32 s22, s4;
	[dreg:$0x6] =	wrdreg s24  }
0x1c: {  	s23 =	sadd.s32 $0x59000, s21;
	s21 =	simm.s32 $0xA;
	[dreg:$0x18] =	wrdreg s12  }
0x1d: {  	s7 =	sadd.s32 s19, s4;
	[dreg:$0x7] =	wrdreg s11;
	s12 =	sadd.s32 $0x4CE, s6  }
0x1e: {  	s13 =	sadd.s32 s9, s8;
	s6 =	sadd.s32 $0x4D8, s6;
	[dreg:$0x1d] =	wrdreg s18  }
0x1f: {  	s9 =	sadd.s32 s9, s4;
	s22 =	sadd.s32 s18, s0;
	[smem:$0x7FA] =	sst s23  }
0x20: {  	s11 =	sor.u32 $0x1C11, s3;
	s24 =	smax.u32 s5, $0x1;
	[dreg:$0x5] =	wrdreg s7  }
0x21: {  	s5 =	simm.s32 $0x80;
	s18 =	simm.s32 $0x7C00;
	[dreg:$0xa] =	wrdreg s13  }
0x22: {  	s23 =	simm.s32 $0x6;
	s7 =	sshrl.u32 s25, $0x3;
	[dreg:$0xb] =	wrdreg s9  }
0x23: {  	s14 =	sadd.s32 s4, s12;
	s15 =	sadd.s32 s8, s12;
	[smem:$0x7FB] =	sst s24  }
0x24: {  	s19 =	sadd.s32 s8, s6;
	s25 =	sadd.s32 $0xAC00, s0;
	[smem:$0x7FD] =	sst s11  }
0x25: {  	s0 =	sadd.s32 $0x58E00, s0;
	s9 =	simm.s32 $0x1;
	[dreg:$0x19] =	wrdreg s14  }
0x26: {  	s12 =	simm.s32 $0x2;
	s13 =	simm.s32 $0x2C00;
	[dreg:$0x1a] =	wrdreg s15  }
0x27: {  	s24 =	simm.s32 $0x10;
	s26 =	sadd.s32 s7, s8;
	[dreg:$0x1e] =	wrdreg s19  }
0x28: {  	s7 =	sadd.s32 s7, s4;
	s4 =	sadd.s32 s4, s6;
	[smem:$0x7F9] =	sst s0  }
0x29: {  	s14 =	simm.s32 $0x3;
	s15 =	simm.s32 $0x5400;
	[dreg:$0x8] =	wrdreg s26  }
0x2a: {  	s19 =	simm.s32 $0x5;
	s8 =	simm.s32 $0x8;
	[dreg:$0x9] =	wrdreg s7  }
0x2b: {  	s6 =	simm.s32 $0x0;
	[dreg:$0x1c] =	wrdreg s4;
	s4 =	sadd.s32 s20, s1  }
0x2c: {  	s26 =	sadd.s32 $0x138000, s1;
	s7 =	simm.s32 $0x100;
	[dreg:$0x1f] =	wrdreg s4  }
0x2d: {  	s20 =	simm.s32 $0x7;
	s4 =	sadd.s32 $0x31E00, s22;
	[smem:$0x7FC] =	sst s26  }
0x2e: {  	s22 =	simm.s32 $0xD;
	s26 =	simm.s32 $0xB;
	[smem:$0x7F8] =	sst s4  }
.LBB2_1:
0x2f: {  	[smem:$0x7F5] =	sst s6  }
0x30: {  	s0 =	rddreg [dreg:$0xc]  }
0x31: {  	[tilespmem:s2], [sflag:$0x1] =	stream.linear.gather [hbm4b:s0+s2], $0x50, $0x38;
	[tilespmem:$0x1DC80] =	vst v63  }
0x32: {  	s6 =	rddreg [dreg:$0x1b];
	s3 =	simm.s32 $0x200  }
0x33: {  	[tilespmem:s3], [sflag:$0x5] =	stream.linear.gather [hbm4b:s6+s2], $0x50, $0x38;
	[tilespmem:$0x1DC80] =	vst v63  }
0x34: {  	s3 =	rddreg [dreg:$0xd]  }
0x35: {  	[tilespmem:s5], [sflag:$0x2] =	stream.linear.gather [hbm4b:s3+s2], $0x50, $0x38;
	[tilespmem:$0x1DC80] =	vst v63  }
0x36: {  	s4 =	rddreg [dreg:$0xe];
	s6 =	simm.s32 $0x280  }
0x37: {  	[tilespmem:s6], [sflag:$0x6] =	stream.linear.gather [hbm4b:s4+s2], $0x50, $0x38;
	[tilespmem:$0x1DC80] =	vst v63  }
0x38: {  	s3 =	rddreg [dreg:$0xf]  }
0x39: {  	[tilespmem:s7], [sflag:$0x3] =	stream.linear.gather [hbm4b:s3+s2], $0x50, $0x38;
	[tilespmem:$0x1DC80] =	vst v63  }
0x3a: {  	s4 =	rddreg [dreg:$0x10];
	s6 =	simm.s32 $0x300  }
0x3b: {  	[tilespmem:s6], [sflag:$0x7] =	stream.linear.gather [hbm4b:s4+s2], $0x50, $0x38;
	[tilespmem:$0x1DC80] =	vst v63  }
0x3c: {  	s4 =	rddreg [dreg:$0x11];
	s6 =	simm.s32 $0x180  }
0x3d: {  	[tilespmem:s6], [sflag:$0x4] =	stream.linear.gather [hbm4b:s4+s2], $0x50, $0x38;
	[tilespmem:$0x1DC80] =	vst v63  }
0x3e: {  	s3 =	rddreg [dreg:$0x12];
	s6 =	simm.s32 $0x380  }
0x3f: {  	[tilespmem:s6], [sflag:$0x8] =	stream.linear.gather [hbm4b:s3+s2], $0x50, $0x38;
	[tilespmem:$0x1DC80] =	vst v63  }
0x40: {  	s6 =	rddreg [dreg:$0x1f]  }
0x41: {  	s0 =	sshrl.u32 s6, $0x3;
	s6 =	sld [smem:$0x7F8];
	_ =	sdelay $0x1  }
0x42: {  	[smem:$0x7F6] =	sst s0  }
0x43: {  	[spmem:s0], [sflag:s11] =	dma.local [hbm:s6], $0x2700  }
0x44: {  	_ =	swait.ge [sflag:s31], $0x2700  }
0x45: {  	s0 =	sld [smem:$0x7FC];
	_ =	sdelay $0x2  }
0x46: {  	s3 =	sshrl.u32 @!p0 s0, $0x3;
	s0 =	sld [smem:$0x7F9]  }
0x47: {  	[sflag:s31] =	ssyncset.done $0x0  }
0x48: {  	[sflag:s31] =	ssyncadd.s32 $0xFFFFD900;
	[smem:$0x7F7] =	sst s3  }
0x49: {  	[spmem:s3], [sflag:s11] =	dma.local @!p0 [hbm:s0], $0x100  }
0x4a: {  	s0 =	simm.s32 @!p0 $0x11  }
0x4b: {  	_ =	swait.ge @!p0 [sflag:s0], $0x100  }
0x4c: {  	[sflag:s0] =	ssyncset.done @!p0 $0x0  }
0x4d: {  	[sflag:s0] =	ssyncadd.s32 @!p0 $0xFFFFFF00  }
0x4e: {  	[bflag:$0x0] =	sbarrier.arrive $0xFFFF  }
0x4f: {  	_ =	swait.ge [sflag:s9], $0x50  }
0x50: {  	[sflag:s9] =	ssyncset.done $0x0  }
0x51: {  	s6 =	simm.s32 $0x400;
	[sflag:s9] =	ssyncadd.s32 $0xFFFFFFB0  }
0x52: {  	[tilespmem:s6], [sflag:$0x9] =	stream.indirect.gather [hbm4b:s25+s10], $0x80, s2, s10, $0xb8;
	[tilespmem:$0x1DC80] =	vst v63  }
0x53: {  	_ =	swait.ge [sflag:s12], $0x50  }
0x54: {  	[sflag:s12] =	ssyncset.done $0x0  }
0x55: {  	[sflag:s12] =	ssyncadd.s32 $0xFFFFFFB0  }
0x56: {  	[tilespmem:s13], [sflag:$0xA] =	stream.indirect.gather [hbm4b:s25+s10], $0x80, s5, s10, $0xb8;
	[tilespmem:$0x1DC80] =	vst v63  }
0x57: {  	_ =	swait.ge [sflag:s14], $0x50  }
0x58: {  	[sflag:s14] =	ssyncset.done $0x0  }
0x59: {  	[sflag:s14] =	ssyncadd.s32 $0xFFFFFFB0  }
0x5a: {  	[tilespmem:s15], [sflag:$0xB] =	stream.indirect.gather [hbm4b:s25+s10], $0x80, s7, s10, $0xb8;
	[tilespmem:$0x1DC80] =	vst v63  }
0x5b: {  	_ =	swait.ge [sflag:s16], $0x2800  }
0x5c: {  	[sflag:s16] =	ssyncset.done $0x0  }
0x5d: {  	[sflag:s16] =	ssyncadd.s32 $0xFFFFD800  }
0x5e: {  	_ =	swait.ge [sflag:s17], $0x50  }
0x5f: {  	[sflag:s17] =	ssyncset.done $0x0  }
0x60: {  	s4 =	simm.s32 $0x180;
	[sflag:s17] =	ssyncadd.s32 $0xFFFFFFB0  }
0x61: {  	[tilespmem:s18], [sflag:$0xC] =	stream.indirect.gather [hbm4b:s25+s10], $0x80, s4, s10, $0xb8;
	[tilespmem:$0x1DC80] =	vst v63  }
0x62: {  	_ =	swait.ge [sflag:s19], $0x50  }
0x63: {  	[sflag:s19] =	ssyncset.done $0x0  }
0x64: {  	s3 =	simm.s32 $0x200;
	[sflag:s19] =	ssyncadd.s32 $0xFFFFFFB0  }
0x65: {  	[spmem:s1] =	stream.indirect.scatter.add.f32 [tilespmem:s6], [sflag:$0xD], $0x80, s3, s10, $0xb8;
	[tilespmem:$0x1DC80] =	vst v63  }
0x66: {  	_ =	swait.ge [sflag:s21], $0x2800  }
0x67: {  	[sflag:s21] =	ssyncset.done $0x0  }
0x68: {  	[sflag:s21] =	ssyncadd.s32 $0xFFFFD800  }
0x69: {  	_ =	swait.ge [sflag:s22], $0x2800  }
0x6a: {  	[sflag:s22] =	ssyncset.done $0x0  }
0x6b: {  	s4 =	rddreg [dreg:$0x13];
	[sflag:s22] =	ssyncadd.s32 $0xFFFFD800  }
0x6c: {  	[tilespmem:s2], [sflag:$0x1] =	stream.linear.gather [hbm4b:s4+s2], $0x50, $0x38;
	[tilespmem:$0x1DC80] =	vst v63  }
0x6d: {  	s11 =	rddreg [dreg:$0x14]  }
0x6e: {  	[tilespmem:s3], [sflag:$0x5] =	stream.linear.gather [hbm4b:s11+s2], $0x50, $0x38;
	[tilespmem:$0x1DC80] =	vst v63  }
0x6f: {  	_ =	swait.ge [sflag:s9], $0x50  }
0x70: {  	[sflag:s9] =	ssyncset.done $0x0  }
0x71: {  	[sflag:s9] =	ssyncadd.s32 $0xFFFFFFB0  }
0x72: {  	[tilespmem:s6], [sflag:$0x9] =	stream.indirect.gather [hbm4b:s25+s10], $0x80, s2, s10, $0xb8;
	[tilespmem:$0x1DC80] =	vst v63  }
0x73: {  	_ =	swait.ge [sflag:s23], $0x50  }
0x74: {  	[sflag:s23] =	ssyncset.done $0x0  }
0x75: {  	s11 =	simm.s32 $0x280;
	[sflag:s23] =	ssyncadd.s32 $0xFFFFFFB0  }
0x76: {  	[spmem:s1] =	stream.indirect.scatter.add.f32 [tilespmem:s13], [sflag:$0xE], $0x80, s11, s10, $0xb8;
	[tilespmem:$0x1DC80] =	vst v63  }
0x77: {  	_ =	swait.ge [sflag:s26], $0x2800  }
0x78: {  	[sflag:s26] =	ssyncset.done $0x0  }
0x79: {  	[sflag:s26] =	ssyncadd.s32 $0xFFFFD800  }
0x7a: {  	_ =	swait.ge [sflag:s29], $0x2800  }
0x7b: {  	[sflag:s29] =	ssyncset.done $0x0  }
0x7c: {  	s3 =	rddreg [dreg:$0x15];
	[sflag:s29] =	ssyncadd.s32 $0xFFFFD800  }
0x7d: {  	[tilespmem:s5], [sflag:$0x2] =	stream.linear.gather [hbm4b:s3+s2], $0x50, $0x38;
	[tilespmem:$0x1DC80] =	vst v63  }
0x7e: {  	s4 =	rddreg [dreg:$0x16]  }
0x7f: {  	[tilespmem:s11], [sflag:$0x6] =	stream.linear.gather [hbm4b:s4+s2], $0x50, $0x38;
	[tilespmem:$0x1DC80] =	vst v63  }
0x80: {  	_ =	swait.ge [sflag:s12], $0x50  }
0x81: {  	[sflag:s12] =	ssyncset.done $0x0  }
0x82: {  	[sflag:s12] =	ssyncadd.s32 $0xFFFFFFB0  }
0x83: {  	[tilespmem:s13], [sflag:$0xA] =	stream.indirect.gather [hbm4b:s25+s10], $0x80, s5, s10, $0xb8;
	[tilespmem:$0x1DC80] =	vst v63  }
0x84: {  	_ =	swait.ge [sflag:s20], $0x50  }
0x85: {  	[sflag:s20] =	ssyncset.done $0x0  }
0x86: {  	s11 =	simm.s32 $0x300;
	[sflag:s20] =	ssyncadd.s32 $0xFFFFFFB0  }
0x87: {  	[spmem:s1] =	stream.indirect.scatter.add.f32 [tilespmem:s15], [sflag:$0xF], $0x80, s11, s10, $0xb8;
	[tilespmem:$0x1DC80] =	vst v63  }
0x88: {  	_ =	swait.ge [sflag:s30], $0x2800  }
0x89: {  	[sflag:s30] =	ssyncset.done $0x0  }
0x8a: {  	[sflag:s30] =	ssyncadd.s32 $0xFFFFD800  }
0x8b: {  	_ =	swait.ge [sflag:s28], $0x2800  }
0x8c: {  	[sflag:s28] =	ssyncset.done $0x0  }
0x8d: {  	s3 =	rddreg [dreg:$0x17];
	[sflag:s28] =	ssyncadd.s32 $0xFFFFD800  }
0x8e: {  	[tilespmem:s7], [sflag:$0x3] =	stream.linear.gather [hbm4b:s3+s2], $0x50, $0x38;
	[tilespmem:$0x1DC80] =	vst v63  }
0x8f: {  	s4 =	rddreg [dreg:$0x18]  }
0x90: {  	[tilespmem:s11], [sflag:$0x7] =	stream.linear.gather [hbm4b:s4+s2], $0x50, $0x38;
	[tilespmem:$0x1DC80] =	vst v63  }
0x91: {  	_ =	swait.ge [sflag:s14], $0x50  }
0x92: {  	[sflag:s14] =	ssyncset.done $0x0  }
0x93: {  	[sflag:s14] =	ssyncadd.s32 $0xFFFFFFB0  }
0x94: {  	[tilespmem:s15], [sflag:$0xB] =	stream.indirect.gather [hbm4b:s25+s10], $0x80, s7, s10, $0xb8;
	[tilespmem:$0x1DC80] =	vst v63  }
0x95: {  	_ =	swait.ge [sflag:s8], $0x50  }
0x96: {  	[sflag:s8] =	ssyncset.done $0x0  }
0x97: {  	s4 =	simm.s32 $0x380;
	[sflag:s8] =	ssyncadd.s32 $0xFFFFFFB0  }
0x98: {  	[spmem:s1] =	stream.indirect.scatter.add.f32 [tilespmem:s18], [sflag:$0x10], $0x80, s4, s10, $0xb8;
	[tilespmem:$0x1DC80] =	vst v63  }
0x99: {  	_ =	swait.ge [sflag:s16], $0x2800  }
0x9a: {  	[sflag:s16] =	ssyncset.done $0x0  }
0x9b: {  	[sflag:s16] =	ssyncadd.s32 $0xFFFFD800  }
0x9c: {  	_ =	swait.ge [sflag:s24], $0x2800  }
0x9d: {  	s3 =	rddreg [dreg:$0xb]  }
0x9e: {  	[sflag:s24] =	ssyncset.done $0x0;
	s31 =	rddreg [dreg:$0xa]  }
0x9f: {  	[sflag:s24] =	ssyncadd.s32 $0xFFFFD800;
	s0 =	sadd.s32 $0x0, s3;
	s3 =	simm.s32 $0x180  }
0xa0: {  	[tilespmem:s3], [sflag:$0x4] =	stream.linear.gather [hbm4b:s0+s2], $0x50, $0x38;
	[tilespmem:$0x1DC80] =	vst v63  }
0xa1: {  	s0 =	sadd.s32 $0x0, s31  }
0xa2: {  	[tilespmem:s4], [sflag:$0x8] =	stream.linear.gather [hbm4b:s0+s2], $0x50, $0x38;
	[tilespmem:$0x1DC80] =	vst v63  }
0xa3: {  	_ =	swait.ge [sflag:s17], $0x50  }
0xa4: {  	[sflag:s17] =	ssyncset.done $0x0  }
0xa5: {  	[sflag:s17] =	ssyncadd.s32 $0xFFFFFFB0  }
0xa6: {  	[tilespmem:s18], [sflag:$0xC] =	stream.indirect.gather [hbm4b:s25+s10], $0x80, s3, s10, $0xb8;
	[tilespmem:$0x1DC80] =	vst v63  }
0xa7: {  	_ =	swait.ge [sflag:s19], $0x50  }
0xa8: {  	[sflag:s19] =	ssyncset.done $0x0  }
0xa9: {  	s3 =	simm.s32 $0x200;
	[sflag:s19] =	ssyncadd.s32 $0xFFFFFFB0  }
0xaa: {  	[spmem:s1] =	stream.indirect.scatter.add.f32 [tilespmem:s6], [sflag:$0xD], $0x80, s3, s10, $0xb8;
	[tilespmem:$0x1DC80] =	vst v63  }
0xab: {  	_ =	swait.ge [sflag:s21], $0x2800  }
0xac: {  	[sflag:s21] =	ssyncset.done $0x0  }
0xad: {  	[sflag:s21] =	ssyncadd.s32 $0xFFFFD800  }
0xae: {  	_ =	swait.ge [sflag:s22], $0x2800  }
0xaf: {  	s4 =	rddreg [dreg:$0x9];
	[sflag:s22] =	ssyncset.done $0x0  }
0xb0: {  	s31 =	rddreg [dreg:$0x8];
	[sflag:s22] =	ssyncadd.s32 $0xFFFFD800;
	s0 =	sadd.s32 $0x0, s4  }
0xb1: {  	[tilespmem:s2], [sflag:$0x1] =	stream.linear.gather [hbm4b:s0+s2], $0x50, $0x38;
	[tilespmem:$0x1DC80] =	vst v63  }
0xb2: {  	s4 =	sadd.s32 $0x0, s31  }
0xb3: {  	[tilespmem:s3], [sflag:$0x5] =	stream.linear.gather [hbm4b:s4+s2], $0x50, $0x38;
	[tilespmem:$0x1DC80] =	vst v63  }
0xb4: {  	_ =	swait.ge [sflag:s9], $0x50  }
0xb5: {  	[sflag:s9] =	ssyncset.done $0x0  }
0xb6: {  	[sflag:s9] =	ssyncadd.s32 $0xFFFFFFB0  }
0xb7: {  	[tilespmem:s6], [sflag:$0x9] =	stream.indirect.gather [hbm4b:s25+s10], $0x80, s2, s10, $0xb8;
	[tilespmem:$0x1DC80] =	vst v63  }
0xb8: {  	_ =	swait.ge [sflag:s23], $0x50  }
0xb9: {  	[sflag:s23] =	ssyncset.done $0x0  }
0xba: {  	s3 =	simm.s32 $0x280;
	[sflag:s23] =	ssyncadd.s32 $0xFFFFFFB0  }
0xbb: {  	[spmem:s1] =	stream.indirect.scatter.add.f32 [tilespmem:s13], [sflag:$0xE], $0x80, s3, s10, $0xb8;
	[tilespmem:$0x1DC80] =	vst v63  }
0xbc: {  	_ =	swait.ge [sflag:s26], $0x2800  }
0xbd: {  	[sflag:s26] =	ssyncset.done $0x0  }
0xbe: {  	[sflag:s26] =	ssyncadd.s32 $0xFFFFD800  }
0xbf: {  	_ =	swait.ge [sflag:s29], $0x2800  }
0xc0: {  	s6 =	rddreg [dreg:$0x7];
	[sflag:s29] =	ssyncset.done $0x0  }
0xc1: {  	s31 =	rddreg [dreg:$0x6];
	[sflag:s29] =	ssyncadd.s32 $0xFFFFD800;
	s0 =	sadd.s32 $0x0, s6  }
0xc2: {  	[tilespmem:s5], [sflag:$0x2] =	stream.linear.gather [hbm4b:s0+s2], $0x50, $0x38;
	[tilespmem:$0x1DC80] =	vst v63  }
0xc3: {  	s4 =	sadd.s32 $0x0, s31  }
0xc4: {  	[tilespmem:s3], [sflag:$0x6] =	stream.linear.gather [hbm4b:s4+s2], $0x50, $0x38;
	[tilespmem:$0x1DC80] =	vst v63  }
0xc5: {  	_ =	swait.ge [sflag:s12], $0x50  }
0xc6: {  	[sflag:s12] =	ssyncset.done $0x0  }
0xc7: {  	[sflag:s12] =	ssyncadd.s32 $0xFFFFFFB0  }
0xc8: {  	[tilespmem:s13], [sflag:$0xA] =	stream.indirect.gather [hbm4b:s25+s10], $0x80, s5, s10, $0xb8;
	[tilespmem:$0x1DC80] =	vst v63  }
0xc9: {  	_ =	swait.ge [sflag:s20], $0x50  }
0xca: {  	[sflag:s20] =	ssyncset.done $0x0  }
0xcb: {  	s11 =	simm.s32 $0x300;
	[sflag:s20] =	ssyncadd.s32 $0xFFFFFFB0  }
0xcc: {  	[spmem:s1] =	stream.indirect.scatter.add.f32 [tilespmem:s15], [sflag:$0xF], $0x80, s11, s10, $0xb8;
	[tilespmem:$0x1DC80] =	vst v63  }
0xcd: {  	_ =	swait.ge [sflag:s30], $0x2800  }
0xce: {  	[sflag:s30] =	ssyncset.done $0x0  }
0xcf: {  	[sflag:s30] =	ssyncadd.s32 $0xFFFFD800  }
0xd0: {  	_ =	swait.ge [sflag:s28], $0x2800  }
0xd1: {  	s5 =	rddreg [dreg:$0x5];
	[sflag:s28] =	ssyncset.done $0x0  }
0xd2: {  	s31 =	rddreg [dreg:$0x4];
	[sflag:s28] =	ssyncadd.s32 $0xFFFFD800;
	s0 =	sadd.s32 $0x0, s5  }
0xd3: {  	[tilespmem:s7], [sflag:$0x3] =	stream.linear.gather [hbm4b:s0+s2], $0x50, $0x38;
	[tilespmem:$0x1DC80] =	vst v63  }
0xd4: {  	s6 =	sadd.s32 $0x0, s31  }
0xd5: {  	[tilespmem:s11], [sflag:$0x7] =	stream.linear.gather [hbm4b:s6+s2], $0x50, $0x38;
	[tilespmem:$0x1DC80] =	vst v63  }
0xd6: {  	_ =	swait.ge [sflag:s14], $0x50  }
0xd7: {  	[sflag:s14] =	ssyncset.done $0x0  }
0xd8: {  	[sflag:s14] =	ssyncadd.s32 $0xFFFFFFB0  }
0xd9: {  	[tilespmem:s15], [sflag:$0xB] =	stream.indirect.gather [hbm4b:s25+s10], $0x80, s7, s10, $0xb8;
	[tilespmem:$0x1DC80] =	vst v63  }
0xda: {  	_ =	swait.ge [sflag:s8], $0x50  }
0xdb: {  	[sflag:s8] =	ssyncset.done $0x0  }
0xdc: {  	s31 =	simm.s32 $0x28;
	[sflag:s8] =	ssyncadd.s32 $0xFFFFFFB0  }
.LBB2_2:
0xdd: {  	s6 =	simm.s32 $0x380  }
0xde: {  	[spmem:s1] =	stream.indirect.scatter.add.f32 [tilespmem:s18], [sflag:$0x10], $0x80, s6, s10, $0xb8;
	[tilespmem:$0x1DC80] =	vst v63  }
0xdf: {  	_ =	swait.ge [sflag:s16], $0x2800  }
0xe0: {  	[sflag:s16] =	ssyncset.done $0x0  }
0xe1: {  	[sflag:s16] =	ssyncadd.s32 $0xFFFFD800  }
0xe2: {  	s0 =	smov.u32 s31;
	_ =	swait.ge [sflag:s24], $0x2800  }
0xe3: {  	s5 =	simm.s32 $0x180;
	s3 =	rddreg [dreg:$0xb];
	[sflag:s24] =	ssyncset.done $0x0  }
0xe4: {  	s4 =	rddreg [dreg:$0xa];
	[sflag:s24] =	ssyncadd.s32 $0xFFFFD800;
	s3 =	sadd.s32 s0, s3  }
0xe5: {  	[tilespmem:s5], [sflag:$0x4] =	stream.linear.gather [hbm4b:s3+s2], $0x50, $0x38;
	[tilespmem:$0x1DC80] =	vst v63  }
0xe6: {  	s11 =	sadd.s32 s0, s4  }
0xe7: {  	[tilespmem:s6], [sflag:$0x8] =	stream.linear.gather [hbm4b:s11+s2], $0x50, $0x38;
	[tilespmem:$0x1DC80] =	vst v63  }
0xe8: {  	_ =	swait.ge [sflag:s17], $0x50  }
0xe9: {  	[sflag:s17] =	ssyncset.done $0x0  }
0xea: {  	[sflag:s17] =	ssyncadd.s32 $0xFFFFFFB0  }
0xeb: {  	[tilespmem:s18], [sflag:$0xC] =	stream.indirect.gather [hbm4b:s25+s10], $0x80, s5, s10, $0xb8;
	[tilespmem:$0x1DC80] =	vst v63  }
0xec: {  	_ =	swait.ge [sflag:s19], $0x50  }
0xed: {  	[sflag:s19] =	ssyncset.done $0x0  }
0xee: {  	s6 =	simm.s32 $0x400;
	s5 =	simm.s32 $0x200;
	[sflag:s19] =	ssyncadd.s32 $0xFFFFFFB0  }
0xef: {  	[spmem:s1] =	stream.indirect.scatter.add.f32 [tilespmem:s6], [sflag:$0xD], $0x80, s5, s10, $0xb8;
	[tilespmem:$0x1DC80] =	vst v63  }
0xf0: {  	_ =	swait.ge [sflag:s21], $0x2800  }
0xf1: {  	[sflag:s21] =	ssyncset.done $0x0  }
0xf2: {  	[sflag:s21] =	ssyncadd.s32 $0xFFFFD800  }
0xf3: {  	_ =	swait.ge [sflag:s22], $0x2800  }
0xf4: {  	s4 =	rddreg [dreg:$0x9];
	[sflag:s22] =	ssyncset.done $0x0  }
0xf5: {  	s7 =	rddreg [dreg:$0x8];
	[sflag:s22] =	ssyncadd.s32 $0xFFFFD800;
	s3 =	sadd.s32 s0, s4  }
0xf6: {  	[tilespmem:s2], [sflag:$0x1] =	stream.linear.gather [hbm4b:s3+s2], $0x50, $0x38;
	[tilespmem:$0x1DC80] =	vst v63  }
0xf7: {  	s11 =	sadd.s32 s0, s7  }
0xf8: {  	[tilespmem:s5], [sflag:$0x5] =	stream.linear.gather [hbm4b:s11+s2], $0x50, $0x38;
	[tilespmem:$0x1DC80] =	vst v63  }
0xf9: {  	_ =	swait.ge [sflag:s9], $0x50  }
0xfa: {  	[sflag:s9] =	ssyncset.done $0x0  }
0xfb: {  	[sflag:s9] =	ssyncadd.s32 $0xFFFFFFB0  }
0xfc: {  	[tilespmem:s6], [sflag:$0x9] =	stream.indirect.gather [hbm4b:s25+s10], $0x80, s2, s10, $0xb8;
	[tilespmem:$0x1DC80] =	vst v63  }
0xfd: {  	_ =	swait.ge [sflag:s23], $0x50  }
0xfe: {  	[sflag:s23] =	ssyncset.done $0x0  }
0xff: {  	s7 =	simm.s32 $0x280;
	[sflag:s23] =	ssyncadd.s32 $0xFFFFFFB0  }
0x100: {  	[spmem:s1] =	stream.indirect.scatter.add.f32 [tilespmem:s13], [sflag:$0xE], $0x80, s7, s10, $0xb8;
	[tilespmem:$0x1DC80] =	vst v63  }
0x101: {  	_ =	swait.ge [sflag:s26], $0x2800  }
0x102: {  	[sflag:s26] =	ssyncset.done $0x0  }
0x103: {  	[sflag:s26] =	ssyncadd.s32 $0xFFFFD800  }
0x104: {  	_ =	swait.ge [sflag:s29], $0x2800  }
0x105: {  	s5 =	simm.s32 $0x80;
	s4 =	rddreg [dreg:$0x7];
	[sflag:s29] =	ssyncset.done $0x0  }
0x106: {  	s6 =	rddreg [dreg:$0x6];
	[sflag:s29] =	ssyncadd.s32 $0xFFFFD800;
	s3 =	sadd.s32 s0, s4  }
0x107: {  	[tilespmem:s5], [sflag:$0x2] =	stream.linear.gather [hbm4b:s3+s2], $0x50, $0x38;
	[tilespmem:$0x1DC80] =	vst v63  }
0x108: {  	s11 =	sadd.s32 s0, s6  }
0x109: {  	[tilespmem:s7], [sflag:$0x6] =	stream.linear.gather [hbm4b:s11+s2], $0x50, $0x38;
	[tilespmem:$0x1DC80] =	vst v63  }
0x10a: {  	_ =	swait.ge [sflag:s12], $0x50  }
0x10b: {  	[sflag:s12] =	ssyncset.done $0x0  }
0x10c: {  	[sflag:s12] =	ssyncadd.s32 $0xFFFFFFB0  }
0x10d: {  	[tilespmem:s13], [sflag:$0xA] =	stream.indirect.gather [hbm4b:s25+s10], $0x80, s5, s10, $0xb8;
	[tilespmem:$0x1DC80] =	vst v63  }
0x10e: {  	_ =	swait.ge [sflag:s20], $0x50  }
0x10f: {  	[sflag:s20] =	ssyncset.done $0x0  }
0x110: {  	s11 =	simm.s32 $0x300;
	[sflag:s20] =	ssyncadd.s32 $0xFFFFFFB0  }
0x111: {  	[spmem:s1] =	stream.indirect.scatter.add.f32 [tilespmem:s15], [sflag:$0xF], $0x80, s11, s10, $0xb8;
	[tilespmem:$0x1DC80] =	vst v63  }
0x112: {  	_ =	swait.ge [sflag:s30], $0x2800  }
0x113: {  	[sflag:s30] =	ssyncset.done $0x0  }
0x114: {  	[sflag:s30] =	ssyncadd.s32 $0xFFFFD800  }
0x115: {  	_ =	swait.ge [sflag:s28], $0x2800  }
0x116: {  	s7 =	simm.s32 $0x100;
	s3 =	rddreg [dreg:$0x5];
	[sflag:s28] =	ssyncset.done $0x0  }
0x117: {  	s4 =	rddreg [dreg:$0x4];
	[sflag:s28] =	ssyncadd.s32 $0xFFFFD800;
	s3 =	sadd.s32 s0, s3  }
0x118: {  	[tilespmem:s7], [sflag:$0x3] =	stream.linear.gather [hbm4b:s3+s2], $0x50, $0x38;
	[tilespmem:$0x1DC80] =	vst v63  }
0x119: {  	s0 =	sadd.s32 s0, s4  }
0x11a: {  	[tilespmem:s11], [sflag:$0x7] =	stream.linear.gather [hbm4b:s0+s2], $0x50, $0x38;
	[tilespmem:$0x1DC80] =	vst v63  }
0x11b: {  	_ =	swait.ge [sflag:s14], $0x50  }
0x11c: {  	p1 =	sne.s32 s31, $0x460;
	[sflag:s14] =	ssyncset.done $0x0  }
.Ltmp0:
0x11d: {  	[sflag:s14] =	ssyncadd.s32 $0xFFFFFFB0;
	(pc) =	sbr.rel @p1 .LBB2_2-.Ltmp0, $4  }
0x11e: {  	[tilespmem:s15], [sflag:$0xB] =	stream.indirect.gather [hbm4b:s25+s10], $0x80, s7, s10, $0xb8;
	[tilespmem:$0x1DC80] =	vst v63  }
0x11f: {  	_ =	swait.ge [sflag:s8], $0x50  }
0x120: {  	s31 =	sadd.s32 $0x28, s31;
	[sflag:s8] =	ssyncset.done $0x0  }
0x121: {  	s6 =	simm.s32 $0x280;
	s4 =	simm.s32 $0x300;
	[sflag:s8] =	ssyncadd.s32 $0xFFFFFFB0  }
0x122: {  	s11 =	simm.s32 $0x380  }
0x123: {  	[spmem:s1] =	stream.indirect.scatter.add.f32 [tilespmem:s18], [sflag:$0x10], $0x80, s11, s10, $0xb8;
	[tilespmem:$0x1DC80] =	vst v63  }
0x124: {  	_ =	swait.ge [sflag:s16], $0x2800  }
0x125: {  	[sflag:s16] =	ssyncset.done $0x0  }
0x126: {  	[sflag:s16] =	ssyncadd.s32 $0xFFFFD800  }
0x127: {  	_ =	swait.ge [sflag:s24], $0x2800  }
0x128: {  	[sflag:s24] =	ssyncset.done $0x0  }
0x129: {  	s3 =	simm.s32 $0x180;
	s0 =	rddreg [dreg:$0x19];
	[sflag:s24] =	ssyncadd.s32 $0xFFFFD800  }
0x12a: {  	[tilespmem:s3], [sflag:$0x4] =	stream.linear.gather [hbm4b:s0+s2], $0x50, $0x38;
	[tilespmem:$0x1DC80] =	vst v63  }
0x12b: {  	s0 =	rddreg [dreg:$0x1a]  }
0x12c: {  	[tilespmem:s11], [sflag:$0x8] =	stream.linear.gather [hbm4b:s0+s2], $0x50, $0x38;
	[tilespmem:$0x1DC80] =	vst v63  }
0x12d: {  	_ =	swait.ge [sflag:s17], $0x50  }
0x12e: {  	[sflag:s17] =	ssyncset.done $0x0  }
0x12f: {  	[sflag:s17] =	ssyncadd.s32 $0xFFFFFFB0  }
0x130: {  	[tilespmem:s18], [sflag:$0xC] =	stream.indirect.gather [hbm4b:s25+s10], $0x80, s3, s10, $0xb8;
	[tilespmem:$0x1DC80] =	vst v63  }
0x131: {  	_ =	swait.ge [sflag:s19], $0x50  }
0x132: {  	[sflag:s19] =	ssyncset.done $0x0  }
0x133: {  	s31 =	simm.s32 $0x400;
	s3 =	simm.s32 $0x200;
	[sflag:s19] =	ssyncadd.s32 $0xFFFFFFB0  }
0x134: {  	[spmem:s1] =	stream.indirect.scatter.add.f32 [tilespmem:s31], [sflag:$0xD], $0x80, s3, s10, $0xb8;
	[tilespmem:$0x1DC80] =	vst v63  }
0x135: {  	_ =	swait.ge [sflag:s21], $0x2800  }
0x136: {  	[sflag:s21] =	ssyncset.done $0x0  }
0x137: {  	[sflag:s21] =	ssyncadd.s32 $0xFFFFD800  }
0x138: {  	_ =	swait.ge [sflag:s22], $0x2800  }
0x139: {  	[sflag:s22] =	ssyncset.done $0x0  }
0x13a: {  	s0 =	rddreg [dreg:$0x1c];
	[sflag:s22] =	ssyncadd.s32 $0xFFFFD800  }
0x13b: {  	[tilespmem:s2], [sflag:$0x1] =	stream.linear.gather [hbm4b:s0+s2], $0x50, $0x38;
	[tilespmem:$0x1DC80] =	vst v63  }
0x13c: {  	s0 =	rddreg [dreg:$0x1e]  }
0x13d: {  	[tilespmem:s3], [sflag:$0x5] =	stream.linear.gather [hbm4b:s0+s2], $0x50, $0x38;
	[tilespmem:$0x1DC80] =	vst v63  }
0x13e: {  	_ =	swait.ge [sflag:s9], $0x50  }
0x13f: {  	[sflag:s9] =	ssyncset.done $0x0  }
0x140: {  	[sflag:s9] =	ssyncadd.s32 $0xFFFFFFB0  }
0x141: {  	[tilespmem:s31], [sflag:$0x9] =	stream.indirect.gather [hbm4b:s25+s10], $0x80, s2, s10, $0xb8;
	[tilespmem:$0x1DC80] =	vst v63  }
0x142: {  	_ =	swait.ge [sflag:s23], $0x50  }
0x143: {  	[sflag:s23] =	ssyncset.done $0x0  }
0x144: {  	[sflag:s23] =	ssyncadd.s32 $0xFFFFFFB0  }
0x145: {  	[spmem:s1] =	stream.indirect.scatter.add.f32 [tilespmem:s13], [sflag:$0xE], $0x80, s6, s10, $0xb8;
	[tilespmem:$0x1DC80] =	vst v63  }
0x146: {  	_ =	swait.ge [sflag:s26], $0x2800  }
0x147: {  	[sflag:s26] =	ssyncset.done $0x0  }
0x148: {  	[sflag:s26] =	ssyncadd.s32 $0xFFFFD800  }
0x149: {  	_ =	swait.ge [sflag:s29], $0x2800  }
0x14a: {  	[sflag:s29] =	ssyncset.done $0x0  }
0x14b: {  	[sflag:s29] =	ssyncadd.s32 $0xFFFFD800  }
0x14c: {  	_ =	swait.ge [sflag:s20], $0x50  }
0x14d: {  	[sflag:s20] =	ssyncset.done $0x0  }
0x14e: {  	[sflag:s20] =	ssyncadd.s32 $0xFFFFFFB0  }
0x14f: {  	[spmem:s1] =	stream.indirect.scatter.add.f32 [tilespmem:s15], [sflag:$0xF], $0x80, s4, s10, $0xb8;
	[tilespmem:$0x1DC80] =	vst v63  }
0x150: {  	_ =	swait.ge [sflag:s30], $0x2800  }
0x151: {  	[sflag:s30] =	ssyncset.done $0x0  }
0x152: {  	[sflag:s30] =	ssyncadd.s32 $0xFFFFD800  }
0x153: {  	_ =	swait.ge [sflag:s28], $0x2800  }
0x154: {  	[sflag:s28] =	ssyncset.done $0x0  }
0x155: {  	[sflag:s28] =	ssyncadd.s32 $0xFFFFD800  }
0x156: {  	_ =	swait.ge [sflag:s8], $0x50  }
0x157: {  	[sflag:s8] =	ssyncset.done $0x0  }
0x158: {  	[sflag:s8] =	ssyncadd.s32 $0xFFFFFFB0  }
0x159: {  	[spmem:s1] =	stream.indirect.scatter.add.f32 [tilespmem:s18], [sflag:$0x10], $0x80, s11, s10, $0xb8;
	[tilespmem:$0x1DC80] =	vst v63  }
0x15a: {  	_ =	swait.ge [sflag:s16], $0x2800  }
0x15b: {  	[sflag:s16] =	ssyncset.done $0x0  }
0x15c: {  	[sflag:s16] =	ssyncadd.s32 $0xFFFFD800  }
0x15d: {  	_ =	swait.ge [sflag:s24], $0x2800  }
0x15e: {  	[sflag:s24] =	ssyncset.done $0x0  }
0x15f: {  	[sflag:s24] =	ssyncadd.s32 $0xFFFFD800  }
0x160: {  	_ =	swait.ge [sflag:s19], $0x50  }
0x161: {  	[sflag:s19] =	ssyncset.done $0x0  }
0x162: {  	[sflag:s19] =	ssyncadd.s32 $0xFFFFFFB0  }
0x163: {  	[spmem:s1] =	stream.indirect.scatter.add.f32 [tilespmem:s31], [sflag:$0xD], $0x80, s3, s10, $0xb8;
	[tilespmem:$0x1DC80] =	vst v63  }
0x164: {  	_ =	swait.ge [sflag:s22], $0x2800  }
0x165: {  	[sflag:s22] =	ssyncset.done $0x0  }
0x166: {  	[sflag:s22] =	ssyncadd.s32 $0xFFFFD800  }
0x167: {  	[bflag:$0x0] =	sbarrier.arrive $0xFFFF  }
0x168: {  	s4 =	sld [smem:$0x7FA]  }
0x169: {  	s11 =	rddreg [dreg:$0x1d]  }
0x16a: {  	s3 =	sld [smem:$0x7F6]  }
0x16b: {  	s0 =	sadd.s32 s11, s4;
	s11 =	sld [smem:$0x7FD];
	_ =	sdelay $0x1  }
0x16c: {  	s31 =	simm.s32 $0x11  }
0x16d: {  	[hbm:s0], [sflag:s11] =	dma.local [spmem:s3], $0x2700  }
0x16e: {  	_ =	swait.ge [sflag:s31], $0x2700  }
0x16f: {  	s3 =	sld [smem:$0x7F7]  }
0x170: {  	[sflag:s31] =	ssyncset.done $0x0  }
0x171: {  	s0 =	sadd.s32 @!p0 $0x27000, s4;
	[sflag:s31] =	ssyncadd.s32 $0xFFFFD900  }
0x172: {  	[hbm:s0], [sflag:s11] =	dma.local @!p0 [spmem:s3], $0x100  }
0x173: {  	s0 =	simm.s32 @!p0 $0x11  }
0x174: {  	_ =	swait.ge @!p0 [sflag:s0], $0x100  }
0x175: {  	s4 =	sld [smem:$0x7F5]  }
0x176: {  	s3 =	sld [smem:$0x7FB];
	_ =	sdelay $0x1  }
0x177: {  	s6 =	sadd.s32 $0x1, s4  }
0x178: {  	p1 =	sne.s32 s6, s3  }
.Ltmp1:
0x179: {  	_ = 	snop;
	(pc) =	sbr.rel @p1 .LBB2_1-.Ltmp1, $3  }
0x17a: {  	_ =	sdelay $0x1  }
0x17b: {  	[sflag:s0] =	ssyncset.done @!p0 $0x0  }
0x17c: {  	[sflag:s0] =	ssyncadd.s32 @!p0 $0xFFFFFF00  }
0x17d: {  	_ =	sfence.sel $0x180000  }
0x17e: {  	[bflag:$0x0] =	sbarrier.arrive $0xFFFF  }
0x17f: {  	_ =	strace $0x90000047  }
0x180: {  	[bflag:$0x2] =	sbarrier.arrive $0xFFFF  }
0x181: {  	s0 =	rddreg [dreg:$0x3]  }
0x182: {  	s0 =	sadd.s32 @!p0 $0x100000, s0  }
0x183: {  	[sflag:s0] =	ssyncadd.tile.s32 @!p0 $0x1;
	_ =	shalt  }
.Lfunc_end2:
_tile_overlayer_lowered:
.L_overlay_start_2:
0x184: {  	(tag) =	ssettag $0x2  }
0x185: {  	s0 =	rddreg [dreg:$0x0];
	s2 =	stileid.u32  }
0x186: {  	s1 =	rddreg [dreg:$0x1];
	p0 =	sne.s32 s2, $0x0  }
0x187: {  	s3 =	rddreg [dreg:$0x2];
	[bflag:$0x3] =	sbarrier.arrive $0xFFFF;
	s2 =	simm.s32 @!p0 $0x1C11  }
0x188: {  	[timem:s3], [sflag:s2] =	dma.local @!p0 [hbm:s0], s1  }
0x189: {  	s0 =	simm.s32 @!p0 $0x11  }
0x18a: {  	_ =	swait.ge @!p0 [sflag:s0], s1  }
0x18b: {  	s1 =	ssub.s32 @!p0 $0x0, s1;
	[sflag:s0] =	ssyncset.done @!p0 $0x0  }
0x18c: {  	[sflag:s0] =	ssyncadd.s32 @!p0 s1  }
0x18d: {  	[bflag:$0x3] =	sbarrier.arrive $0xFFFF  }
0x18e: {  	_ =	shalt  }

</sc_bundles>
